<compile_context>
chip_gen: v7x
topology: tpu7x:2x2x1
jax: 0.10.2.dev20260603
libtpu: 0.0.44.dev20260713+nightly
codegen_flags: <defaults>
</compile_context>

<pallas_src>
import functools

import jax
import jax.numpy as jnp
from jax import lax
from jax.experimental import pallas as pl
from jax.experimental.pallas import tpu as pltpu
from jax.experimental.pallas import tpu_sc as plsc

NC = 2
NS = 16
LANES = 16

N_PAD = 10240


def _sc_mesh():
    return plsc.VectorSubcoreMesh(
        core_axis_name="c", subcore_axis_name="s", num_cores=NC, num_subcores=NS
    )


def _sc_deg(ei, dst_off):
    E = ei.shape[0] // 2
    NW = NC * NS
    per_tile = E // NW
    n_chunks = per_tile // 128
    tail = per_tile - n_chunks * 128

    @functools.partial(
        pl.kernel,
        out_type=jax.ShapeDtypeStruct((NW, N_PAD), jnp.float32),
        mesh=_sc_mesh(),
        scratch_types=[
            pltpu.VMEM((N_PAD,), jnp.float32),
            pltpu.VMEM((128,), jnp.int32),
            pltpu.VMEM((128,), jnp.int32),
            pltpu.SemaphoreType.DMA,
            pltpu.SemaphoreType.DMA,
        ],
        compiler_params=pltpu.CompilerParams(needs_layout_passes=False),
    )
    def deg_kernel(ei_hbm, out_hbm, degv, idx0, idx1, sem0, sem1):
        c = lax.axis_index("c")
        s = lax.axis_index("s")
        wid = s * NC + c
        base = dst_off + wid * per_tile
        slots = ((idx0, sem0), (idx1, sem1))

        def issue(k, sl):
            buf, sem = sl
            pltpu.async_copy(ei_hbm.at[pl.ds(base + k * 128, 128)], buf, sem)

        def wait(sl):
            buf, sem = sl
            pltpu.make_async_copy(ei_hbm.at[pl.ds(base, 128)], buf, sem).wait()

        issue(0, slots[0])
        issue(1, slots[1])

        zeros = jnp.zeros((LANES,), jnp.float32)

        def zbody(i, carry):
            degv[pl.ds(i * LANES, LANES)] = zeros
            return carry

        lax.fori_loop(0, N_PAD // LANES, zbody, 0)

        ones = jnp.ones((LANES,), jnp.float32)

        def count(buf):
            for j in range(128 // LANES):
                idx = buf[pl.ds(j * LANES, LANES)]
                plsc.addupdate_scatter(degv, [idx], ones)

        def pair_body(g, carry):
            k0 = 2 * g
            wait(slots[0])
            count(idx0)

            @pl.when(k0 + 2 < n_chunks)
            def _():
                issue(k0 + 2, slots[0])

            wait(slots[1])
            count(idx1)

            @pl.when(k0 + 3 < n_chunks)
            def _():
                issue(k0 + 3, slots[1])

            return carry

        lax.fori_loop(0, n_chunks // 2, pair_body, 0)

        if n_chunks % 2:
            wait(slots[0])
            count(idx0)

        if tail:
            pltpu.sync_copy(
                ei_hbm.at[pl.ds(base + per_tile - LANES, LANES)], idx1.at[pl.ds(0, LANES)]
            )
            idx = idx1[pl.ds(0, LANES)]
            mask = lax.broadcasted_iota(jnp.int32, (LANES,), 0) >= (LANES - tail)
            plsc.addupdate_scatter(degv, [idx], ones, mask=mask)

        pltpu.sync_copy(degv, out_hbm.at[wid])

    return deg_kernel(ei)


def _sc_agg(t_a, t_b, seed_a, seed_b, ei, edges_per_core, core_stride):
    N = t_a.shape[0]
    row = tuple(t_a.shape[1:])
    dt = t_a.dtype
    E = ei.shape[0] // 2
    per_tile = edges_per_core // NS
    n_chunks = per_tile // 128
    rem = per_tile - n_chunks * 128
    dup = 16 - rem if rem else 0
    rows_per_tile = N // NS

    @functools.partial(
        pl.kernel,
        out_type=(
            jax.ShapeDtypeStruct((N,) + row, dt),
            jax.ShapeDtypeStruct((N,) + row, dt),
        ),
        mesh=_sc_mesh(),
        scratch_types=[
            pltpu.VMEM_SHARED((N,) + row, dt),
            pltpu.VMEM((128,), jnp.int32),
            pltpu.VMEM((128,), jnp.int32),
            pltpu.VMEM((128,), jnp.int32),
            pltpu.VMEM((128,), jnp.int32),
            pltpu.VMEM((16,), jnp.int32),
            pltpu.VMEM((16,), jnp.int32),
            pltpu.VMEM((128,) + row, dt),
            pltpu.VMEM((128,) + row, dt),
            pltpu.VMEM((16,) + row, dt),
            pltpu.SemaphoreType.DMA,
            pltpu.SemaphoreType.DMA,
            pltpu.SemaphoreType.DMA,
            pltpu.SemaphoreType.DMA,
            pltpu.SemaphoreType.DMA,
            pltpu.SemaphoreType.DMA,
            pltpu.SemaphoreType.DMA,
            pltpu.SemaphoreType.DMA,
            pltpu.SemaphoreType.DMA,
        ],
    )
    def agg_kernel(
        ta_hbm, tb_hbm, sa_hbm, sb_hbm, ei_hbm, outa_hbm, outb_hbm,
        acc, is0, is1, id0, id1, idxs_t, idxd_t,
        rows0, rows1, rows_t,
        xsem0, ysem0, gsem0, ssem0, xsem1, ysem1, gsem1, ssem1, tsem,
    ):
        c = lax.axis_index("c")
        s = lax.axis_index("s")
        rbase = s * rows_per_tile

        def run(t_hbm, seed_hbm, out_hbm):
            base = c * core_stride + s * per_tile
            slots = ((is0, id0, rows0, xsem0, ysem0, gsem0, ssem0),
                     (is1, id1, rows1, xsem1, ysem1, gsem1, ssem1))

            def issue_idx(k, sl):
                isb, idb, _, xsem, ysem, _, _ = sl
                off = base + k * 128
                pltpu.async_copy(ei_hbm.at[pl.ds(off, 128)], isb, xsem)
                pltpu.async_copy(ei_hbm.at[pl.ds(E + off, 128)], idb, ysem)

            def wait_idx(sl):
                isb, idb, _, xsem, ysem, _, _ = sl
                pltpu.make_async_copy(ei_hbm.at[pl.ds(base, 128)], isb, xsem).wait()
                pltpu.make_async_copy(ei_hbm.at[pl.ds(base, 128)], idb, ysem).wait()

            def issue_gather(sl):
                isb, _, rws, _, _, gsem, _ = sl
                pltpu.async_copy(t_hbm.at[isb], rws, gsem)

            def wait_gather(sl):
                isb, _, rws, _, _, gsem, _ = sl
                pltpu.make_async_copy(t_hbm.at[isb], rws, gsem).wait()

            def issue_scatter(sl):
                _, idb, rws, _, _, _, ssem = sl
                pltpu.async_copy(rws, acc.at[idb], ssem, add=True)

            def wait_scatter(sl):
                _, idb, rws, _, _, _, ssem = sl
                pltpu.make_async_copy(rws, acc.at[idb], ssem).wait()

            issue_idx(0, slots[0])
            issue_idx(1, slots[1])
            pltpu.sync_copy(
                seed_hbm.at[pl.ds(rbase, rows_per_tile)],
                acc.at[pl.ds(rbase, rows_per_tile)],
            )
            wait_idx(slots[0])
            issue_gather(slots[0])
            plsc.subcore_barrier()

            def pair_body(g, carry):
                k0 = 2 * g
                s0, s1 = slots
                wait_gather(s0)
                issue_scatter(s0)
                wait_idx(s1)
                issue_gather(s1)
                wait_scatter(s0)

                @pl.when(k0 + 2 < n_chunks)
                def _():
                    issue_idx(k0 + 2, s0)

                wait_gather(s1)
                issue_scatter(s1)

                @pl.when(k0 + 2 < n_chunks)
                def _():
                    wait_idx(s0)
                    issue_gather(s0)

                wait_scatter(s1)

                @pl.when(k0 + 3 < n_chunks)
                def _():
                    issue_idx(k0 + 3, s1)

                return carry

            lax.fori_loop(0, n_chunks // 2, pair_body, 0)

            if n_chunks % 2:
                wait_gather(slots[0])
                issue_scatter(slots[0])
                wait_scatter(slots[0])

            if rem:
                off = base + per_tile - 16
                pltpu.sync_copy(ei_hbm.at[pl.ds(off, 16)], idxs_t)
                pltpu.sync_copy(ei_hbm.at[pl.ds(E + off, 16)], idxd_t)
                if dup:
                    lane = lax.broadcasted_iota(jnp.int32, (16,), 0)
                    idxd_t[...] = jnp.where(lane < dup, 10000 + lane, idxd_t[...])
                pltpu.async_copy(t_hbm.at[idxs_t], rows_t, tsem).wait()
                pltpu.sync_copy(rows_t, acc.at[idxd_t], add=True)

            plsc.subcore_barrier()
            pltpu.sync_copy(
                acc.at[pl.ds(rbase, rows_per_tile)],
                out_hbm.at[pl.ds(rbase, rows_per_tile)],
            )

        @pl.when(c == 0)
        def _():
            run(ta_hbm, sa_hbm, outa_hbm)

        @pl.when(c == 1)
        def _():
            run(tb_hbm, sb_hbm, outb_hbm)

    return agg_kernel(t_a, t_b, seed_a, seed_b, ei)


def _tc_xw(x, W_enc):
    N, IN = x.shape
    HID = W_enc.shape[1]
    BM = 2000

    def body(x_ref, w_ref, o_ref):
        o_ref[...] = jnp.dot(x_ref[...], w_ref[...], preferred_element_type=jnp.float32)

    return pl.pallas_call(
        body,
        grid=(N // BM,),
        in_specs=[
            pl.BlockSpec((BM, IN), lambda m: (m, 0)),
            pl.BlockSpec((IN, HID), lambda m: (0, 0)),
        ],
        out_specs=pl.BlockSpec((BM, HID), lambda m: (m, 0)),
        out_shape=jax.ShapeDtypeStruct((N_PAD, HID), jnp.float32),
    )(x, W_enc)


def _tc_scale(parts, xw):
    NW, NP = parts.shape
    HID = xw.shape[1]
    BM = 2048

    def body(p_ref, xw_ref, t_ref, d_ref):
        ssum = jnp.sum(p_ref[...], axis=0, keepdims=True)
        d = lax.rsqrt(1.0 + ssum)
        i = lax.broadcasted_iota(jnp.int32, (128, 128), 0)
        j = lax.broadcasted_iota(jnp.int32, (128, 128), 1)
        eye = (i == j).astype(jnp.float32)
        for q in range(BM // 128):
            dq = d[:, q * 128 : (q + 1) * 128]
            d_ref[pl.ds(q * 128, 128), :] = lax.dot_general(
                eye, dq, (((1,), (1,)), ((), ())), preferred_element_type=jnp.float32
            )
        t_ref[...] = xw_ref[...] * d_ref[...]

    return pl.pallas_call(
        body,
        grid=(NP // BM,),
        in_specs=[
            pl.BlockSpec((NW, BM), lambda m: (0, m)),
            pl.BlockSpec((BM, HID), lambda m: (m, 0)),
        ],
        out_specs=[
            pl.BlockSpec((BM, HID), lambda m: (m, 0)),
            pl.BlockSpec((BM, 1), lambda m: (m, 0)),
        ],
        out_shape=[
            jax.ShapeDtypeStruct((NP, HID), jnp.float32),
            jax.ShapeDtypeStruct((NP, 1), jnp.float32),
        ],
    )(parts, xw)


def _tc_mid(g_a, g_b, dinv, b_enc, W_dec):
    _, HID = g_a.shape
    N = 10000
    OUT = W_dec.shape[1]
    BM = 2000

    O2 = OUT // 2

    def body(ga_ref, gb_ref, d_ref, b_ref, w_ref, oa_ref, ob_ref):
        agg = ga_ref[...] + gb_ref[...]
        d = d_ref[...]
        h = jnp.maximum(agg * d + b_ref[...], 0.0)
        hw = jnp.dot(h, w_ref[...], preferred_element_type=jnp.float32)
        t = hw * d
        oa_ref[...] = t[:, :O2]
        ob_ref[...] = t[:, O2:]

    return pl.pallas_call(
        body,
        grid=(N // BM,),
        in_specs=[
            pl.BlockSpec((BM, HID), lambda m: (m, 0)),
            pl.BlockSpec((BM, HID), lambda m: (m, 0)),
            pl.BlockSpec((BM, 1), lambda m: (m, 0)),
            pl.BlockSpec((1, HID), lambda m: (0, 0)),
            pl.BlockSpec((HID, OUT), lambda m: (0, 0)),
        ],
        out_specs=[
            pl.BlockSpec((BM, O2), lambda m: (m, 0)),
            pl.BlockSpec((BM, O2), lambda m: (m, 0)),
        ],
        out_shape=[
            jax.ShapeDtypeStruct((N_PAD, O2), jnp.float32),
            jax.ShapeDtypeStruct((N_PAD, O2), jnp.float32),
        ],
    )(g_a, g_b, dinv, b_enc, W_dec)


def _tc_out(g_a, g_b, dinv, b_dec):
    _, O2 = g_a.shape
    N = 10000
    OUT = 2 * O2
    BM = 2000

    def body(ga_ref, gb_ref, d_ref, b_ref, o_ref):
        agg = jnp.concatenate([ga_ref[...], gb_ref[...]], axis=1)
        o_ref[...] = agg * d_ref[...] + b_ref[...]

    return pl.pallas_call(
        body,
        grid=(N // BM,),
        in_specs=[
            pl.BlockSpec((BM, O2), lambda m: (m, 0)),
            pl.BlockSpec((BM, O2), lambda m: (m, 0)),
            pl.BlockSpec((BM, 1), lambda m: (m, 0)),
            pl.BlockSpec((1, OUT), lambda m: (0, 0)),
        ],
        out_specs=pl.BlockSpec((BM, OUT), lambda m: (m, 0)),
        out_shape=jax.ShapeDtypeStruct((N, OUT), jnp.float32),
    )(g_a, g_b, dinv, b_dec)


def kernel(x, edge_index, W_enc, b_enc, W_dec, b_dec):
    E = edge_index.shape[1]
    ei = edge_index.astype(jnp.int32).reshape(-1)

    parts = _sc_deg(ei, E)
    xw = _tc_xw(x, W_enc)
    t1, dinv = _tc_scale(parts, xw)
    zeros = jnp.zeros_like(t1)
    g1a, g1b = _sc_agg(t1, t1, t1, zeros, ei, E // 2, E // 2)
    t2a, t2b = _tc_mid(g1a, g1b, dinv, b_enc.reshape(1, -1), W_dec)
    g2a, g2b = _sc_agg(t2a, t2b, t2a, t2b, ei, E, 0)
    return _tc_out(g2a, g2b, dinv, b_dec.reshape(1, -1))

# --- scband reference (transcript-rebuilt; emitter-appended) ---
"""Pipeline reference for scband-graph-autoencoder-29308856828068 (READ-ONLY COPY).

The authoritative reference and input builder live on the scoring server;
editing this copy changes nothing except your own understanding.
"""

import jax, jax.numpy as jnp
import numpy as np

N_NODES = 10000
IN_CH = 256
HID_CH = 128
N_EDGES = 160000


def setup_inputs(seed: int = 0) -> dict:
    key = jax.random.key(seed)
    k1, k2, k3, k4, k5, k6 = jax.random.split(key, 6)
    x = jax.random.normal(k1, (N_NODES, IN_CH), dtype=jnp.float32)
    edge_index = jax.random.randint(k2, (2, N_EDGES), 0, N_NODES, dtype=jnp.int64)
    # Glorot-style init like PyG GCNConv linear layers
    W_enc = jax.random.normal(k3, (IN_CH, HID_CH), dtype=jnp.float32) * (1.0 / np.sqrt(IN_CH))
    b_enc = jnp.zeros((HID_CH,), dtype=jnp.float32)
    W_dec = jax.random.normal(k4, (HID_CH, IN_CH), dtype=jnp.float32) * (1.0 / np.sqrt(HID_CH))
    b_dec = jnp.zeros((IN_CH,), dtype=jnp.float32)
    return {"x": x, "edge_index": edge_index, "W_enc": W_enc, "b_enc": b_enc, "W_dec": W_dec, "b_dec": b_dec}


def gcn_conv(x, src, dst, W, b, num_nodes):
    # PyG GCNConv: x -> linear, symmetric normalization with self-loops, scatter-add aggregation
    xw = x @ W
    deg = jnp.zeros((num_nodes,), dtype=xw.dtype).at[dst].add(1.0)
    deg_inv_sqrt = jnp.where(deg > 0, jax.lax.rsqrt(jnp.maximum(deg, 1e-12)), 0.0)
    norm = deg_inv_sqrt[src] * deg_inv_sqrt[dst]
    msgs = xw[src] * norm[:, None]
    out = jnp.zeros((num_nodes, xw.shape[1]), dtype=xw.dtype).at[dst].add(msgs)
    return out + b


def reference(x, edge_index, W_enc, b_enc, W_dec, b_dec):
    num_nodes = x.shape[0]
    # add self-loops (shared by both conv layers)
    loop = jnp.arange(num_nodes, dtype=edge_index.dtype)
    src = jnp.concatenate([edge_index[0], loop])
    dst = jnp.concatenate([edge_index[1], loop])
    h = gcn_conv(x, src, dst, W_enc, b_enc, num_nodes)
    h = jax.nn.relu(h)
    out = gcn_conv(h, src, dst, W_dec, b_dec, num_nodes)
    return out

if __name__ == "__main__":
    import jax
    _d = setup_inputs()
    print(jax.jit(kernel)(*tuple(_d.values())))

</pallas_src>

<mosaic_0001>
#map = affine_map<(d0, d1) -> (0)>
#map1 = affine_map<(d0, d1) -> (0, 0)>
module attributes {stable_mosaic.version = 14 : i64} {
  func.func @deg_kernel(%arg0: i32, %arg1: i32, %arg2: memref<320000xi32, #tpu.memory_space<hbm>>, %arg3: memref<32x10240xf32, #tpu.memory_space<hbm>>, %arg4: memref<10240xf32, #tpu.memory_space<vmem>>, %arg5: memref<128xi32, #tpu.memory_space<vmem>>, %arg6: memref<128xi32, #tpu.memory_space<vmem>>, %arg7: memref<!tpu.dma_semaphore, #tpu.memory_space<semaphore_mem>>, %arg8: memref<!tpu.dma_semaphore, #tpu.memory_space<semaphore_mem>>) attributes {dimension_semantics = [#tpu.dimension_semantics<core_parallel>, #tpu.dimension_semantics<subcore_parallel>], iteration_bounds = array<i64: 2, 16>, scalar_prefetch = 0 : i64, scratch_operands = 5 : i64, tpu.core_type = #tpu.core_type<sc_vector_subcore>, window_params = [{transform_indices = #map}, {transform_indices = #map1}]} {
    %mul3A = arith.constant 2 : i32
    %mul3A_0 = arith.muli %arg1, %mul3A : i32
    %add3A = arith.addi %mul3A_0, %arg0 : i32
    %mul3A_1 = arith.constant 5000 : i32
    %mul3A_2 = arith.muli %add3A, %mul3A_1 : i32
    %add3A_3 = arith.constant 160000 : i32
    %add3A_4 = arith.addi %add3A_3, %mul3A_2 : i32
    %add3A_5 = arith.constant 0 : i32
    %add3A_6 = arith.addi %add3A_4, %add3A_5 : i32
    %dma_start3A = tpu.memref_slice %arg2[%add3A_6] : memref<320000xi32, #tpu.memory_space<hbm>> -> memref<128xi32, #tpu.memory_space<hbm>>
    %dma_start3A_7 = tpu.memref_slice %arg2[%add3A_6] : memref<320000xi32, #tpu.memory_space<hbm>> -> memref<128xi32, #tpu.memory_space<hbm>>
    tpu.enqueue_dma source(%dma_start3A_7 : memref<128xi32, #tpu.memory_space<hbm>>) target(%arg5 : memref<128xi32, #tpu.memory_space<vmem>>) target_semaphore(%arg7 : memref<!tpu.dma_semaphore, #tpu.memory_space<semaphore_mem>>)
    %add3A_8 = arith.constant 128 : i32
    %add3A_9 = arith.addi %add3A_4, %add3A_8 : i32
    %dma_start3A_10 = tpu.memref_slice %arg2[%add3A_9] : memref<320000xi32, #tpu.memory_space<hbm>> -> memref<128xi32, #tpu.memory_space<hbm>>
    %dma_start3A_11 = tpu.memref_slice %arg2[%add3A_9] : memref<320000xi32, #tpu.memory_space<hbm>> -> memref<128xi32, #tpu.memory_space<hbm>>
    tpu.enqueue_dma source(%dma_start3A_11 : memref<128xi32, #tpu.memory_space<hbm>>) target(%arg6 : memref<128xi32, #tpu.memory_space<vmem>>) target_semaphore(%arg8 : memref<!tpu.dma_semaphore, #tpu.memory_space<semaphore_mem>>)
    %broadcast_in_dim3A = arith.constant 0.000000e+00 : f32
    %broadcast_in_dim3A_12 = vector.broadcast %broadcast_in_dim3A : f32 to vector<16xf32>
    %scan3A = arith.constant 0 : i32
    %scan3A_13 = arith.constant 0 : i32
    %scan3A_14 = arith.constant 640 : i32
    %scan3A_15 = arith.addi %scan3A_13, %scan3A_14 : i32
    %scan3A_16 = arith.constant 1 : i32
    scf.for %scan3A_49 = %scan3A_13 to %scan3A_15 step %scan3A_16  : i32 {
      %mul3A_50 = arith.constant 16 : i32
      %mul3A_51 = arith.muli %scan3A_49, %mul3A_50 : i32
      %swap3A = arith.index_cast %mul3A_51 : i32 to index
      %swap3A_52 = tpu.vector_load %arg4[%swap3A] {strides = array<i32>} : memref<10240xf32, #tpu.memory_space<vmem>>, vector<16xf32>,
      tpu.vector_store %arg4[%swap3A], %broadcast_in_dim3A_12 {strides = array<i32>} : memref<10240xf32, #tpu.memory_space<vmem>>, vector<16xf32>,
    }
    %scan3A_17 = arith.constant 640 : i32
    %broadcast_in_dim3A_18 = arith.constant 1.000000e+00 : f32
    %broadcast_in_dim3A_19 = vector.broadcast %broadcast_in_dim3A_18 : f32 to vector<16xf32>
    %scan3A_20 = arith.constant 0 : i32
    %scan3A_21 = arith.constant 0 : i32
    %scan3A_22 = arith.constant 19 : i32
    %scan3A_23 = arith.addi %scan3A_21, %scan3A_22 : i32
    %scan3A_24 = arith.constant 1 : i32
    scf.for %scan3A_49 = %scan3A_21 to %scan3A_23 step %scan3A_24  : i32 {
      %mul3A_50 = arith.constant 2 : i32
      %mul3A_51 = arith.muli %mul3A_50, %scan3A_49 : i32
      %dma_wait3A_52 = tpu.memref_slice %arg2[%add3A_4] : memref<320000xi32, #tpu.memory_space<hbm>> -> memref<128xi32, #tpu.memory_space<hbm>>
      %dma_wait3A_53 = tpu.memref_slice %arg2[%add3A_4] : memref<320000xi32, #tpu.memory_space<hbm>> -> memref<128xi32, #tpu.memory_space<hbm>>
      tpu.wait_dma2 semaphore(%arg7 : memref<!tpu.dma_semaphore, #tpu.memory_space<semaphore_mem>>) src(%dma_wait3A_53 : memref<128xi32, #tpu.memory_space<hbm>>) dst(%arg5 : memref<128xi32, #tpu.memory_space<vmem>>)
      %get3A_54 = arith.constant 0 : index
      %get3A_55 = tpu.vector_load %arg5[%get3A_54] {strides = array<i32>} : memref<128xi32, #tpu.memory_space<vmem>>, vector<16xi32>,
      tpu.vector_store_idx %arg4[%get3A_55], %broadcast_in_dim3A_19 {add = true} : memref<10240xf32, #tpu.memory_space<vmem>>[vector<16xi32>], vector<16xf32>,
      %get3A_56 = arith.constant 16 : index
      %get3A_57 = tpu.vector_load %arg5[%get3A_56] {strides = array<i32>} : memref<128xi32, #tpu.memory_space<vmem>>, vector<16xi32>,
      tpu.vector_store_idx %arg4[%get3A_57], %broadcast_in_dim3A_19 {add = true} : memref<10240xf32, #tpu.memory_space<vmem>>[vector<16xi32>], vector<16xf32>,
      %get3A_58 = arith.constant 32 : index
      %get3A_59 = tpu.vector_load %arg5[%get3A_58] {strides = array<i32>} : memref<128xi32, #tpu.memory_space<vmem>>, vector<16xi32>,
      tpu.vector_store_idx %arg4[%get3A_59], %broadcast_in_dim3A_19 {add = true} : memref<10240xf32, #tpu.memory_space<vmem>>[vector<16xi32>], vector<16xf32>,
      %get3A_60 = arith.constant 48 : index
      %get3A_61 = tpu.vector_load %arg5[%get3A_60] {strides = array<i32>} : memref<128xi32, #tpu.memory_space<vmem>>, vector<16xi32>,
      tpu.vector_store_idx %arg4[%get3A_61], %broadcast_in_dim3A_19 {add = true} : memref<10240xf32, #tpu.memory_space<vmem>>[vector<16xi32>], vector<16xf32>,
      %get3A_62 = arith.constant 64 : index
      %get3A_63 = tpu.vector_load %arg5[%get3A_62] {strides = array<i32>} : memref<128xi32, #tpu.memory_space<vmem>>, vector<16xi32>,
      tpu.vector_store_idx %arg4[%get3A_63], %broadcast_in_dim3A_19 {add = true} : memref<10240xf32, #tpu.memory_space<vmem>>[vector<16xi32>], vector<16xf32>,
      %get3A_64 = arith.constant 80 : index
      %get3A_65 = tpu.vector_load %arg5[%get3A_64] {strides = array<i32>} : memref<128xi32, #tpu.memory_space<vmem>>, vector<16xi32>,
      tpu.vector_store_idx %arg4[%get3A_65], %broadcast_in_dim3A_19 {add = true} : memref<10240xf32, #tpu.memory_space<vmem>>[vector<16xi32>], vector<16xf32>,
      %get3A_66 = arith.constant 96 : index
      %get3A_67 = tpu.vector_load %arg5[%get3A_66] {strides = array<i32>} : memref<128xi32, #tpu.memory_space<vmem>>, vector<16xi32>,
      tpu.vector_store_idx %arg4[%get3A_67], %broadcast_in_dim3A_19 {add = true} : memref<10240xf32, #tpu.memory_space<vmem>>[vector<16xi32>], vector<16xf32>,
      %get3A_68 = arith.constant 112 : index
      %get3A_69 = tpu.vector_load %arg5[%get3A_68] {strides = array<i32>} : memref<128xi32, #tpu.memory_space<vmem>>, vector<16xi32>,
      tpu.vector_store_idx %arg4[%get3A_69], %broadcast_in_dim3A_19 {add = true} : memref<10240xf32, #tpu.memory_space<vmem>>[vector<16xi32>], vector<16xf32>,
      %add3A_70 = arith.constant 2 : i32
      %add3A_71 = arith.addi %mul3A_51, %add3A_70 : i32
      %lt3A = arith.constant 39 : i32
      %lt3A_72 = arith.cmpi slt, %add3A_71, %lt3A : i32
      %convert_element_type3A = arith.extui %lt3A_72 : i1 to i32
      %cond3A = arith.constant 0 : i32
      %cond3A_73 = arith.cmpi ne, %convert_element_type3A, %cond3A : i32
      scf.if %cond3A_73 {
        %add3A_99 = arith.constant 2 : i32
        %add3A_100 = arith.addi %mul3A_51, %add3A_99 : i32
        %mul3A_101 = arith.constant 128 : i32
        %mul3A_102 = arith.muli %add3A_100, %mul3A_101 : i32
        %add3A_103 = arith.addi %add3A_4, %mul3A_102 : i32
        %dma_start3A_104 = tpu.memref_slice %arg2[%add3A_103] : memref<320000xi32, #tpu.memory_space<hbm>> -> memref<128xi32, #tpu.memory_space<hbm>>
        %dma_start3A_105 = tpu.memref_slice %arg2[%add3A_103] : memref<320000xi32, #tpu.memory_space<hbm>> -> memref<128xi32, #tpu.memory_space<hbm>>
        tpu.enqueue_dma source(%dma_start3A_105 : memref<128xi32, #tpu.memory_space<hbm>>) target(%arg5 : memref<128xi32, #tpu.memory_space<vmem>>) target_semaphore(%arg7 : memref<!tpu.dma_semaphore, #tpu.memory_space<semaphore_mem>>)
      } else {
      }
      %dma_wait3A_74 = tpu.memref_slice %arg2[%add3A_4] : memref<320000xi32, #tpu.memory_space<hbm>> -> memref<128xi32, #tpu.memory_space<hbm>>
      %dma_wait3A_75 = tpu.memref_slice %arg2[%add3A_4] : memref<320000xi32, #tpu.memory_space<hbm>> -> memref<128xi32, #tpu.memory_space<hbm>>
      tpu.wait_dma2 semaphore(%arg8 : memref<!tpu.dma_semaphore, #tpu.memory_space<semaphore_mem>>) src(%dma_wait3A_75 : memref<128xi32, #tpu.memory_space<hbm>>) dst(%arg6 : memref<128xi32, #tpu.memory_space<vmem>>)
      %get3A_76 = arith.constant 0 : index
      %get3A_77 = tpu.vector_load %arg6[%get3A_76] {strides = array<i32>} : memref<128xi32, #tpu.memory_space<vmem>>, vector<16xi32>,
      tpu.vector_store_idx %arg4[%get3A_77], %broadcast_in_dim3A_19 {add = true} : memref<10240xf32, #tpu.memory_space<vmem>>[vector<16xi32>], vector<16xf32>,
      %get3A_78 = arith.constant 16 : index
      %get3A_79 = tpu.vector_load %arg6[%get3A_78] {strides = array<i32>} : memref<128xi32, #tpu.memory_space<vmem>>, vector<16xi32>,
      tpu.vector_store_idx %arg4[%get3A_79], %broadcast_in_dim3A_19 {add = true} : memref<10240xf32, #tpu.memory_space<vmem>>[vector<16xi32>], vector<16xf32>,
      %get3A_80 = arith.constant 32 : index
      %get3A_81 = tpu.vector_load %arg6[%get3A_80] {strides = array<i32>} : memref<128xi32, #tpu.memory_space<vmem>>, vector<16xi32>,
      tpu.vector_store_idx %arg4[%get3A_81], %broadcast_in_dim3A_19 {add = true} : memref<10240xf32, #tpu.memory_space<vmem>>[vector<16xi32>], vector<16xf32>,
      %get3A_82 = arith.constant 48 : index
      %get3A_83 = tpu.vector_load %arg6[%get3A_82] {strides = array<i32>} : memref<128xi32, #tpu.memory_space<vmem>>, vector<16xi32>,
      tpu.vector_store_idx %arg4[%get3A_83], %broadcast_in_dim3A_19 {add = true} : memref<10240xf32, #tpu.memory_space<vmem>>[vector<16xi32>], vector<16xf32>,
      %get3A_84 = arith.constant 64 : index
      %get3A_85 = tpu.vector_load %arg6[%get3A_84] {strides = array<i32>} : memref<128xi32, #tpu.memory_space<vmem>>, vector<16xi32>,
      tpu.vector_store_idx %arg4[%get3A_85], %broadcast_in_dim3A_19 {add = true} : memref<10240xf32, #tpu.memory_space<vmem>>[vector<16xi32>], vector<16xf32>,
      %get3A_86 = arith.constant 80 : index
      %get3A_87 = tpu.vector_load %arg6[%get3A_86] {strides = array<i32>} : memref<128xi32, #tpu.memory_space<vmem>>, vector<16xi32>,
      tpu.vector_store_idx %arg4[%get3A_87], %broadcast_in_dim3A_19 {add = true} : memref<10240xf32, #tpu.memory_space<vmem>>[vector<16xi32>], vector<16xf32>,
      %get3A_88 = arith.constant 96 : index
      %get3A_89 = tpu.vector_load %arg6[%get3A_88] {strides = array<i32>} : memref<128xi32, #tpu.memory_space<vmem>>, vector<16xi32>,
      tpu.vector_store_idx %arg4[%get3A_89], %broadcast_in_dim3A_19 {add = true} : memref<10240xf32, #tpu.memory_space<vmem>>[vector<16xi32>], vector<16xf32>,
      %get3A_90 = arith.constant 112 : index
      %get3A_91 = tpu.vector_load %arg6[%get3A_90] {strides = array<i32>} : memref<128xi32, #tpu.memory_space<vmem>>, vector<16xi32>,
      tpu.vector_store_idx %arg4[%get3A_91], %broadcast_in_dim3A_19 {add = true} : memref<10240xf32, #tpu.memory_space<vmem>>[vector<16xi32>], vector<16xf32>,
      %add3A_92 = arith.constant 3 : i32
      %add3A_93 = arith.addi %mul3A_51, %add3A_92 : i32
      %lt3A_94 = arith.constant 39 : i32
      %lt3A_95 = arith.cmpi slt, %add3A_93, %lt3A_94 : i32
      %convert_element_type3A_96 = arith.extui %lt3A_95 : i1 to i32
      %cond3A_97 = arith.constant 0 : i32
      %cond3A_98 = arith.cmpi ne, %convert_element_type3A_96, %cond3A_97 : i32
      scf.if %cond3A_98 {
        %add3A_99 = arith.constant 3 : i32
        %add3A_100 = arith.addi %mul3A_51, %add3A_99 : i32
        %mul3A_101 = arith.constant 128 : i32
        %mul3A_102 = arith.muli %add3A_100, %mul3A_101 : i32
        %add3A_103 = arith.addi %add3A_4, %mul3A_102 : i32
        %dma_start3A_104 = tpu.memref_slice %arg2[%add3A_103] : memref<320000xi32, #tpu.memory_space<hbm>> -> memref<128xi32, #tpu.memory_space<hbm>>
        %dma_start3A_105 = tpu.memref_slice %arg2[%add3A_103] : memref<320000xi32, #tpu.memory_space<hbm>> -> memref<128xi32, #tpu.memory_space<hbm>>
        tpu.enqueue_dma source(%dma_start3A_105 : memref<128xi32, #tpu.memory_space<hbm>>) target(%arg6 : memref<128xi32, #tpu.memory_space<vmem>>) target_semaphore(%arg8 : memref<!tpu.dma_semaphore, #tpu.memory_space<semaphore_mem>>)
      } else {
      }
    }
    %scan3A_25 = arith.constant 19 : i32
    %dma_wait3A = tpu.memref_slice %arg2[%add3A_4] : memref<320000xi32, #tpu.memory_space<hbm>> -> memref<128xi32, #tpu.memory_space<hbm>>
    %dma_wait3A_26 = tpu.memref_slice %arg2[%add3A_4] : memref<320000xi32, #tpu.memory_space<hbm>> -> memref<128xi32, #tpu.memory_space<hbm>>
    tpu.wait_dma2 semaphore(%arg7 : memref<!tpu.dma_semaphore, #tpu.memory_space<semaphore_mem>>) src(%dma_wait3A_26 : memref<128xi32, #tpu.memory_space<hbm>>) dst(%arg5 : memref<128xi32, #tpu.memory_space<vmem>>)
    %get3A = arith.constant 0 : index
    %get3A_27 = tpu.vector_load %arg5[%get3A] {strides = array<i32>} : memref<128xi32, #tpu.memory_space<vmem>>, vector<16xi32>,
    tpu.vector_store_idx %arg4[%get3A_27], %broadcast_in_dim3A_19 {add = true} : memref<10240xf32, #tpu.memory_space<vmem>>[vector<16xi32>], vector<16xf32>,
    %get3A_28 = arith.constant 16 : index
    %get3A_29 = tpu.vector_load %arg5[%get3A_28] {strides = array<i32>} : memref<128xi32, #tpu.memory_space<vmem>>, vector<16xi32>,
    tpu.vector_store_idx %arg4[%get3A_29], %broadcast_in_dim3A_19 {add = true} : memref<10240xf32, #tpu.memory_space<vmem>>[vector<16xi32>], vector<16xf32>,
    %get3A_30 = arith.constant 32 : index
    %get3A_31 = tpu.vector_load %arg5[%get3A_30] {strides = array<i32>} : memref<128xi32, #tpu.memory_space<vmem>>, vector<16xi32>,
    tpu.vector_store_idx %arg4[%get3A_31], %broadcast_in_dim3A_19 {add = true} : memref<10240xf32, #tpu.memory_space<vmem>>[vector<16xi32>], vector<16xf32>,
    %get3A_32 = arith.constant 48 : index
    %get3A_33 = tpu.vector_load %arg5[%get3A_32] {strides = array<i32>} : memref<128xi32, #tpu.memory_space<vmem>>, vector<16xi32>,
    tpu.vector_store_idx %arg4[%get3A_33], %broadcast_in_dim3A_19 {add = true} : memref<10240xf32, #tpu.memory_space<vmem>>[vector<16xi32>], vector<16xf32>,
    %get3A_34 = arith.constant 64 : index
    %get3A_35 = tpu.vector_load %arg5[%get3A_34] {strides = array<i32>} : memref<128xi32, #tpu.memory_space<vmem>>, vector<16xi32>,
    tpu.vector_store_idx %arg4[%get3A_35], %broadcast_in_dim3A_19 {add = true} : memref<10240xf32, #tpu.memory_space<vmem>>[vector<16xi32>], vector<16xf32>,
    %get3A_36 = arith.constant 80 : index
    %get3A_37 = tpu.vector_load %arg5[%get3A_36] {strides = array<i32>} : memref<128xi32, #tpu.memory_space<vmem>>, vector<16xi32>,
    tpu.vector_store_idx %arg4[%get3A_37], %broadcast_in_dim3A_19 {add = true} : memref<10240xf32, #tpu.memory_space<vmem>>[vector<16xi32>], vector<16xf32>,
    %get3A_38 = arith.constant 96 : index
    %get3A_39 = tpu.vector_load %arg5[%get3A_38] {strides = array<i32>} : memref<128xi32, #tpu.memory_space<vmem>>, vector<16xi32>,
    tpu.vector_store_idx %arg4[%get3A_39], %broadcast_in_dim3A_19 {add = true} : memref<10240xf32, #tpu.memory_space<vmem>>[vector<16xi32>], vector<16xf32>,
    %get3A_40 = arith.constant 112 : index
    %get3A_41 = tpu.vector_load %arg5[%get3A_40] {strides = array<i32>} : memref<128xi32, #tpu.memory_space<vmem>>, vector<16xi32>,
    tpu.vector_store_idx %arg4[%get3A_41], %broadcast_in_dim3A_19 {add = true} : memref<10240xf32, #tpu.memory_space<vmem>>[vector<16xi32>], vector<16xf32>,
    %add3A_42 = arith.constant 5000 : i32
    %add3A_43 = arith.addi %add3A_4, %add3A_42 : i32
    %sub3A = arith.constant 16 : i32
    %sub3A_44 = arith.subi %add3A_43, %sub3A : i32
    "tpu.region"() ({
      %run_scoped3A = tpu.sem_alloc : memref<!tpu.dma_semaphore, #tpu.memory_space<semaphore_mem>>
      %dma_start3A_49 = arith.constant 0 : i32
      %dma_start3A_50 = tpu.memref_slice %arg6[%dma_start3A_49] : memref<128xi32, #tpu.memory_space<vmem>> -> memref<16xi32, #tpu.memory_space<vmem>>
      %dma_start3A_51 = tpu.memref_slice %arg2[%sub3A_44] : memref<320000xi32, #tpu.memory_space<hbm>> -> memref<16xi32, #tpu.memory_space<hbm>>
      %dma_start3A_52 = arith.constant 0 : i32
      %dma_start3A_53 = tpu.memref_slice %arg6[%dma_start3A_52] : memref<128xi32, #tpu.memory_space<vmem>> -> memref<16xi32, #tpu.memory_space<vmem>>
      %dma_start3A_54 = tpu.memref_slice %arg2[%sub3A_44] : memref<320000xi32, #tpu.memory_space<hbm>> -> memref<16xi32, #tpu.memory_space<hbm>>
      tpu.enqueue_dma source(%dma_start3A_54 : memref<16xi32, #tpu.memory_space<hbm>>) target(%dma_start3A_53 : memref<16xi32, #tpu.memory_space<vmem>>) target_semaphore(%run_scoped3A : memref<!tpu.dma_semaphore, #tpu.memory_space<semaphore_mem>>)
      %dma_wait3A_55 = arith.constant 0 : i32
      %dma_wait3A_56 = tpu.memref_slice %arg6[%dma_wait3A_55] : memref<128xi32, #tpu.memory_space<vmem>> -> memref<16xi32, #tpu.memory_space<vmem>>
      %dma_wait3A_57 = tpu.memref_slice %arg2[%sub3A_44] : memref<320000xi32, #tpu.memory_space<hbm>> -> memref<16xi32, #tpu.memory_space<hbm>>
      %dma_wait3A_58 = arith.constant 0 : i32
      %dma_wait3A_59 = tpu.memref_slice %arg6[%dma_wait3A_58] : memref<128xi32, #tpu.memory_space<vmem>> -> memref<16xi32, #tpu.memory_space<vmem>>
      %dma_wait3A_60 = tpu.memref_slice %arg2[%sub3A_44] : memref<320000xi32, #tpu.memory_space<hbm>> -> memref<16xi32, #tpu.memory_space<hbm>>
      tpu.wait_dma2 semaphore(%run_scoped3A : memref<!tpu.dma_semaphore, #tpu.memory_space<semaphore_mem>>) src(%dma_wait3A_60 : memref<16xi32, #tpu.memory_space<hbm>>) dst(%dma_wait3A_59 : memref<16xi32, #tpu.memory_space<vmem>>)
      tpu.yield
    }) : () -> ()
    %get3A_45 = arith.constant 0 : index
    %get3A_46 = tpu.vector_load %arg6[%get3A_45] {strides = array<i32>} : memref<128xi32, #tpu.memory_space<vmem>>, vector<16xi32>,
    %iota3A = tpu.iota {dimensions = array<i32: 0>} : vector<16xi32>
    %ge3A = arith.constant 8 : i32
    %ge3A_47 = vector.broadcast %ge3A : i32 to vector<16xi32>
    %ge3A_48 = arith.cmpi sge, %iota3A, %ge3A_47 : vector<16xi32>
    tpu.vector_store_idx %arg4[%get3A_46], %broadcast_in_dim3A_19 masked %ge3A_48 {add = true} : memref<10240xf32, #tpu.memory_space<vmem>>[vector<16xi32>], vector<16xf32>, vector<16xi1>
    "tpu.region"() ({
      %run_scoped3A = tpu.sem_alloc : memref<!tpu.dma_semaphore, #tpu.memory_space<semaphore_mem>>
      %dma_start3A_49 = arith.constant 0 : i32
      %dma_start3A_50 = tpu.memref_slice %arg3[%add3A, %dma_start3A_49] : memref<32x10240xf32, #tpu.memory_space<hbm>> -> memref<1x10240xf32, #tpu.memory_space<hbm>>
      %dma_start3A_51 = tpu.memref_squeeze %dma_start3A_50 : memref<1x10240xf32, #tpu.memory_space<hbm>> -> memref<10240xf32, #tpu.memory_space<hbm>>
      %dma_start3A_52 = arith.constant 0 : i32
      %dma_start3A_53 = tpu.memref_slice %arg3[%add3A, %dma_start3A_52] : memref<32x10240xf32, #tpu.memory_space<hbm>> -> memref<1x10240xf32, #tpu.memory_space<hbm>>
      %dma_start3A_54 = tpu.memref_squeeze %dma_start3A_53 : memref<1x10240xf32, #tpu.memory_space<hbm>> -> memref<10240xf32, #tpu.memory_space<hbm>>
      tpu.enqueue_dma source(%arg4 : memref<10240xf32, #tpu.memory_space<vmem>>) target(%dma_start3A_54 : memref<10240xf32, #tpu.memory_space<hbm>>) target_semaphore(%run_scoped3A : memref<!tpu.dma_semaphore, #tpu.memory_space<semaphore_mem>>)
      %dma_wait3A_55 = arith.constant 0 : i32
      %dma_wait3A_56 = tpu.memref_slice %arg3[%add3A, %dma_wait3A_55] : memref<32x10240xf32, #tpu.memory_space<hbm>> -> memref<1x10240xf32, #tpu.memory_space<hbm>>
      %dma_wait3A_57 = tpu.memref_squeeze %dma_wait3A_56 : memref<1x10240xf32, #tpu.memory_space<hbm>> -> memref<10240xf32, #tpu.memory_space<hbm>>
      %dma_wait3A_58 = arith.constant 0 : i32
      %dma_wait3A_59 = tpu.memref_slice %arg3[%add3A, %dma_wait3A_58] : memref<32x10240xf32, #tpu.memory_space<hbm>> -> memref<1x10240xf32, #tpu.memory_space<hbm>>
      %dma_wait3A_60 = tpu.memref_squeeze %dma_wait3A_59 : memref<1x10240xf32, #tpu.memory_space<hbm>> -> memref<10240xf32, #tpu.memory_space<hbm>>
      tpu.wait_dma2 semaphore(%run_scoped3A : memref<!tpu.dma_semaphore, #tpu.memory_space<semaphore_mem>>) src(%arg4 : memref<10240xf32, #tpu.memory_space<vmem>>) dst(%dma_wait3A_60 : memref<10240xf32, #tpu.memory_space<hbm>>)
      tpu.yield
    }) : () -> ()
    return
  }
}

#map = affine_map<(d0, d1) -> (0, 0)>
#map1 = affine_map<(d0, d1) -> (0)>
module attributes {stable_mosaic.version = 14 : i64} {
  func.func @agg_kernel(%arg0: i32, %arg1: i32, %arg2: memref<10240x128xf32, #tpu.memory_space<hbm>>, %arg3: memref<10240x128xf32, #tpu.memory_space<hbm>>, %arg4: memref<10240x128xf32, #tpu.memory_space<hbm>>, %arg5: memref<10240x128xf32, #tpu.memory_space<hbm>>, %arg6: memref<320000xi32, #tpu.memory_space<hbm>>, %arg7: memref<10240x128xf32, #tpu.memory_space<hbm>>, %arg8: memref<10240x128xf32, #tpu.memory_space<hbm>>, %arg9: memref<10240x128xf32, #tpu.memory_space<vmem_shared>>, %arg10: memref<128xi32, #tpu.memory_space<vmem>>, %arg11: memref<128xi32, #tpu.memory_space<vmem>>, %arg12: memref<128xi32, #tpu.memory_space<vmem>>, %arg13: memref<128xi32, #tpu.memory_space<vmem>>, %arg14: memref<16xi32, #tpu.memory_space<vmem>>, %arg15: memref<16xi32, #tpu.memory_space<vmem>>, %arg16: memref<128x128xf32, #tpu.memory_space<vmem>>, %arg17: memref<128x128xf32, #tpu.memory_space<vmem>>, %arg18: memref<16x128xf32, #tpu.memory_space<vmem>>, %arg19: memref<!tpu.dma_semaphore, #tpu.memory_space<semaphore_mem>>, %arg20: memref<!tpu.dma_semaphore, #tpu.memory_space<semaphore_mem>>, %arg21: memref<!tpu.dma_semaphore, #tpu.memory_space<semaphore_mem>>, %arg22: memref<!tpu.dma_semaphore, #tpu.memory_space<semaphore_mem>>, %arg23: memref<!tpu.dma_semaphore, #tpu.memory_space<semaphore_mem>>, %arg24: memref<!tpu.dma_semaphore, #tpu.memory_space<semaphore_mem>>, %arg25: memref<!tpu.dma_semaphore, #tpu.memory_space<semaphore_mem>>, %arg26: memref<!tpu.dma_semaphore, #tpu.memory_space<semaphore_mem>>, %arg27: memref<!tpu.dma_semaphore, #tpu.memory_space<semaphore_mem>>) attributes {dimension_semantics = [#tpu.dimension_semantics<core_parallel>, #tpu.dimension_semantics<subcore_parallel>], iteration_bounds = array<i64: 2, 16>, scalar_prefetch = 0 : i64, scratch_operands = 19 : i64, tpu.core_type = #tpu.core_type<sc_vector_subcore>, window_params = [{transform_indices = #map}, {transform_indices = #map}, {transform_indices = #map}, {transform_indices = #map}, {transform_indices = #map1}, {transform_indices = #map}, {transform_indices = #map}]} {
    %mul3A = arith.constant 640 : i32
    %mul3A_0 = arith.muli %arg1, %mul3A : i32
    %eq3A = arith.constant 0 : i32
    %eq3A_1 = arith.cmpi eq, %arg0, %eq3A : i32
    %convert_element_type3A = arith.extui %eq3A_1 : i1 to i32
    %cond3A = arith.constant 0 : i32
    %cond3A_2 = arith.cmpi ne, %convert_element_type3A, %cond3A : i32
    scf.if %cond3A_2 {
      %mul3A_8 = arith.constant 80000 : i32
      %mul3A_9 = arith.muli %arg0, %mul3A_8 : i32
      %mul3A_10 = arith.constant 5000 : i32
      %mul3A_11 = arith.muli %arg1, %mul3A_10 : i32
      %add3A = arith.addi %mul3A_9, %mul3A_11 : i32
      %add3A_12 = arith.constant 0 : i32
      %add3A_13 = arith.addi %add3A, %add3A_12 : i32
      %dma_start3A = tpu.memref_slice %arg6[%add3A_13] : memref<320000xi32, #tpu.memory_space<hbm>> -> memref<128xi32, #tpu.memory_space<hbm>>
      %dma_start3A_14 = tpu.memref_slice %arg6[%add3A_13] : memref<320000xi32, #tpu.memory_space<hbm>> -> memref<128xi32, #tpu.memory_space<hbm>>
      tpu.enqueue_dma source(%dma_start3A_14 : memref<128xi32, #tpu.memory_space<hbm>>) target(%arg10 : memref<128xi32, #tpu.memory_space<vmem>>) target_semaphore(%arg19 : memref<!tpu.dma_semaphore, #tpu.memory_space<semaphore_mem>>)
      %add3A_15 = arith.constant 160000 : i32
      %add3A_16 = arith.addi %add3A_15, %add3A_13 : i32
      %dma_start3A_17 = tpu.memref_slice %arg6[%add3A_16] : memref<320000xi32, #tpu.memory_space<hbm>> -> memref<128xi32, #tpu.memory_space<hbm>>
      %dma_start3A_18 = tpu.memref_slice %arg6[%add3A_16] : memref<320000xi32, #tpu.memory_space<hbm>> -> memref<128xi32, #tpu.memory_space<hbm>>
      tpu.enqueue_dma source(%dma_start3A_18 : memref<128xi32, #tpu.memory_space<hbm>>) target(%arg12 : memref<128xi32, #tpu.memory_space<vmem>>) target_semaphore(%arg20 : memref<!tpu.dma_semaphore, #tpu.memory_space<semaphore_mem>>)
      %add3A_19 = arith.constant 128 : i32
      %add3A_20 = arith.addi %add3A, %add3A_19 : i32
      %dma_start3A_21 = tpu.memref_slice %arg6[%add3A_20] : memref<320000xi32, #tpu.memory_space<hbm>> -> memref<128xi32, #tpu.memory_space<hbm>>
      %dma_start3A_22 = tpu.memref_slice %arg6[%add3A_20] : memref<320000xi32, #tpu.memory_space<hbm>> -> memref<128xi32, #tpu.memory_space<hbm>>
      tpu.enqueue_dma source(%dma_start3A_22 : memref<128xi32, #tpu.memory_space<hbm>>) target(%arg11 : memref<128xi32, #tpu.memory_space<vmem>>) target_semaphore(%arg23 : memref<!tpu.dma_semaphore, #tpu.memory_space<semaphore_mem>>)
      %add3A_23 = arith.constant 160000 : i32
      %add3A_24 = arith.addi %add3A_23, %add3A_20 : i32
      %dma_start3A_25 = tpu.memref_slice %arg6[%add3A_24] : memref<320000xi32, #tpu.memory_space<hbm>> -> memref<128xi32, #tpu.memory_space<hbm>>
      %dma_start3A_26 = tpu.memref_slice %arg6[%add3A_24] : memref<320000xi32, #tpu.memory_space<hbm>> -> memref<128xi32, #tpu.memory_space<hbm>>
      tpu.enqueue_dma source(%dma_start3A_26 : memref<128xi32, #tpu.memory_space<hbm>>) target(%arg13 : memref<128xi32, #tpu.memory_space<vmem>>) target_semaphore(%arg24 : memref<!tpu.dma_semaphore, #tpu.memory_space<semaphore_mem>>)
      "tpu.region"() ({
        %run_scoped3A = tpu.sem_alloc : memref<!tpu.dma_semaphore, #tpu.memory_space<semaphore_mem>>
        %dma_start3A_69 = arith.constant 0 : i32
        %dma_start3A_70 = tpu.memref_slice %arg9[%mul3A_0, %dma_start3A_69] : memref<10240x128xf32, #tpu.memory_space<vmem_shared>> -> memref<640x128xf32, #tpu.memory_space<vmem_shared>>
        %dma_start3A_71 = arith.constant 0 : i32
        %dma_start3A_72 = tpu.memref_slice %arg4[%mul3A_0, %dma_start3A_71] : memref<10240x128xf32, #tpu.memory_space<hbm>> -> memref<640x128xf32, #tpu.memory_space<hbm>>
        tpu.enqueue_dma source(%dma_start3A_72 : memref<640x128xf32, #tpu.memory_space<hbm>>) target(%dma_start3A_70 : memref<640x128xf32, #tpu.memory_space<vmem_shared>>) target_semaphore(%run_scoped3A : memref<!tpu.dma_semaphore, #tpu.memory_space<semaphore_mem>>)
        %dma_wait3A_73 = arith.constant 0 : i32
        %dma_wait3A_74 = tpu.memref_slice %arg9[%mul3A_0, %dma_wait3A_73] : memref<10240x128xf32, #tpu.memory_space<vmem_shared>> -> memref<640x128xf32, #tpu.memory_space<vmem_shared>>
        %dma_wait3A_75 = arith.constant 0 : i32
        %dma_wait3A_76 = tpu.memref_slice %arg4[%mul3A_0, %dma_wait3A_75] : memref<10240x128xf32, #tpu.memory_space<hbm>> -> memref<640x128xf32, #tpu.memory_space<hbm>>
        tpu.wait_dma2 semaphore(%run_scoped3A : memref<!tpu.dma_semaphore, #tpu.memory_space<semaphore_mem>>) src(%dma_wait3A_76 : memref<640x128xf32, #tpu.memory_space<hbm>>) dst(%dma_wait3A_74 : memref<640x128xf32, #tpu.memory_space<vmem_shared>>)
        tpu.yield
      }) : () -> ()
      %dma_wait3A = tpu.memref_slice %arg6[%add3A] : memref<320000xi32, #tpu.memory_space<hbm>> -> memref<128xi32, #tpu.memory_space<hbm>>
      %dma_wait3A_27 = tpu.memref_slice %arg6[%add3A] : memref<320000xi32, #tpu.memory_space<hbm>> -> memref<128xi32, #tpu.memory_space<hbm>>
      tpu.wait_dma2 semaphore(%arg19 : memref<!tpu.dma_semaphore, #tpu.memory_space<semaphore_mem>>) src(%dma_wait3A_27 : memref<128xi32, #tpu.memory_space<hbm>>) dst(%arg10 : memref<128xi32, #tpu.memory_space<vmem>>)
      %dma_wait3A_28 = tpu.memref_slice %arg6[%add3A] : memref<320000xi32, #tpu.memory_space<hbm>> -> memref<128xi32, #tpu.memory_space<hbm>>
      %dma_wait3A_29 = tpu.memref_slice %arg6[%add3A] : memref<320000xi32, #tpu.memory_space<hbm>> -> memref<128xi32, #tpu.memory_space<hbm>>
      tpu.wait_dma2 semaphore(%arg20 : memref<!tpu.dma_semaphore, #tpu.memory_space<semaphore_mem>>) src(%dma_wait3A_29 : memref<128xi32, #tpu.memory_space<hbm>>) dst(%arg12 : memref<128xi32, #tpu.memory_space<vmem>>)
      %dma_start3A_30 = arith.constant 0 : i32
      %dma_start3A_31 = arith.constant 0 : i32
      %dma_start3A_32 = tpu.memref_slice %arg2[%dma_start3A_30, %dma_start3A_31] : memref<10240x128xf32, #tpu.memory_space<hbm>> -> memref<10240x128xf32, #tpu.memory_space<hbm>>
      tpu.enqueue_indirect_dma source(%dma_start3A_32 : memref<10240x128xf32, #tpu.memory_space<hbm>>) target(%arg16 : memref<128x128xf32, #tpu.memory_space<vmem>>) offsets(%arg10 : memref<128xi32, #tpu.memory_space<vmem>>) semaphore(%arg21 : memref<!tpu.dma_semaphore, #tpu.memory_space<semaphore_mem>>)
      %barrier3A = arith.constant 0 : index
      tpu.barrier barrier_id(%barrier3A)
      %scan3A = arith.constant 0 : i32
      %scan3A_33 = arith.constant 0 : i32
      %scan3A_34 = arith.constant 19 : i32
      %scan3A_35 = arith.addi %scan3A_33, %scan3A_34 : i32
      %scan3A_36 = arith.constant 1 : i32
      scf.for %scan3A_69 = %scan3A_33 to %scan3A_35 step %scan3A_36  : i32 {
        %mul3A_70 = arith.constant 2 : i32
        %mul3A_71 = arith.muli %mul3A_70, %scan3A_69 : i32
        %dma_wait3A_72 = arith.constant 0 : i32
        %dma_wait3A_73 = arith.constant 0 : i32
        %dma_wait3A_74 = tpu.memref_slice %arg2[%dma_wait3A_72, %dma_wait3A_73] : memref<10240x128xf32, #tpu.memory_space<hbm>> -> memref<10240x128xf32, #tpu.memory_space<hbm>>
        tpu.wait_indirect_dma semaphore(%arg21 : memref<!tpu.dma_semaphore, #tpu.memory_space<semaphore_mem>>) src(%dma_wait3A_74 : memref<10240x128xf32, #tpu.memory_space<hbm>>) dst(%arg16 : memref<128x128xf32, #tpu.memory_space<vmem>>)
        %dma_start3A_75 = arith.constant 0 : i32
        %dma_start3A_76 = arith.constant 0 : i32
        %dma_start3A_77 = tpu.memref_slice %arg9[%dma_start3A_75, %dma_start3A_76] : memref<10240x128xf32, #tpu.memory_space<vmem_shared>> -> memref<10240x128xf32, #tpu.memory_space<vmem_shared>>
        tpu.enqueue_indirect_dma source(%arg16 : memref<128x128xf32, #tpu.memory_space<vmem>>) target(%dma_start3A_77 : memref<10240x128xf32, #tpu.memory_space<vmem_shared>>) offsets(%arg12 : memref<128xi32, #tpu.memory_space<vmem>>) semaphore(%arg22 : memref<!tpu.dma_semaphore, #tpu.memory_space<semaphore_mem>>) {add = true}
        %dma_wait3A_78 = tpu.memref_slice %arg6[%add3A] : memref<320000xi32, #tpu.memory_space<hbm>> -> memref<128xi32, #tpu.memory_space<hbm>>
        %dma_wait3A_79 = tpu.memref_slice %arg6[%add3A] : memref<320000xi32, #tpu.memory_space<hbm>> -> memref<128xi32, #tpu.memory_space<hbm>>
        tpu.wait_dma2 semaphore(%arg23 : memref<!tpu.dma_semaphore, #tpu.memory_space<semaphore_mem>>) src(%dma_wait3A_79 : memref<128xi32, #tpu.memory_space<hbm>>) dst(%arg11 : memref<128xi32, #tpu.memory_space<vmem>>)
        %dma_wait3A_80 = tpu.memref_slice %arg6[%add3A] : memref<320000xi32, #tpu.memory_space<hbm>> -> memref<128xi32, #tpu.memory_space<hbm>>
        %dma_wait3A_81 = tpu.memref_slice %arg6[%add3A] : memref<320000xi32, #tpu.memory_space<hbm>> -> memref<128xi32, #tpu.memory_space<hbm>>
        tpu.wait_dma2 semaphore(%arg24 : memref<!tpu.dma_semaphore, #tpu.memory_space<semaphore_mem>>) src(%dma_wait3A_81 : memref<128xi32, #tpu.memory_space<hbm>>) dst(%arg13 : memref<128xi32, #tpu.memory_space<vmem>>)
        %dma_start3A_82 = arith.constant 0 : i32
        %dma_start3A_83 = arith.constant 0 : i32
        %dma_start3A_84 = tpu.memref_slice %arg2[%dma_start3A_82, %dma_start3A_83] : memref<10240x128xf32, #tpu.memory_space<hbm>> -> memref<10240x128xf32, #tpu.memory_space<hbm>>
        tpu.enqueue_indirect_dma source(%dma_start3A_84 : memref<10240x128xf32, #tpu.memory_space<hbm>>) target(%arg17 : memref<128x128xf32, #tpu.memory_space<vmem>>) offsets(%arg11 : memref<128xi32, #tpu.memory_space<vmem>>) semaphore(%arg25 : memref<!tpu.dma_semaphore, #tpu.memory_space<semaphore_mem>>)
        %dma_wait3A_85 = arith.constant 0 : i32
        %dma_wait3A_86 = arith.constant 0 : i32
        %dma_wait3A_87 = tpu.memref_slice %arg9[%dma_wait3A_85, %dma_wait3A_86] : memref<10240x128xf32, #tpu.memory_space<vmem_shared>> -> memref<10240x128xf32, #tpu.memory_space<vmem_shared>>
        tpu.wait_indirect_dma semaphore(%arg22 : memref<!tpu.dma_semaphore, #tpu.memory_space<semaphore_mem>>) src(%arg16 : memref<128x128xf32, #tpu.memory_space<vmem>>) dst(%dma_wait3A_87 : memref<10240x128xf32, #tpu.memory_space<vmem_shared>>)
        %add3A_88 = arith.constant 2 : i32
        %add3A_89 = arith.addi %mul3A_71, %add3A_88 : i32
        %lt3A_90 = arith.constant 39 : i32
        %lt3A_91 = arith.cmpi slt, %add3A_89, %lt3A_90 : i32
        %convert_element_type3A_92 = arith.extui %lt3A_91 : i1 to i32
        %cond3A_93 = arith.constant 0 : i32
        %cond3A_94 = arith.cmpi ne, %convert_element_type3A_92, %cond3A_93 : i32
        scf.if %cond3A_94 {
          %add3A_118 = arith.constant 2 : i32
          %add3A_119 = arith.addi %mul3A_71, %add3A_118 : i32
          %mul3A_120 = arith.constant 128 : i32
          %mul3A_121 = arith.muli %add3A_119, %mul3A_120 : i32
          %add3A_122 = arith.addi %add3A, %mul3A_121 : i32
          %dma_start3A_123 = tpu.memref_slice %arg6[%add3A_122] : memref<320000xi32, #tpu.memory_space<hbm>> -> memref<128xi32, #tpu.memory_space<hbm>>
          %dma_start3A_124 = tpu.memref_slice %arg6[%add3A_122] : memref<320000xi32, #tpu.memory_space<hbm>> -> memref<128xi32, #tpu.memory_space<hbm>>
          tpu.enqueue_dma source(%dma_start3A_124 : memref<128xi32, #tpu.memory_space<hbm>>) target(%arg10 : memref<128xi32, #tpu.memory_space<vmem>>) target_semaphore(%arg19 : memref<!tpu.dma_semaphore, #tpu.memory_space<semaphore_mem>>)
          %add3A_125 = arith.constant 160000 : i32
          %add3A_126 = arith.addi %add3A_125, %add3A_122 : i32
          %dma_start3A_127 = tpu.memref_slice %arg6[%add3A_126] : memref<320000xi32, #tpu.memory_space<hbm>> -> memref<128xi32, #tpu.memory_space<hbm>>
          %dma_start3A_128 = tpu.memref_slice %arg6[%add3A_126] : memref<320000xi32, #tpu.memory_space<hbm>> -> memref<128xi32, #tpu.memory_space<hbm>>
          tpu.enqueue_dma source(%dma_start3A_128 : memref<128xi32, #tpu.memory_space<hbm>>) target(%arg12 : memref<128xi32, #tpu.memory_space<vmem>>) target_semaphore(%arg20 : memref<!tpu.dma_semaphore, #tpu.memory_space<semaphore_mem>>)
        } else {
        }
        %dma_wait3A_95 = arith.constant 0 : i32
        %dma_wait3A_96 = arith.constant 0 : i32
        %dma_wait3A_97 = tpu.memref_slice %arg2[%dma_wait3A_95, %dma_wait3A_96] : memref<10240x128xf32, #tpu.memory_space<hbm>> -> memref<10240x128xf32, #tpu.memory_space<hbm>>
        tpu.wait_indirect_dma semaphore(%arg25 : memref<!tpu.dma_semaphore, #tpu.memory_space<semaphore_mem>>) src(%dma_wait3A_97 : memref<10240x128xf32, #tpu.memory_space<hbm>>) dst(%arg17 : memref<128x128xf32, #tpu.memory_space<vmem>>)
        %dma_start3A_98 = arith.constant 0 : i32
        %dma_start3A_99 = arith.constant 0 : i32
        %dma_start3A_100 = tpu.memref_slice %arg9[%dma_start3A_98, %dma_start3A_99] : memref<10240x128xf32, #tpu.memory_space<vmem_shared>> -> memref<10240x128xf32, #tpu.memory_space<vmem_shared>>
        tpu.enqueue_indirect_dma source(%arg17 : memref<128x128xf32, #tpu.memory_space<vmem>>) target(%dma_start3A_100 : memref<10240x128xf32, #tpu.memory_space<vmem_shared>>) offsets(%arg13 : memref<128xi32, #tpu.memory_space<vmem>>) semaphore(%arg26 : memref<!tpu.dma_semaphore, #tpu.memory_space<semaphore_mem>>) {add = true}
        %add3A_101 = arith.constant 2 : i32
        %add3A_102 = arith.addi %mul3A_71, %add3A_101 : i32
        %lt3A_103 = arith.constant 39 : i32
        %lt3A_104 = arith.cmpi slt, %add3A_102, %lt3A_103 : i32
        %convert_element_type3A_105 = arith.extui %lt3A_104 : i1 to i32
        %cond3A_106 = arith.constant 0 : i32
        %cond3A_107 = arith.cmpi ne, %convert_element_type3A_105, %cond3A_106 : i32
        scf.if %cond3A_107 {
          %dma_wait3A_118 = tpu.memref_slice %arg6[%add3A] : memref<320000xi32, #tpu.memory_space<hbm>> -> memref<128xi32, #tpu.memory_space<hbm>>
          %dma_wait3A_119 = tpu.memref_slice %arg6[%add3A] : memref<320000xi32, #tpu.memory_space<hbm>> -> memref<128xi32, #tpu.memory_space<hbm>>
          tpu.wait_dma2 semaphore(%arg19 : memref<!tpu.dma_semaphore, #tpu.memory_space<semaphore_mem>>) src(%dma_wait3A_119 : memref<128xi32, #tpu.memory_space<hbm>>) dst(%arg10 : memref<128xi32, #tpu.memory_space<vmem>>)
          %dma_wait3A_120 = tpu.memref_slice %arg6[%add3A] : memref<320000xi32, #tpu.memory_space<hbm>> -> memref<128xi32, #tpu.memory_space<hbm>>
          %dma_wait3A_121 = tpu.memref_slice %arg6[%add3A] : memref<320000xi32, #tpu.memory_space<hbm>> -> memref<128xi32, #tpu.memory_space<hbm>>
          tpu.wait_dma2 semaphore(%arg20 : memref<!tpu.dma_semaphore, #tpu.memory_space<semaphore_mem>>) src(%dma_wait3A_121 : memref<128xi32, #tpu.memory_space<hbm>>) dst(%arg12 : memref<128xi32, #tpu.memory_space<vmem>>)
          %dma_start3A_122 = arith.constant 0 : i32
          %dma_start3A_123 = arith.constant 0 : i32
          %dma_start3A_124 = tpu.memref_slice %arg2[%dma_start3A_122, %dma_start3A_123] : memref<10240x128xf32, #tpu.memory_space<hbm>> -> memref<10240x128xf32, #tpu.memory_space<hbm>>
          tpu.enqueue_indirect_dma source(%dma_start3A_124 : memref<10240x128xf32, #tpu.memory_space<hbm>>) target(%arg16 : memref<128x128xf32, #tpu.memory_space<vmem>>) offsets(%arg10 : memref<128xi32, #tpu.memory_space<vmem>>) semaphore(%arg21 : memref<!tpu.dma_semaphore, #tpu.memory_space<semaphore_mem>>)
        } else {
        }
        %dma_wait3A_108 = arith.constant 0 : i32
        %dma_wait3A_109 = arith.constant 0 : i32
        %dma_wait3A_110 = tpu.memref_slice %arg9[%dma_wait3A_108, %dma_wait3A_109] : memref<10240x128xf32, #tpu.memory_space<vmem_shared>> -> memref<10240x128xf32, #tpu.memory_space<vmem_shared>>
        tpu.wait_indirect_dma semaphore(%arg26 : memref<!tpu.dma_semaphore, #tpu.memory_space<semaphore_mem>>) src(%arg17 : memref<128x128xf32, #tpu.memory_space<vmem>>) dst(%dma_wait3A_110 : memref<10240x128xf32, #tpu.memory_space<vmem_shared>>)
        %add3A_111 = arith.constant 3 : i32
        %add3A_112 = arith.addi %mul3A_71, %add3A_111 : i32
        %lt3A_113 = arith.constant 39 : i32
        %lt3A_114 = arith.cmpi slt, %add3A_112, %lt3A_113 : i32
        %convert_element_type3A_115 = arith.extui %lt3A_114 : i1 to i32
        %cond3A_116 = arith.constant 0 : i32
        %cond3A_117 = arith.cmpi ne, %convert_element_type3A_115, %cond3A_116 : i32
        scf.if %cond3A_117 {
          %add3A_118 = arith.constant 3 : i32
          %add3A_119 = arith.addi %mul3A_71, %add3A_118 : i32
          %mul3A_120 = arith.constant 128 : i32
          %mul3A_121 = arith.muli %add3A_119, %mul3A_120 : i32
          %add3A_122 = arith.addi %add3A, %mul3A_121 : i32
          %dma_start3A_123 = tpu.memref_slice %arg6[%add3A_122] : memref<320000xi32, #tpu.memory_space<hbm>> -> memref<128xi32, #tpu.memory_space<hbm>>
          %dma_start3A_124 = tpu.memref_slice %arg6[%add3A_122] : memref<320000xi32, #tpu.memory_space<hbm>> -> memref<128xi32, #tpu.memory_space<hbm>>
          tpu.enqueue_dma source(%dma_start3A_124 : memref<128xi32, #tpu.memory_space<hbm>>) target(%arg11 : memref<128xi32, #tpu.memory_space<vmem>>) target_semaphore(%arg23 : memref<!tpu.dma_semaphore, #tpu.memory_space<semaphore_mem>>)
          %add3A_125 = arith.constant 160000 : i32
          %add3A_126 = arith.addi %add3A_125, %add3A_122 : i32
          %dma_start3A_127 = tpu.memref_slice %arg6[%add3A_126] : memref<320000xi32, #tpu.memory_space<hbm>> -> memref<128xi32, #tpu.memory_space<hbm>>
          %dma_start3A_128 = tpu.memref_slice %arg6[%add3A_126] : memref<320000xi32, #tpu.memory_space<hbm>> -> memref<128xi32, #tpu.memory_space<hbm>>
          tpu.enqueue_dma source(%dma_start3A_128 : memref<128xi32, #tpu.memory_space<hbm>>) target(%arg13 : memref<128xi32, #tpu.memory_space<vmem>>) target_semaphore(%arg24 : memref<!tpu.dma_semaphore, #tpu.memory_space<semaphore_mem>>)
        } else {
        }
      }
      %scan3A_37 = arith.constant 19 : i32
      %dma_wait3A_38 = arith.constant 0 : i32
      %dma_wait3A_39 = arith.constant 0 : i32
      %dma_wait3A_40 = tpu.memref_slice %arg2[%dma_wait3A_38, %dma_wait3A_39] : memref<10240x128xf32, #tpu.memory_space<hbm>> -> memref<10240x128xf32, #tpu.memory_space<hbm>>
      tpu.wait_indirect_dma semaphore(%arg21 : memref<!tpu.dma_semaphore, #tpu.memory_space<semaphore_mem>>) src(%dma_wait3A_40 : memref<10240x128xf32, #tpu.memory_space<hbm>>) dst(%arg16 : memref<128x128xf32, #tpu.memory_space<vmem>>)
      %dma_start3A_41 = arith.constant 0 : i32
      %dma_start3A_42 = arith.constant 0 : i32
      %dma_start3A_43 = tpu.memref_slice %arg9[%dma_start3A_41, %dma_start3A_42] : memref<10240x128xf32, #tpu.memory_space<vmem_shared>> -> memref<10240x128xf32, #tpu.memory_space<vmem_shared>>
      tpu.enqueue_indirect_dma source(%arg16 : memref<128x128xf32, #tpu.memory_space<vmem>>) target(%dma_start3A_43 : memref<10240x128xf32, #tpu.memory_space<vmem_shared>>) offsets(%arg12 : memref<128xi32, #tpu.memory_space<vmem>>) semaphore(%arg22 : memref<!tpu.dma_semaphore, #tpu.memory_space<semaphore_mem>>) {add = true}
      %dma_wait3A_44 = arith.constant 0 : i32
      %dma_wait3A_45 = arith.constant 0 : i32
      %dma_wait3A_46 = tpu.memref_slice %arg9[%dma_wait3A_44, %dma_wait3A_45] : memref<10240x128xf32, #tpu.memory_space<vmem_shared>> -> memref<10240x128xf32, #tpu.memory_space<vmem_shared>>
      tpu.wait_indirect_dma semaphore(%arg22 : memref<!tpu.dma_semaphore, #tpu.memory_space<semaphore_mem>>) src(%arg16 : memref<128x128xf32, #tpu.memory_space<vmem>>) dst(%dma_wait3A_46 : memref<10240x128xf32, #tpu.memory_space<vmem_shared>>)
      %add3A_47 = arith.constant 5000 : i32
      %add3A_48 = arith.addi %add3A, %add3A_47 : i32
      %sub3A = arith.constant 16 : i32
      %sub3A_49 = arith.subi %add3A_48, %sub3A : i32
      "tpu.region"() ({
        %run_scoped3A = tpu.sem_alloc : memref<!tpu.dma_semaphore, #tpu.memory_space<semaphore_mem>>
        %dma_start3A_69 = tpu.memref_slice %arg6[%sub3A_49] : memref<320000xi32, #tpu.memory_space<hbm>> -> memref<16xi32, #tpu.memory_space<hbm>>
        %dma_start3A_70 = tpu.memref_slice %arg6[%sub3A_49] : memref<320000xi32, #tpu.memory_space<hbm>> -> memref<16xi32, #tpu.memory_space<hbm>>
        tpu.enqueue_dma source(%dma_start3A_70 : memref<16xi32, #tpu.memory_space<hbm>>) target(%arg14 : memref<16xi32, #tpu.memory_space<vmem>>) target_semaphore(%run_scoped3A : memref<!tpu.dma_semaphore, #tpu.memory_space<semaphore_mem>>)
        %dma_wait3A_71 = tpu.memref_slice %arg6[%sub3A_49] : memref<320000xi32, #tpu.memory_space<hbm>> -> memref<16xi32, #tpu.memory_space<hbm>>
        %dma_wait3A_72 = tpu.memref_slice %arg6[%sub3A_49] : memref<320000xi32, #tpu.memory_space<hbm>> -> memref<16xi32, #tpu.memory_space<hbm>>
        tpu.wait_dma2 semaphore(%run_scoped3A : memref<!tpu.dma_semaphore, #tpu.memory_space<semaphore_mem>>) src(%dma_wait3A_72 : memref<16xi32, #tpu.memory_space<hbm>>) dst(%arg14 : memref<16xi32, #tpu.memory_space<vmem>>)
        tpu.yield
      }) : () -> ()
      %add3A_50 = arith.constant 160000 : i32
      %add3A_51 = arith.addi %add3A_50, %sub3A_49 : i32
      "tpu.region"() ({
        %run_scoped3A = tpu.sem_alloc : memref<!tpu.dma_semaphore, #tpu.memory_space<semaphore_mem>>
        %dma_start3A_69 = tpu.memref_slice %arg6[%add3A_51] : memref<320000xi32, #tpu.memory_space<hbm>> -> memref<16xi32, #tpu.memory_space<hbm>>
        %dma_start3A_70 = tpu.memref_slice %arg6[%add3A_51] : memref<320000xi32, #tpu.memory_space<hbm>> -> memref<16xi32, #tpu.memory_space<hbm>>
        tpu.enqueue_dma source(%dma_start3A_70 : memref<16xi32, #tpu.memory_space<hbm>>) target(%arg15 : memref<16xi32, #tpu.memory_space<vmem>>) target_semaphore(%run_scoped3A : memref<!tpu.dma_semaphore, #tpu.memory_space<semaphore_mem>>)
        %dma_wait3A_71 = tpu.memref_slice %arg6[%add3A_51] : memref<320000xi32, #tpu.memory_space<hbm>> -> memref<16xi32, #tpu.memory_space<hbm>>
        %dma_wait3A_72 = tpu.memref_slice %arg6[%add3A_51] : memref<320000xi32, #tpu.memory_space<hbm>> -> memref<16xi32, #tpu.memory_space<hbm>>
        tpu.wait_dma2 semaphore(%run_scoped3A : memref<!tpu.dma_semaphore, #tpu.memory_space<semaphore_mem>>) src(%dma_wait3A_72 : memref<16xi32, #tpu.memory_space<hbm>>) dst(%arg15 : memref<16xi32, #tpu.memory_space<vmem>>)
        tpu.yield
      }) : () -> ()
      %iota3A = tpu.iota {dimensions = array<i32: 0>} : vector<16xi32>
      %lt3A = arith.constant 8 : i32
      %lt3A_52 = vector.broadcast %lt3A : i32 to vector<16xi32>
      %lt3A_53 = arith.cmpi slt, %iota3A, %lt3A_52 : vector<16xi32>
      %add3A_54 = arith.constant 10000 : i32
      %add3A_55 = vector.broadcast %add3A_54 : i32 to vector<16xi32>
      %add3A_56 = arith.addi %add3A_55, %iota3A : vector<16xi32>
      %get3A = arith.constant 0 : index
      %get3A_57 = tpu.vector_load %arg15[%get3A] {strides = array<i32>} : memref<16xi32, #tpu.memory_space<vmem>>, vector<16xi32>,
      %get3A_58 = vector.shape_cast %get3A_57 : vector<16xi32> to vector<16xi32>
      %select_n3A = arith.select %lt3A_53, %add3A_56, %get3A_58 : vector<16xi1>, vector<16xi32>
      %swap3A = arith.constant 0 : index
      %swap3A_59 = tpu.vector_load %arg15[%swap3A] {strides = array<i32>} : memref<16xi32, #tpu.memory_space<vmem>>, vector<16xi32>,
      %swap3A_60 = vector.shape_cast %swap3A_59 : vector<16xi32> to vector<16xi32>
      %swap3A_61 = vector.shape_cast %select_n3A : vector<16xi32> to vector<16xi32>
      tpu.vector_store %arg15[%swap3A], %swap3A_61 {strides = array<i32>} : memref<16xi32, #tpu.memory_space<vmem>>, vector<16xi32>,
      %dma_start3A_62 = arith.constant 0 : i32
      %dma_start3A_63 = arith.constant 0 : i32
      %dma_start3A_64 = tpu.memref_slice %arg2[%dma_start3A_62, %dma_start3A_63] : memref<10240x128xf32, #tpu.memory_space<hbm>> -> memref<10240x128xf32, #tpu.memory_space<hbm>>
      tpu.enqueue_indirect_dma source(%dma_start3A_64 : memref<10240x128xf32, #tpu.memory_space<hbm>>) target(%arg18 : memref<16x128xf32, #tpu.memory_space<vmem>>) offsets(%arg14 : memref<16xi32, #tpu.memory_space<vmem>>) semaphore(%arg27 : memref<!tpu.dma_semaphore, #tpu.memory_space<semaphore_mem>>)
      %dma_wait3A_65 = arith.constant 0 : i32
      %dma_wait3A_66 = arith.constant 0 : i32
      %dma_wait3A_67 = tpu.memref_slice %arg2[%dma_wait3A_65, %dma_wait3A_66] : memref<10240x128xf32, #tpu.memory_space<hbm>> -> memref<10240x128xf32, #tpu.memory_space<hbm>>
      tpu.wait_indirect_dma semaphore(%arg27 : memref<!tpu.dma_semaphore, #tpu.memory_space<semaphore_mem>>) src(%dma_wait3A_67 : memref<10240x128xf32, #tpu.memory_space<hbm>>) dst(%arg18 : memref<16x128xf32, #tpu.memory_space<vmem>>)
      "tpu.region"() ({
        %run_scoped3A = tpu.sem_alloc : memref<!tpu.dma_semaphore, #tpu.memory_space<semaphore_mem>>
        %dma_start3A_69 = arith.constant 0 : i32
        %dma_start3A_70 = arith.constant 0 : i32
        %dma_start3A_71 = tpu.memref_slice %arg9[%dma_start3A_69, %dma_start3A_70] : memref<10240x128xf32, #tpu.memory_space<vmem_shared>> -> memref<10240x128xf32, #tpu.memory_space<vmem_shared>>
        tpu.enqueue_indirect_dma source(%arg18 : memref<16x128xf32, #tpu.memory_space<vmem>>) target(%dma_start3A_71 : memref<10240x128xf32, #tpu.memory_space<vmem_shared>>) offsets(%arg15 : memref<16xi32, #tpu.memory_space<vmem>>) semaphore(%run_scoped3A : memref<!tpu.dma_semaphore, #tpu.memory_space<semaphore_mem>>) {add = true}
        %dma_wait3A_72 = arith.constant 0 : i32
        %dma_wait3A_73 = arith.constant 0 : i32
        %dma_wait3A_74 = tpu.memref_slice %arg9[%dma_wait3A_72, %dma_wait3A_73] : memref<10240x128xf32, #tpu.memory_space<vmem_shared>> -> memref<10240x128xf32, #tpu.memory_space<vmem_shared>>
        tpu.wait_indirect_dma semaphore(%run_scoped3A : memref<!tpu.dma_semaphore, #tpu.memory_space<semaphore_mem>>) src(%arg18 : memref<16x128xf32, #tpu.memory_space<vmem>>) dst(%dma_wait3A_74 : memref<10240x128xf32, #tpu.memory_space<vmem_shared>>)
        tpu.yield
      }) : () -> ()
      %barrier3A_68 = arith.constant 0 : index
      tpu.barrier barrier_id(%barrier3A_68)
      "tpu.region"() ({
        %run_scoped3A = tpu.sem_alloc : memref<!tpu.dma_semaphore, #tpu.memory_space<semaphore_mem>>
        %dma_start3A_69 = arith.constant 0 : i32
        %dma_start3A_70 = tpu.memref_slice %arg7[%mul3A_0, %dma_start3A_69] : memref<10240x128xf32, #tpu.memory_space<hbm>> -> memref<640x128xf32, #tpu.memory_space<hbm>>
        %dma_start3A_71 = arith.constant 0 : i32
        %dma_start3A_72 = tpu.memref_slice %arg9[%mul3A_0, %dma_start3A_71] : memref<10240x128xf32, #tpu.memory_space<vmem_shared>> -> memref<640x128xf32, #tpu.memory_space<vmem_shared>>
        tpu.enqueue_dma source(%dma_start3A_72 : memref<640x128xf32, #tpu.memory_space<vmem_shared>>) target(%dma_start3A_70 : memref<640x128xf32, #tpu.memory_space<hbm>>) target_semaphore(%run_scoped3A : memref<!tpu.dma_semaphore, #tpu.memory_space<semaphore_mem>>)
        %dma_wait3A_73 = arith.constant 0 : i32
        %dma_wait3A_74 = tpu.memref_slice %arg7[%mul3A_0, %dma_wait3A_73] : memref<10240x128xf32, #tpu.memory_space<hbm>> -> memref<640x128xf32, #tpu.memory_space<hbm>>
        %dma_wait3A_75 = arith.constant 0 : i32
        %dma_wait3A_76 = tpu.memref_slice %arg9[%mul3A_0, %dma_wait3A_75] : memref<10240x128xf32, #tpu.memory_space<vmem_shared>> -> memref<640x128xf32, #tpu.memory_space<vmem_shared>>
        tpu.wait_dma2 semaphore(%run_scoped3A : memref<!tpu.dma_semaphore, #tpu.memory_space<semaphore_mem>>) src(%dma_wait3A_76 : memref<640x128xf32, #tpu.memory_space<vmem_shared>>) dst(%dma_wait3A_74 : memref<640x128xf32, #tpu.memory_space<hbm>>)
        tpu.yield
      }) : () -> ()
    } else {
    }
    %eq3A_3 = arith.constant 1 : i32
    %eq3A_4 = arith.cmpi eq, %arg0, %eq3A_3 : i32
    %convert_element_type3A_5 = arith.extui %eq3A_4 : i1 to i32
    %cond3A_6 = arith.constant 0 : i32
    %cond3A_7 = arith.cmpi ne, %convert_element_type3A_5, %cond3A_6 : i32
    scf.if %cond3A_7 {
      %mul3A_8 = arith.constant 80000 : i32
      %mul3A_9 = arith.muli %arg0, %mul3A_8 : i32
      %mul3A_10 = arith.constant 5000 : i32
      %mul3A_11 = arith.muli %arg1, %mul3A_10 : i32
      %add3A = arith.addi %mul3A_9, %mul3A_11 : i32
      %add3A_12 = arith.constant 0 : i32
      %add3A_13 = arith.addi %add3A, %add3A_12 : i32
      %dma_start3A = tpu.memref_slice %arg6[%add3A_13] : memref<320000xi32, #tpu.memory_space<hbm>> -> memref<128xi32, #tpu.memory_space<hbm>>
      %dma_start3A_14 = tpu.memref_slice %arg6[%add3A_13] : memref<320000xi32, #tpu.memory_space<hbm>> -> memref<128xi32, #tpu.memory_space<hbm>>
      tpu.enqueue_dma source(%dma_start3A_14 : memref<128xi32, #tpu.memory_space<hbm>>) target(%arg10 : memref<128xi32, #tpu.memory_space<vmem>>) target_semaphore(%arg19 : memref<!tpu.dma_semaphore, #tpu.memory_space<semaphore_mem>>)
      %add3A_15 = arith.constant 160000 : i32
      %add3A_16 = arith.addi %add3A_15, %add3A_13 : i32
      %dma_start3A_17 = tpu.memref_slice %arg6[%add3A_16] : memref<320000xi32, #tpu.memory_space<hbm>> -> memref<128xi32, #tpu.memory_space<hbm>>
      %dma_start3A_18 = tpu.memref_slice %arg6[%add3A_16] : memref<320000xi32, #tpu.memory_space<hbm>> -> memref<128xi32, #tpu.memory_space<hbm>>
      tpu.enqueue_dma source(%dma_start3A_18 : memref<128xi32, #tpu.memory_space<hbm>>) target(%arg12 : memref<128xi32, #tpu.memory_space<vmem>>) target_semaphore(%arg20 : memref<!tpu.dma_semaphore, #tpu.memory_space<semaphore_mem>>)
      %add3A_19 = arith.constant 128 : i32
      %add3A_20 = arith.addi %add3A, %add3A_19 : i32
      %dma_start3A_21 = tpu.memref_slice %arg6[%add3A_20] : memref<320000xi32, #tpu.memory_space<hbm>> -> memref<128xi32, #tpu.memory_space<hbm>>
      %dma_start3A_22 = tpu.memref_slice %arg6[%add3A_20] : memref<320000xi32, #tpu.memory_space<hbm>> -> memref<128xi32, #tpu.memory_space<hbm>>
      tpu.enqueue_dma source(%dma_start3A_22 : memref<128xi32, #tpu.memory_space<hbm>>) target(%arg11 : memref<128xi32, #tpu.memory_space<vmem>>) target_semaphore(%arg23 : memref<!tpu.dma_semaphore, #tpu.memory_space<semaphore_mem>>)
      %add3A_23 = arith.constant 160000 : i32
      %add3A_24 = arith.addi %add3A_23, %add3A_20 : i32
      %dma_start3A_25 = tpu.memref_slice %arg6[%add3A_24] : memref<320000xi32, #tpu.memory_space<hbm>> -> memref<128xi32, #tpu.memory_space<hbm>>
      %dma_start3A_26 = tpu.memref_slice %arg6[%add3A_24] : memref<320000xi32, #tpu.memory_space<hbm>> -> memref<128xi32, #tpu.memory_space<hbm>>
      tpu.enqueue_dma source(%dma_start3A_26 : memref<128xi32, #tpu.memory_space<hbm>>) target(%arg13 : memref<128xi32, #tpu.memory_space<vmem>>) target_semaphore(%arg24 : memref<!tpu.dma_semaphore, #tpu.memory_space<semaphore_mem>>)
      "tpu.region"() ({
        %run_scoped3A = tpu.sem_alloc : memref<!tpu.dma_semaphore, #tpu.memory_space<semaphore_mem>>
        %dma_start3A_69 = arith.constant 0 : i32
        %dma_start3A_70 = tpu.memref_slice %arg9[%mul3A_0, %dma_start3A_69] : memref<10240x128xf32, #tpu.memory_space<vmem_shared>> -> memref<640x128xf32, #tpu.memory_space<vmem_shared>>
        %dma_start3A_71 = arith.constant 0 : i32
        %dma_start3A_72 = tpu.memref_slice %arg5[%mul3A_0, %dma_start3A_71] : memref<10240x128xf32, #tpu.memory_space<hbm>> -> memref<640x128xf32, #tpu.memory_space<hbm>>
        tpu.enqueue_dma source(%dma_start3A_72 : memref<640x128xf32, #tpu.memory_space<hbm>>) target(%dma_start3A_70 : memref<640x128xf32, #tpu.memory_space<vmem_shared>>) target_semaphore(%run_scoped3A : memref<!tpu.dma_semaphore, #tpu.memory_space<semaphore_mem>>)
        %dma_wait3A_73 = arith.constant 0 : i32
        %dma_wait3A_74 = tpu.memref_slice %arg9[%mul3A_0, %dma_wait3A_73] : memref<10240x128xf32, #tpu.memory_space<vmem_shared>> -> memref<640x128xf32, #tpu.memory_space<vmem_shared>>
        %dma_wait3A_75 = arith.constant 0 : i32
        %dma_wait3A_76 = tpu.memref_slice %arg5[%mul3A_0, %dma_wait3A_75] : memref<10240x128xf32, #tpu.memory_space<hbm>> -> memref<640x128xf32, #tpu.memory_space<hbm>>
        tpu.wait_dma2 semaphore(%run_scoped3A : memref<!tpu.dma_semaphore, #tpu.memory_space<semaphore_mem>>) src(%dma_wait3A_76 : memref<640x128xf32, #tpu.memory_space<hbm>>) dst(%dma_wait3A_74 : memref<640x128xf32, #tpu.memory_space<vmem_shared>>)
        tpu.yield
      }) : () -> ()
      %dma_wait3A = tpu.memref_slice %arg6[%add3A] : memref<320000xi32, #tpu.memory_space<hbm>> -> memref<128xi32, #tpu.memory_space<hbm>>
      %dma_wait3A_27 = tpu.memref_slice %arg6[%add3A] : memref<320000xi32, #tpu.memory_space<hbm>> -> memref<128xi32, #tpu.memory_space<hbm>>
      tpu.wait_dma2 semaphore(%arg19 : memref<!tpu.dma_semaphore, #tpu.memory_space<semaphore_mem>>) src(%dma_wait3A_27 : memref<128xi32, #tpu.memory_space<hbm>>) dst(%arg10 : memref<128xi32, #tpu.memory_space<vmem>>)
      %dma_wait3A_28 = tpu.memref_slice %arg6[%add3A] : memref<320000xi32, #tpu.memory_space<hbm>> -> memref<128xi32, #tpu.memory_space<hbm>>
      %dma_wait3A_29 = tpu.memref_slice %arg6[%add3A] : memref<320000xi32, #tpu.memory_space<hbm>> -> memref<128xi32, #tpu.memory_space<hbm>>
      tpu.wait_dma2 semaphore(%arg20 : memref<!tpu.dma_semaphore, #tpu.memory_space<semaphore_mem>>) src(%dma_wait3A_29 : memref<128xi32, #tpu.memory_space<hbm>>) dst(%arg12 : memref<128xi32, #tpu.memory_space<vmem>>)
      %dma_start3A_30 = arith.constant 0 : i32
      %dma_start3A_31 = arith.constant 0 : i32
      %dma_start3A_32 = tpu.memref_slice %arg3[%dma_start3A_30, %dma_start3A_31] : memref<10240x128xf32, #tpu.memory_space<hbm>> -> memref<10240x128xf32, #tpu.memory_space<hbm>>
      tpu.enqueue_indirect_dma source(%dma_start3A_32 : memref<10240x128xf32, #tpu.memory_space<hbm>>) target(%arg16 : memref<128x128xf32, #tpu.memory_space<vmem>>) offsets(%arg10 : memref<128xi32, #tpu.memory_space<vmem>>) semaphore(%arg21 : memref<!tpu.dma_semaphore, #tpu.memory_space<semaphore_mem>>)
      %barrier3A = arith.constant 0 : index
      tpu.barrier barrier_id(%barrier3A)
      %scan3A = arith.constant 0 : i32
      %scan3A_33 = arith.constant 0 : i32
      %scan3A_34 = arith.constant 19 : i32
      %scan3A_35 = arith.addi %scan3A_33, %scan3A_34 : i32
      %scan3A_36 = arith.constant 1 : i32
      scf.for %scan3A_69 = %scan3A_33 to %scan3A_35 step %scan3A_36  : i32 {
        %mul3A_70 = arith.constant 2 : i32
        %mul3A_71 = arith.muli %mul3A_70, %scan3A_69 : i32
        %dma_wait3A_72 = arith.constant 0 : i32
        %dma_wait3A_73 = arith.constant 0 : i32
        %dma_wait3A_74 = tpu.memref_slice %arg3[%dma_wait3A_72, %dma_wait3A_73] : memref<10240x128xf32, #tpu.memory_space<hbm>> -> memref<10240x128xf32, #tpu.memory_space<hbm>>
        tpu.wait_indirect_dma semaphore(%arg21 : memref<!tpu.dma_semaphore, #tpu.memory_space<semaphore_mem>>) src(%dma_wait3A_74 : memref<10240x128xf32, #tpu.memory_space<hbm>>) dst(%arg16 : memref<128x128xf32, #tpu.memory_space<vmem>>)
        %dma_start3A_75 = arith.constant 0 : i32
        %dma_start3A_76 = arith.constant 0 : i32
        %dma_start3A_77 = tpu.memref_slice %arg9[%dma_start3A_75, %dma_start3A_76] : memref<10240x128xf32, #tpu.memory_space<vmem_shared>> -> memref<10240x128xf32, #tpu.memory_space<vmem_shared>>
        tpu.enqueue_indirect_dma source(%arg16 : memref<128x128xf32, #tpu.memory_space<vmem>>) target(%dma_start3A_77 : memref<10240x128xf32, #tpu.memory_space<vmem_shared>>) offsets(%arg12 : memref<128xi32, #tpu.memory_space<vmem>>) semaphore(%arg22 : memref<!tpu.dma_semaphore, #tpu.memory_space<semaphore_mem>>) {add = true}
        %dma_wait3A_78 = tpu.memref_slice %arg6[%add3A] : memref<320000xi32, #tpu.memory_space<hbm>> -> memref<128xi32, #tpu.memory_space<hbm>>
        %dma_wait3A_79 = tpu.memref_slice %arg6[%add3A] : memref<320000xi32, #tpu.memory_space<hbm>> -> memref<128xi32, #tpu.memory_space<hbm>>
        tpu.wait_dma2 semaphore(%arg23 : memref<!tpu.dma_semaphore, #tpu.memory_space<semaphore_mem>>) src(%dma_wait3A_79 : memref<128xi32, #tpu.memory_space<hbm>>) dst(%arg11 : memref<128xi32, #tpu.memory_space<vmem>>)
        %dma_wait3A_80 = tpu.memref_slice %arg6[%add3A] : memref<320000xi32, #tpu.memory_space<hbm>> -> memref<128xi32, #tpu.memory_space<hbm>>
        %dma_wait3A_81 = tpu.memref_slice %arg6[%add3A] : memref<320000xi32, #tpu.memory_space<hbm>> -> memref<128xi32, #tpu.memory_space<hbm>>
        tpu.wait_dma2 semaphore(%arg24 : memref<!tpu.dma_semaphore, #tpu.memory_space<semaphore_mem>>) src(%dma_wait3A_81 : memref<128xi32, #tpu.memory_space<hbm>>) dst(%arg13 : memref<128xi32, #tpu.memory_space<vmem>>)
        %dma_start3A_82 = arith.constant 0 : i32
        %dma_start3A_83 = arith.constant 0 : i32
        %dma_start3A_84 = tpu.memref_slice %arg3[%dma_start3A_82, %dma_start3A_83] : memref<10240x128xf32, #tpu.memory_space<hbm>> -> memref<10240x128xf32, #tpu.memory_space<hbm>>
        tpu.enqueue_indirect_dma source(%dma_start3A_84 : memref<10240x128xf32, #tpu.memory_space<hbm>>) target(%arg17 : memref<128x128xf32, #tpu.memory_space<vmem>>) offsets(%arg11 : memref<128xi32, #tpu.memory_space<vmem>>) semaphore(%arg25 : memref<!tpu.dma_semaphore, #tpu.memory_space<semaphore_mem>>)
        %dma_wait3A_85 = arith.constant 0 : i32
        %dma_wait3A_86 = arith.constant 0 : i32
        %dma_wait3A_87 = tpu.memref_slice %arg9[%dma_wait3A_85, %dma_wait3A_86] : memref<10240x128xf32, #tpu.memory_space<vmem_shared>> -> memref<10240x128xf32, #tpu.memory_space<vmem_shared>>
        tpu.wait_indirect_dma semaphore(%arg22 : memref<!tpu.dma_semaphore, #tpu.memory_space<semaphore_mem>>) src(%arg16 : memref<128x128xf32, #tpu.memory_space<vmem>>) dst(%dma_wait3A_87 : memref<10240x128xf32, #tpu.memory_space<vmem_shared>>)
        %add3A_88 = arith.constant 2 : i32
        %add3A_89 = arith.addi %mul3A_71, %add3A_88 : i32
        %lt3A_90 = arith.constant 39 : i32
        %lt3A_91 = arith.cmpi slt, %add3A_89, %lt3A_90 : i32
        %convert_element_type3A_92 = arith.extui %lt3A_91 : i1 to i32
        %cond3A_93 = arith.constant 0 : i32
        %cond3A_94 = arith.cmpi ne, %convert_element_type3A_92, %cond3A_93 : i32
        scf.if %cond3A_94 {
          %add3A_118 = arith.constant 2 : i32
          %add3A_119 = arith.addi %mul3A_71, %add3A_118 : i32
          %mul3A_120 = arith.constant 128 : i32
          %mul3A_121 = arith.muli %add3A_119, %mul3A_120 : i32
          %add3A_122 = arith.addi %add3A, %mul3A_121 : i32
          %dma_start3A_123 = tpu.memref_slice %arg6[%add3A_122] : memref<320000xi32, #tpu.memory_space<hbm>> -> memref<128xi32, #tpu.memory_space<hbm>>
          %dma_start3A_124 = tpu.memref_slice %arg6[%add3A_122] : memref<320000xi32, #tpu.memory_space<hbm>> -> memref<128xi32, #tpu.memory_space<hbm>>
          tpu.enqueue_dma source(%dma_start3A_124 : memref<128xi32, #tpu.memory_space<hbm>>) target(%arg10 : memref<128xi32, #tpu.memory_space<vmem>>) target_semaphore(%arg19 : memref<!tpu.dma_semaphore, #tpu.memory_space<semaphore_mem>>)
          %add3A_125 = arith.constant 160000 : i32
          %add3A_126 = arith.addi %add3A_125, %add3A_122 : i32
          %dma_start3A_127 = tpu.memref_slice %arg6[%add3A_126] : memref<320000xi32, #tpu.memory_space<hbm>> -> memref<128xi32, #tpu.memory_space<hbm>>
          %dma_start3A_128 = tpu.memref_slice %arg6[%add3A_126] : memref<320000xi32, #tpu.memory_space<hbm>> -> memref<128xi32, #tpu.memory_space<hbm>>
          tpu.enqueue_dma source(%dma_start3A_128 : memref<128xi32, #tpu.memory_space<hbm>>) target(%arg12 : memref<128xi32, #tpu.memory_space<vmem>>) target_semaphore(%arg20 : memref<!tpu.dma_semaphore, #tpu.memory_space<semaphore_mem>>)
        } else {
        }
        %dma_wait3A_95 = arith.constant 0 : i32
        %dma_wait3A_96 = arith.constant 0 : i32
        %dma_wait3A_97 = tpu.memref_slice %arg3[%dma_wait3A_95, %dma_wait3A_96] : memref<10240x128xf32, #tpu.memory_space<hbm>> -> memref<10240x128xf32, #tpu.memory_space<hbm>>
        tpu.wait_indirect_dma semaphore(%arg25 : memref<!tpu.dma_semaphore, #tpu.memory_space<semaphore_mem>>) src(%dma_wait3A_97 : memref<10240x128xf32, #tpu.memory_space<hbm>>) dst(%arg17 : memref<128x128xf32, #tpu.memory_space<vmem>>)
        %dma_start3A_98 = arith.constant 0 : i32
        %dma_start3A_99 = arith.constant 0 : i32
        %dma_start3A_100 = tpu.memref_slice %arg9[%dma_start3A_98, %dma_start3A_99] : memref<10240x128xf32, #tpu.memory_space<vmem_shared>> -> memref<10240x128xf32, #tpu.memory_space<vmem_shared>>
        tpu.enqueue_indirect_dma source(%arg17 : memref<128x128xf32, #tpu.memory_space<vmem>>) target(%dma_start3A_100 : memref<10240x128xf32, #tpu.memory_space<vmem_shared>>) offsets(%arg13 : memref<128xi32, #tpu.memory_space<vmem>>) semaphore(%arg26 : memref<!tpu.dma_semaphore, #tpu.memory_space<semaphore_mem>>) {add = true}
        %add3A_101 = arith.constant 2 : i32
        %add3A_102 = arith.addi %mul3A_71, %add3A_101 : i32
        %lt3A_103 = arith.constant 39 : i32
        %lt3A_104 = arith.cmpi slt, %add3A_102, %lt3A_103 : i32
        %convert_element_type3A_105 = arith.extui %lt3A_104 : i1 to i32
        %cond3A_106 = arith.constant 0 : i32
        %cond3A_107 = arith.cmpi ne, %convert_element_type3A_105, %cond3A_106 : i32
        scf.if %cond3A_107 {
          %dma_wait3A_118 = tpu.memref_slice %arg6[%add3A] : memref<320000xi32, #tpu.memory_space<hbm>> -> memref<128xi32, #tpu.memory_space<hbm>>
          %dma_wait3A_119 = tpu.memref_slice %arg6[%add3A] : memref<320000xi32, #tpu.memory_space<hbm>> -> memref<128xi32, #tpu.memory_space<hbm>>
          tpu.wait_dma2 semaphore(%arg19 : memref<!tpu.dma_semaphore, #tpu.memory_space<semaphore_mem>>) src(%dma_wait3A_119 : memref<128xi32, #tpu.memory_space<hbm>>) dst(%arg10 : memref<128xi32, #tpu.memory_space<vmem>>)
          %dma_wait3A_120 = tpu.memref_slice %arg6[%add3A] : memref<320000xi32, #tpu.memory_space<hbm>> -> memref<128xi32, #tpu.memory_space<hbm>>
          %dma_wait3A_121 = tpu.memref_slice %arg6[%add3A] : memref<320000xi32, #tpu.memory_space<hbm>> -> memref<128xi32, #tpu.memory_space<hbm>>
          tpu.wait_dma2 semaphore(%arg20 : memref<!tpu.dma_semaphore, #tpu.memory_space<semaphore_mem>>) src(%dma_wait3A_121 : memref<128xi32, #tpu.memory_space<hbm>>) dst(%arg12 : memref<128xi32, #tpu.memory_space<vmem>>)
          %dma_start3A_122 = arith.constant 0 : i32
          %dma_start3A_123 = arith.constant 0 : i32
          %dma_start3A_124 = tpu.memref_slice %arg3[%dma_start3A_122, %dma_start3A_123] : memref<10240x128xf32, #tpu.memory_space<hbm>> -> memref<10240x128xf32, #tpu.memory_space<hbm>>
          tpu.enqueue_indirect_dma source(%dma_start3A_124 : memref<10240x128xf32, #tpu.memory_space<hbm>>) target(%arg16 : memref<128x128xf32, #tpu.memory_space<vmem>>) offsets(%arg10 : memref<128xi32, #tpu.memory_space<vmem>>) semaphore(%arg21 : memref<!tpu.dma_semaphore, #tpu.memory_space<semaphore_mem>>)
        } else {
        }
        %dma_wait3A_108 = arith.constant 0 : i32
        %dma_wait3A_109 = arith.constant 0 : i32
        %dma_wait3A_110 = tpu.memref_slice %arg9[%dma_wait3A_108, %dma_wait3A_109] : memref<10240x128xf32, #tpu.memory_space<vmem_shared>> -> memref<10240x128xf32, #tpu.memory_space<vmem_shared>>
        tpu.wait_indirect_dma semaphore(%arg26 : memref<!tpu.dma_semaphore, #tpu.memory_space<semaphore_mem>>) src(%arg17 : memref<128x128xf32, #tpu.memory_space<vmem>>) dst(%dma_wait3A_110 : memref<10240x128xf32, #tpu.memory_space<vmem_shared>>)
        %add3A_111 = arith.constant 3 : i32
        %add3A_112 = arith.addi %mul3A_71, %add3A_111 : i32
        %lt3A_113 = arith.constant 39 : i32
        %lt3A_114 = arith.cmpi slt, %add3A_112, %lt3A_113 : i32
        %convert_element_type3A_115 = arith.extui %lt3A_114 : i1 to i32
        %cond3A_116 = arith.constant 0 : i32
        %cond3A_117 = arith.cmpi ne, %convert_element_type3A_115, %cond3A_116 : i32
        scf.if %cond3A_117 {
          %add3A_118 = arith.constant 3 : i32
          %add3A_119 = arith.addi %mul3A_71, %add3A_118 : i32
          %mul3A_120 = arith.constant 128 : i32
          %mul3A_121 = arith.muli %add3A_119, %mul3A_120 : i32
          %add3A_122 = arith.addi %add3A, %mul3A_121 : i32
          %dma_start3A_123 = tpu.memref_slice %arg6[%add3A_122] : memref<320000xi32, #tpu.memory_space<hbm>> -> memref<128xi32, #tpu.memory_space<hbm>>
          %dma_start3A_124 = tpu.memref_slice %arg6[%add3A_122] : memref<320000xi32, #tpu.memory_space<hbm>> -> memref<128xi32, #tpu.memory_space<hbm>>
          tpu.enqueue_dma source(%dma_start3A_124 : memref<128xi32, #tpu.memory_space<hbm>>) target(%arg11 : memref<128xi32, #tpu.memory_space<vmem>>) target_semaphore(%arg23 : memref<!tpu.dma_semaphore, #tpu.memory_space<semaphore_mem>>)
          %add3A_125 = arith.constant 160000 : i32
          %add3A_126 = arith.addi %add3A_125, %add3A_122 : i32
          %dma_start3A_127 = tpu.memref_slice %arg6[%add3A_126] : memref<320000xi32, #tpu.memory_space<hbm>> -> memref<128xi32, #tpu.memory_space<hbm>>
          %dma_start3A_128 = tpu.memref_slice %arg6[%add3A_126] : memref<320000xi32, #tpu.memory_space<hbm>> -> memref<128xi32, #tpu.memory_space<hbm>>
          tpu.enqueue_dma source(%dma_start3A_128 : memref<128xi32, #tpu.memory_space<hbm>>) target(%arg13 : memref<128xi32, #tpu.memory_space<vmem>>) target_semaphore(%arg24 : memref<!tpu.dma_semaphore, #tpu.memory_space<semaphore_mem>>)
        } else {
        }
      }
      %scan3A_37 = arith.constant 19 : i32
      %dma_wait3A_38 = arith.constant 0 : i32
      %dma_wait3A_39 = arith.constant 0 : i32
      %dma_wait3A_40 = tpu.memref_slice %arg3[%dma_wait3A_38, %dma_wait3A_39] : memref<10240x128xf32, #tpu.memory_space<hbm>> -> memref<10240x128xf32, #tpu.memory_space<hbm>>
      tpu.wait_indirect_dma semaphore(%arg21 : memref<!tpu.dma_semaphore, #tpu.memory_space<semaphore_mem>>) src(%dma_wait3A_40 : memref<10240x128xf32, #tpu.memory_space<hbm>>) dst(%arg16 : memref<128x128xf32, #tpu.memory_space<vmem>>)
      %dma_start3A_41 = arith.constant 0 : i32
      %dma_start3A_42 = arith.constant 0 : i32
      %dma_start3A_43 = tpu.memref_slice %arg9[%dma_start3A_41, %dma_start3A_42] : memref<10240x128xf32, #tpu.memory_space<vmem_shared>> -> memref<10240x128xf32, #tpu.memory_space<vmem_shared>>
      tpu.enqueue_indirect_dma source(%arg16 : memref<128x128xf32, #tpu.memory_space<vmem>>) target(%dma_start3A_43 : memref<10240x128xf32, #tpu.memory_space<vmem_shared>>) offsets(%arg12 : memref<128xi32, #tpu.memory_space<vmem>>) semaphore(%arg22 : memref<!tpu.dma_semaphore, #tpu.memory_space<semaphore_mem>>) {add = true}
      %dma_wait3A_44 = arith.constant 0 : i32
      %dma_wait3A_45 = arith.constant 0 : i32
      %dma_wait3A_46 = tpu.memref_slice %arg9[%dma_wait3A_44, %dma_wait3A_45] : memref<10240x128xf32, #tpu.memory_space<vmem_shared>> -> memref<10240x128xf32, #tpu.memory_space<vmem_shared>>
      tpu.wait_indirect_dma semaphore(%arg22 : memref<!tpu.dma_semaphore, #tpu.memory_space<semaphore_mem>>) src(%arg16 : memref<128x128xf32, #tpu.memory_space<vmem>>) dst(%dma_wait3A_46 : memref<10240x128xf32, #tpu.memory_space<vmem_shared>>)
      %add3A_47 = arith.constant 5000 : i32
      %add3A_48 = arith.addi %add3A, %add3A_47 : i32
      %sub3A = arith.constant 16 : i32
      %sub3A_49 = arith.subi %add3A_48, %sub3A : i32
      "tpu.region"() ({
        %run_scoped3A = tpu.sem_alloc : memref<!tpu.dma_semaphore, #tpu.memory_space<semaphore_mem>>
        %dma_start3A_69 = tpu.memref_slice %arg6[%sub3A_49] : memref<320000xi32, #tpu.memory_space<hbm>> -> memref<16xi32, #tpu.memory_space<hbm>>
        %dma_start3A_70 = tpu.memref_slice %arg6[%sub3A_49] : memref<320000xi32, #tpu.memory_space<hbm>> -> memref<16xi32, #tpu.memory_space<hbm>>
        tpu.enqueue_dma source(%dma_start3A_70 : memref<16xi32, #tpu.memory_space<hbm>>) target(%arg14 : memref<16xi32, #tpu.memory_space<vmem>>) target_semaphore(%run_scoped3A : memref<!tpu.dma_semaphore, #tpu.memory_space<semaphore_mem>>)
        %dma_wait3A_71 = tpu.memref_slice %arg6[%sub3A_49] : memref<320000xi32, #tpu.memory_space<hbm>> -> memref<16xi32, #tpu.memory_space<hbm>>
        %dma_wait3A_72 = tpu.memref_slice %arg6[%sub3A_49] : memref<320000xi32, #tpu.memory_space<hbm>> -> memref<16xi32, #tpu.memory_space<hbm>>
        tpu.wait_dma2 semaphore(%run_scoped3A : memref<!tpu.dma_semaphore, #tpu.memory_space<semaphore_mem>>) src(%dma_wait3A_72 : memref<16xi32, #tpu.memory_space<hbm>>) dst(%arg14 : memref<16xi32, #tpu.memory_space<vmem>>)
        tpu.yield
      }) : () -> ()
      %add3A_50 = arith.constant 160000 : i32
      %add3A_51 = arith.addi %add3A_50, %sub3A_49 : i32
      "tpu.region"() ({
        %run_scoped3A = tpu.sem_alloc : memref<!tpu.dma_semaphore, #tpu.memory_space<semaphore_mem>>
        %dma_start3A_69 = tpu.memref_slice %arg6[%add3A_51] : memref<320000xi32, #tpu.memory_space<hbm>> -> memref<16xi32, #tpu.memory_space<hbm>>
        %dma_start3A_70 = tpu.memref_slice %arg6[%add3A_51] : memref<320000xi32, #tpu.memory_space<hbm>> -> memref<16xi32, #tpu.memory_space<hbm>>
        tpu.enqueue_dma source(%dma_start3A_70 : memref<16xi32, #tpu.memory_space<hbm>>) target(%arg15 : memref<16xi32, #tpu.memory_space<vmem>>) target_semaphore(%run_scoped3A : memref<!tpu.dma_semaphore, #tpu.memory_space<semaphore_mem>>)
        %dma_wait3A_71 = tpu.memref_slice %arg6[%add3A_51] : memref<320000xi32, #tpu.memory_space<hbm>> -> memref<16xi32, #tpu.memory_space<hbm>>
        %dma_wait3A_72 = tpu.memref_slice %arg6[%add3A_51] : memref<320000xi32, #tpu.memory_space<hbm>> -> memref<16xi32, #tpu.memory_space<hbm>>
        tpu.wait_dma2 semaphore(%run_scoped3A : memref<!tpu.dma_semaphore, #tpu.memory_space<semaphore_mem>>) src(%dma_wait3A_72 : memref<16xi32, #tpu.memory_space<hbm>>) dst(%arg15 : memref<16xi32, #tpu.memory_space<vmem>>)
        tpu.yield
      }) : () -> ()
      %iota3A = tpu.iota {dimensions = array<i32: 0>} : vector<16xi32>
      %lt3A = arith.constant 8 : i32
      %lt3A_52 = vector.broadcast %lt3A : i32 to vector<16xi32>
      %lt3A_53 = arith.cmpi slt, %iota3A, %lt3A_52 : vector<16xi32>
      %add3A_54 = arith.constant 10000 : i32
      %add3A_55 = vector.broadcast %add3A_54 : i32 to vector<16xi32>
      %add3A_56 = arith.addi %add3A_55, %iota3A : vector<16xi32>
      %get3A = arith.constant 0 : index
      %get3A_57 = tpu.vector_load %arg15[%get3A] {strides = array<i32>} : memref<16xi32, #tpu.memory_space<vmem>>, vector<16xi32>,
      %get3A_58 = vector.shape_cast %get3A_57 : vector<16xi32> to vector<16xi32>
      %select_n3A = arith.select %lt3A_53, %add3A_56, %get3A_58 : vector<16xi1>, vector<16xi32>
      %swap3A = arith.constant 0 : index
      %swap3A_59 = tpu.vector_load %arg15[%swap3A] {strides = array<i32>} : memref<16xi32, #tpu.memory_space<vmem>>, vector<16xi32>,
      %swap3A_60 = vector.shape_cast %swap3A_59 : vector<16xi32> to vector<16xi32>
      %swap3A_61 = vector.shape_cast %select_n3A : vector<16xi32> to vector<16xi32>
      tpu.vector_store %arg15[%swap3A], %swap3A_61 {strides = array<i32>} : memref<16xi32, #tpu.memory_space<vmem>>, vector<16xi32>,
      %dma_start3A_62 = arith.constant 0 : i32
      %dma_start3A_63 = arith.constant 0 : i32
      %dma_start3A_64 = tpu.memref_slice %arg3[%dma_start3A_62, %dma_start3A_63] : memref<10240x128xf32, #tpu.memory_space<hbm>> -> memref<10240x128xf32, #tpu.memory_space<hbm>>
      tpu.enqueue_indirect_dma source(%dma_start3A_64 : memref<10240x128xf32, #tpu.memory_space<hbm>>) target(%arg18 : memref<16x128xf32, #tpu.memory_space<vmem>>) offsets(%arg14 : memref<16xi32, #tpu.memory_space<vmem>>) semaphore(%arg27 : memref<!tpu.dma_semaphore, #tpu.memory_space<semaphore_mem>>)
      %dma_wait3A_65 = arith.constant 0 : i32
      %dma_wait3A_66 = arith.constant 0 : i32
      %dma_wait3A_67 = tpu.memref_slice %arg3[%dma_wait3A_65, %dma_wait3A_66] : memref<10240x128xf32, #tpu.memory_space<hbm>> -> memref<10240x128xf32, #tpu.memory_space<hbm>>
      tpu.wait_indirect_dma semaphore(%arg27 : memref<!tpu.dma_semaphore, #tpu.memory_space<semaphore_mem>>) src(%dma_wait3A_67 : memref<10240x128xf32, #tpu.memory_space<hbm>>) dst(%arg18 : memref<16x128xf32, #tpu.memory_space<vmem>>)
      "tpu.region"() ({
        %run_scoped3A = tpu.sem_alloc : memref<!tpu.dma_semaphore, #tpu.memory_space<semaphore_mem>>
        %dma_start3A_69 = arith.constant 0 : i32
        %dma_start3A_70 = arith.constant 0 : i32
        %dma_start3A_71 = tpu.memref_slice %arg9[%dma_start3A_69, %dma_start3A_70] : memref<10240x128xf32, #tpu.memory_space<vmem_shared>> -> memref<10240x128xf32, #tpu.memory_space<vmem_shared>>
        tpu.enqueue_indirect_dma source(%arg18 : memref<16x128xf32, #tpu.memory_space<vmem>>) target(%dma_start3A_71 : memref<10240x128xf32, #tpu.memory_space<vmem_shared>>) offsets(%arg15 : memref<16xi32, #tpu.memory_space<vmem>>) semaphore(%run_scoped3A : memref<!tpu.dma_semaphore, #tpu.memory_space<semaphore_mem>>) {add = true}
        %dma_wait3A_72 = arith.constant 0 : i32
        %dma_wait3A_73 = arith.constant 0 : i32
        %dma_wait3A_74 = tpu.memref_slice %arg9[%dma_wait3A_72, %dma_wait3A_73] : memref<10240x128xf32, #tpu.memory_space<vmem_shared>> -> memref<10240x128xf32, #tpu.memory_space<vmem_shared>>
        tpu.wait_indirect_dma semaphore(%run_scoped3A : memref<!tpu.dma_semaphore, #tpu.memory_space<semaphore_mem>>) src(%arg18 : memref<16x128xf32, #tpu.memory_space<vmem>>) dst(%dma_wait3A_74 : memref<10240x128xf32, #tpu.memory_space<vmem_shared>>)
        tpu.yield
      }) : () -> ()
      %barrier3A_68 = arith.constant 0 : index
      tpu.barrier barrier_id(%barrier3A_68)
      "tpu.region"() ({
        %run_scoped3A = tpu.sem_alloc : memref<!tpu.dma_semaphore, #tpu.memory_space<semaphore_mem>>
        %dma_start3A_69 = arith.constant 0 : i32
        %dma_start3A_70 = tpu.memref_slice %arg8[%mul3A_0, %dma_start3A_69] : memref<10240x128xf32, #tpu.memory_space<hbm>> -> memref<640x128xf32, #tpu.memory_space<hbm>>
        %dma_start3A_71 = arith.constant 0 : i32
        %dma_start3A_72 = tpu.memref_slice %arg9[%mul3A_0, %dma_start3A_71] : memref<10240x128xf32, #tpu.memory_space<vmem_shared>> -> memref<640x128xf32, #tpu.memory_space<vmem_shared>>
        tpu.enqueue_dma source(%dma_start3A_72 : memref<640x128xf32, #tpu.memory_space<vmem_shared>>) target(%dma_start3A_70 : memref<640x128xf32, #tpu.memory_space<hbm>>) target_semaphore(%run_scoped3A : memref<!tpu.dma_semaphore, #tpu.memory_space<semaphore_mem>>)
        %dma_wait3A_73 = arith.constant 0 : i32
        %dma_wait3A_74 = tpu.memref_slice %arg8[%mul3A_0, %dma_wait3A_73] : memref<10240x128xf32, #tpu.memory_space<hbm>> -> memref<640x128xf32, #tpu.memory_space<hbm>>
        %dma_wait3A_75 = arith.constant 0 : i32
        %dma_wait3A_76 = tpu.memref_slice %arg9[%mul3A_0, %dma_wait3A_75] : memref<10240x128xf32, #tpu.memory_space<vmem_shared>> -> memref<640x128xf32, #tpu.memory_space<vmem_shared>>
        tpu.wait_dma2 semaphore(%run_scoped3A : memref<!tpu.dma_semaphore, #tpu.memory_space<semaphore_mem>>) src(%dma_wait3A_76 : memref<640x128xf32, #tpu.memory_space<vmem_shared>>) dst(%dma_wait3A_74 : memref<640x128xf32, #tpu.memory_space<hbm>>)
        tpu.yield
      }) : () -> ()
    } else {
    }
    return
  }
}

#map = affine_map<(d0, d1) -> (0, 0)>
#map1 = affine_map<(d0, d1) -> (0)>
module attributes {stable_mosaic.version = 14 : i64} {
  func.func @agg_kernel(%arg0: i32, %arg1: i32, %arg2: memref<10240x128xf32, #tpu.memory_space<hbm>>, %arg3: memref<10240x128xf32, #tpu.memory_space<hbm>>, %arg4: memref<10240x128xf32, #tpu.memory_space<hbm>>, %arg5: memref<10240x128xf32, #tpu.memory_space<hbm>>, %arg6: memref<320000xi32, #tpu.memory_space<hbm>>, %arg7: memref<10240x128xf32, #tpu.memory_space<hbm>>, %arg8: memref<10240x128xf32, #tpu.memory_space<hbm>>, %arg9: memref<10240x128xf32, #tpu.memory_space<vmem_shared>>, %arg10: memref<128xi32, #tpu.memory_space<vmem>>, %arg11: memref<128xi32, #tpu.memory_space<vmem>>, %arg12: memref<128xi32, #tpu.memory_space<vmem>>, %arg13: memref<128xi32, #tpu.memory_space<vmem>>, %arg14: memref<16xi32, #tpu.memory_space<vmem>>, %arg15: memref<16xi32, #tpu.memory_space<vmem>>, %arg16: memref<128x128xf32, #tpu.memory_space<vmem>>, %arg17: memref<128x128xf32, #tpu.memory_space<vmem>>, %arg18: memref<16x128xf32, #tpu.memory_space<vmem>>, %arg19: memref<!tpu.dma_semaphore, #tpu.memory_space<semaphore_mem>>, %arg20: memref<!tpu.dma_semaphore, #tpu.memory_space<semaphore_mem>>, %arg21: memref<!tpu.dma_semaphore, #tpu.memory_space<semaphore_mem>>, %arg22: memref<!tpu.dma_semaphore, #tpu.memory_space<semaphore_mem>>, %arg23: memref<!tpu.dma_semaphore, #tpu.memory_space<semaphore_mem>>, %arg24: memref<!tpu.dma_semaphore, #tpu.memory_space<semaphore_mem>>, %arg25: memref<!tpu.dma_semaphore, #tpu.memory_space<semaphore_mem>>, %arg26: memref<!tpu.dma_semaphore, #tpu.memory_space<semaphore_mem>>, %arg27: memref<!tpu.dma_semaphore, #tpu.memory_space<semaphore_mem>>) attributes {dimension_semantics = [#tpu.dimension_semantics<core_parallel>, #tpu.dimension_semantics<subcore_parallel>], iteration_bounds = array<i64: 2, 16>, scalar_prefetch = 0 : i64, scratch_operands = 19 : i64, tpu.core_type = #tpu.core_type<sc_vector_subcore>, window_params = [{transform_indices = #map}, {transform_indices = #map}, {transform_indices = #map}, {transform_indices = #map}, {transform_indices = #map1}, {transform_indices = #map}, {transform_indices = #map}]} {
    %mul3A = arith.constant 640 : i32
    %mul3A_0 = arith.muli %arg1, %mul3A : i32
    %eq3A = arith.constant 0 : i32
    %eq3A_1 = arith.cmpi eq, %arg0, %eq3A : i32
    %convert_element_type3A = arith.extui %eq3A_1 : i1 to i32
    %cond3A = arith.constant 0 : i32
    %cond3A_2 = arith.cmpi ne, %convert_element_type3A, %cond3A : i32
    scf.if %cond3A_2 {
      %mul3A_8 = arith.constant 0 : i32
      %mul3A_9 = arith.muli %arg0, %mul3A_8 : i32
      %mul3A_10 = arith.constant 10000 : i32
      %mul3A_11 = arith.muli %arg1, %mul3A_10 : i32
      %add3A = arith.addi %mul3A_9, %mul3A_11 : i32
      %add3A_12 = arith.constant 0 : i32
      %add3A_13 = arith.addi %add3A, %add3A_12 : i32
      %dma_start3A = tpu.memref_slice %arg6[%add3A_13] : memref<320000xi32, #tpu.memory_space<hbm>> -> memref<128xi32, #tpu.memory_space<hbm>>
      %dma_start3A_14 = tpu.memref_slice %arg6[%add3A_13] : memref<320000xi32, #tpu.memory_space<hbm>> -> memref<128xi32, #tpu.memory_space<hbm>>
      tpu.enqueue_dma source(%dma_start3A_14 : memref<128xi32, #tpu.memory_space<hbm>>) target(%arg10 : memref<128xi32, #tpu.memory_space<vmem>>) target_semaphore(%arg19 : memref<!tpu.dma_semaphore, #tpu.memory_space<semaphore_mem>>)
      %add3A_15 = arith.constant 160000 : i32
      %add3A_16 = arith.addi %add3A_15, %add3A_13 : i32
      %dma_start3A_17 = tpu.memref_slice %arg6[%add3A_16] : memref<320000xi32, #tpu.memory_space<hbm>> -> memref<128xi32, #tpu.memory_space<hbm>>
      %dma_start3A_18 = tpu.memref_slice %arg6[%add3A_16] : memref<320000xi32, #tpu.memory_space<hbm>> -> memref<128xi32, #tpu.memory_space<hbm>>
      tpu.enqueue_dma source(%dma_start3A_18 : memref<128xi32, #tpu.memory_space<hbm>>) target(%arg12 : memref<128xi32, #tpu.memory_space<vmem>>) target_semaphore(%arg20 : memref<!tpu.dma_semaphore, #tpu.memory_space<semaphore_mem>>)
      %add3A_19 = arith.constant 128 : i32
      %add3A_20 = arith.addi %add3A, %add3A_19 : i32
      %dma_start3A_21 = tpu.memref_slice %arg6[%add3A_20] : memref<320000xi32, #tpu.memory_space<hbm>> -> memref<128xi32, #tpu.memory_space<hbm>>
      %dma_start3A_22 = tpu.memref_slice %arg6[%add3A_20] : memref<320000xi32, #tpu.memory_space<hbm>> -> memref<128xi32, #tpu.memory_space<hbm>>
      tpu.enqueue_dma source(%dma_start3A_22 : memref<128xi32, #tpu.memory_space<hbm>>) target(%arg11 : memref<128xi32, #tpu.memory_space<vmem>>) target_semaphore(%arg23 : memref<!tpu.dma_semaphore, #tpu.memory_space<semaphore_mem>>)
      %add3A_23 = arith.constant 160000 : i32
      %add3A_24 = arith.addi %add3A_23, %add3A_20 : i32
      %dma_start3A_25 = tpu.memref_slice %arg6[%add3A_24] : memref<320000xi32, #tpu.memory_space<hbm>> -> memref<128xi32, #tpu.memory_space<hbm>>
      %dma_start3A_26 = tpu.memref_slice %arg6[%add3A_24] : memref<320000xi32, #tpu.memory_space<hbm>> -> memref<128xi32, #tpu.memory_space<hbm>>
      tpu.enqueue_dma source(%dma_start3A_26 : memref<128xi32, #tpu.memory_space<hbm>>) target(%arg13 : memref<128xi32, #tpu.memory_space<vmem>>) target_semaphore(%arg24 : memref<!tpu.dma_semaphore, #tpu.memory_space<semaphore_mem>>)
      "tpu.region"() ({
        %run_scoped3A = tpu.sem_alloc : memref<!tpu.dma_semaphore, #tpu.memory_space<semaphore_mem>>
        %dma_start3A_50 = arith.constant 0 : i32
        %dma_start3A_51 = tpu.memref_slice %arg9[%mul3A_0, %dma_start3A_50] : memref<10240x128xf32, #tpu.memory_space<vmem_shared>> -> memref<640x128xf32, #tpu.memory_space<vmem_shared>>
        %dma_start3A_52 = arith.constant 0 : i32
        %dma_start3A_53 = tpu.memref_slice %arg4[%mul3A_0, %dma_start3A_52] : memref<10240x128xf32, #tpu.memory_space<hbm>> -> memref<640x128xf32, #tpu.memory_space<hbm>>
        tpu.enqueue_dma source(%dma_start3A_53 : memref<640x128xf32, #tpu.memory_space<hbm>>) target(%dma_start3A_51 : memref<640x128xf32, #tpu.memory_space<vmem_shared>>) target_semaphore(%run_scoped3A : memref<!tpu.dma_semaphore, #tpu.memory_space<semaphore_mem>>)
        %dma_wait3A_54 = arith.constant 0 : i32
        %dma_wait3A_55 = tpu.memref_slice %arg9[%mul3A_0, %dma_wait3A_54] : memref<10240x128xf32, #tpu.memory_space<vmem_shared>> -> memref<640x128xf32, #tpu.memory_space<vmem_shared>>
        %dma_wait3A_56 = arith.constant 0 : i32
        %dma_wait3A_57 = tpu.memref_slice %arg4[%mul3A_0, %dma_wait3A_56] : memref<10240x128xf32, #tpu.memory_space<hbm>> -> memref<640x128xf32, #tpu.memory_space<hbm>>
        tpu.wait_dma2 semaphore(%run_scoped3A : memref<!tpu.dma_semaphore, #tpu.memory_space<semaphore_mem>>) src(%dma_wait3A_57 : memref<640x128xf32, #tpu.memory_space<hbm>>) dst(%dma_wait3A_55 : memref<640x128xf32, #tpu.memory_space<vmem_shared>>)
        tpu.yield
      }) : () -> ()
      %dma_wait3A = tpu.memref_slice %arg6[%add3A] : memref<320000xi32, #tpu.memory_space<hbm>> -> memref<128xi32, #tpu.memory_space<hbm>>
      %dma_wait3A_27 = tpu.memref_slice %arg6[%add3A] : memref<320000xi32, #tpu.memory_space<hbm>> -> memref<128xi32, #tpu.memory_space<hbm>>
      tpu.wait_dma2 semaphore(%arg19 : memref<!tpu.dma_semaphore, #tpu.memory_space<semaphore_mem>>) src(%dma_wait3A_27 : memref<128xi32, #tpu.memory_space<hbm>>) dst(%arg10 : memref<128xi32, #tpu.memory_space<vmem>>)
      %dma_wait3A_28 = tpu.memref_slice %arg6[%add3A] : memref<320000xi32, #tpu.memory_space<hbm>> -> memref<128xi32, #tpu.memory_space<hbm>>
      %dma_wait3A_29 = tpu.memref_slice %arg6[%add3A] : memref<320000xi32, #tpu.memory_space<hbm>> -> memref<128xi32, #tpu.memory_space<hbm>>
      tpu.wait_dma2 semaphore(%arg20 : memref<!tpu.dma_semaphore, #tpu.memory_space<semaphore_mem>>) src(%dma_wait3A_29 : memref<128xi32, #tpu.memory_space<hbm>>) dst(%arg12 : memref<128xi32, #tpu.memory_space<vmem>>)
      %dma_start3A_30 = arith.constant 0 : i32
      %dma_start3A_31 = arith.constant 0 : i32
      %dma_start3A_32 = tpu.memref_slice %arg2[%dma_start3A_30, %dma_start3A_31] : memref<10240x128xf32, #tpu.memory_space<hbm>> -> memref<10240x128xf32, #tpu.memory_space<hbm>>
      tpu.enqueue_indirect_dma source(%dma_start3A_32 : memref<10240x128xf32, #tpu.memory_space<hbm>>) target(%arg16 : memref<128x128xf32, #tpu.memory_space<vmem>>) offsets(%arg10 : memref<128xi32, #tpu.memory_space<vmem>>) semaphore(%arg21 : memref<!tpu.dma_semaphore, #tpu.memory_space<semaphore_mem>>)
      %barrier3A = arith.constant 0 : index
      tpu.barrier barrier_id(%barrier3A)
      %scan3A = arith.constant 0 : i32
      %scan3A_33 = arith.constant 0 : i32
      %scan3A_34 = arith.constant 39 : i32
      %scan3A_35 = arith.addi %scan3A_33, %scan3A_34 : i32
      %scan3A_36 = arith.constant 1 : i32
      scf.for %scan3A_50 = %scan3A_33 to %scan3A_35 step %scan3A_36  : i32 {
        %mul3A_51 = arith.constant 2 : i32
        %mul3A_52 = arith.muli %mul3A_51, %scan3A_50 : i32
        %dma_wait3A_53 = arith.constant 0 : i32
        %dma_wait3A_54 = arith.constant 0 : i32
        %dma_wait3A_55 = tpu.memref_slice %arg2[%dma_wait3A_53, %dma_wait3A_54] : memref<10240x128xf32, #tpu.memory_space<hbm>> -> memref<10240x128xf32, #tpu.memory_space<hbm>>
        tpu.wait_indirect_dma semaphore(%arg21 : memref<!tpu.dma_semaphore, #tpu.memory_space<semaphore_mem>>) src(%dma_wait3A_55 : memref<10240x128xf32, #tpu.memory_space<hbm>>) dst(%arg16 : memref<128x128xf32, #tpu.memory_space<vmem>>)
        %dma_start3A_56 = arith.constant 0 : i32
        %dma_start3A_57 = arith.constant 0 : i32
        %dma_start3A_58 = tpu.memref_slice %arg9[%dma_start3A_56, %dma_start3A_57] : memref<10240x128xf32, #tpu.memory_space<vmem_shared>> -> memref<10240x128xf32, #tpu.memory_space<vmem_shared>>
        tpu.enqueue_indirect_dma source(%arg16 : memref<128x128xf32, #tpu.memory_space<vmem>>) target(%dma_start3A_58 : memref<10240x128xf32, #tpu.memory_space<vmem_shared>>) offsets(%arg12 : memref<128xi32, #tpu.memory_space<vmem>>) semaphore(%arg22 : memref<!tpu.dma_semaphore, #tpu.memory_space<semaphore_mem>>) {add = true}
        %dma_wait3A_59 = tpu.memref_slice %arg6[%add3A] : memref<320000xi32, #tpu.memory_space<hbm>> -> memref<128xi32, #tpu.memory_space<hbm>>
        %dma_wait3A_60 = tpu.memref_slice %arg6[%add3A] : memref<320000xi32, #tpu.memory_space<hbm>> -> memref<128xi32, #tpu.memory_space<hbm>>
        tpu.wait_dma2 semaphore(%arg23 : memref<!tpu.dma_semaphore, #tpu.memory_space<semaphore_mem>>) src(%dma_wait3A_60 : memref<128xi32, #tpu.memory_space<hbm>>) dst(%arg11 : memref<128xi32, #tpu.memory_space<vmem>>)
        %dma_wait3A_61 = tpu.memref_slice %arg6[%add3A] : memref<320000xi32, #tpu.memory_space<hbm>> -> memref<128xi32, #tpu.memory_space<hbm>>
        %dma_wait3A_62 = tpu.memref_slice %arg6[%add3A] : memref<320000xi32, #tpu.memory_space<hbm>> -> memref<128xi32, #tpu.memory_space<hbm>>
        tpu.wait_dma2 semaphore(%arg24 : memref<!tpu.dma_semaphore, #tpu.memory_space<semaphore_mem>>) src(%dma_wait3A_62 : memref<128xi32, #tpu.memory_space<hbm>>) dst(%arg13 : memref<128xi32, #tpu.memory_space<vmem>>)
        %dma_start3A_63 = arith.constant 0 : i32
        %dma_start3A_64 = arith.constant 0 : i32
        %dma_start3A_65 = tpu.memref_slice %arg2[%dma_start3A_63, %dma_start3A_64] : memref<10240x128xf32, #tpu.memory_space<hbm>> -> memref<10240x128xf32, #tpu.memory_space<hbm>>
        tpu.enqueue_indirect_dma source(%dma_start3A_65 : memref<10240x128xf32, #tpu.memory_space<hbm>>) target(%arg17 : memref<128x128xf32, #tpu.memory_space<vmem>>) offsets(%arg11 : memref<128xi32, #tpu.memory_space<vmem>>) semaphore(%arg25 : memref<!tpu.dma_semaphore, #tpu.memory_space<semaphore_mem>>)
        %dma_wait3A_66 = arith.constant 0 : i32
        %dma_wait3A_67 = arith.constant 0 : i32
        %dma_wait3A_68 = tpu.memref_slice %arg9[%dma_wait3A_66, %dma_wait3A_67] : memref<10240x128xf32, #tpu.memory_space<vmem_shared>> -> memref<10240x128xf32, #tpu.memory_space<vmem_shared>>
        tpu.wait_indirect_dma semaphore(%arg22 : memref<!tpu.dma_semaphore, #tpu.memory_space<semaphore_mem>>) src(%arg16 : memref<128x128xf32, #tpu.memory_space<vmem>>) dst(%dma_wait3A_68 : memref<10240x128xf32, #tpu.memory_space<vmem_shared>>)
        %add3A_69 = arith.constant 2 : i32
        %add3A_70 = arith.addi %mul3A_52, %add3A_69 : i32
        %lt3A = arith.constant 78 : i32
        %lt3A_71 = arith.cmpi slt, %add3A_70, %lt3A : i32
        %convert_element_type3A_72 = arith.extui %lt3A_71 : i1 to i32
        %cond3A_73 = arith.constant 0 : i32
        %cond3A_74 = arith.cmpi ne, %convert_element_type3A_72, %cond3A_73 : i32
        scf.if %cond3A_74 {
          %add3A_98 = arith.constant 2 : i32
          %add3A_99 = arith.addi %mul3A_52, %add3A_98 : i32
          %mul3A_100 = arith.constant 128 : i32
          %mul3A_101 = arith.muli %add3A_99, %mul3A_100 : i32
          %add3A_102 = arith.addi %add3A, %mul3A_101 : i32
          %dma_start3A_103 = tpu.memref_slice %arg6[%add3A_102] : memref<320000xi32, #tpu.memory_space<hbm>> -> memref<128xi32, #tpu.memory_space<hbm>>
          %dma_start3A_104 = tpu.memref_slice %arg6[%add3A_102] : memref<320000xi32, #tpu.memory_space<hbm>> -> memref<128xi32, #tpu.memory_space<hbm>>
          tpu.enqueue_dma source(%dma_start3A_104 : memref<128xi32, #tpu.memory_space<hbm>>) target(%arg10 : memref<128xi32, #tpu.memory_space<vmem>>) target_semaphore(%arg19 : memref<!tpu.dma_semaphore, #tpu.memory_space<semaphore_mem>>)
          %add3A_105 = arith.constant 160000 : i32
          %add3A_106 = arith.addi %add3A_105, %add3A_102 : i32
          %dma_start3A_107 = tpu.memref_slice %arg6[%add3A_106] : memref<320000xi32, #tpu.memory_space<hbm>> -> memref<128xi32, #tpu.memory_space<hbm>>
          %dma_start3A_108 = tpu.memref_slice %arg6[%add3A_106] : memref<320000xi32, #tpu.memory_space<hbm>> -> memref<128xi32, #tpu.memory_space<hbm>>
          tpu.enqueue_dma source(%dma_start3A_108 : memref<128xi32, #tpu.memory_space<hbm>>) target(%arg12 : memref<128xi32, #tpu.memory_space<vmem>>) target_semaphore(%arg20 : memref<!tpu.dma_semaphore, #tpu.memory_space<semaphore_mem>>)
        } else {
        }
        %dma_wait3A_75 = arith.constant 0 : i32
        %dma_wait3A_76 = arith.constant 0 : i32
        %dma_wait3A_77 = tpu.memref_slice %arg2[%dma_wait3A_75, %dma_wait3A_76] : memref<10240x128xf32, #tpu.memory_space<hbm>> -> memref<10240x128xf32, #tpu.memory_space<hbm>>
        tpu.wait_indirect_dma semaphore(%arg25 : memref<!tpu.dma_semaphore, #tpu.memory_space<semaphore_mem>>) src(%dma_wait3A_77 : memref<10240x128xf32, #tpu.memory_space<hbm>>) dst(%arg17 : memref<128x128xf32, #tpu.memory_space<vmem>>)
        %dma_start3A_78 = arith.constant 0 : i32
        %dma_start3A_79 = arith.constant 0 : i32
        %dma_start3A_80 = tpu.memref_slice %arg9[%dma_start3A_78, %dma_start3A_79] : memref<10240x128xf32, #tpu.memory_space<vmem_shared>> -> memref<10240x128xf32, #tpu.memory_space<vmem_shared>>
        tpu.enqueue_indirect_dma source(%arg17 : memref<128x128xf32, #tpu.memory_space<vmem>>) target(%dma_start3A_80 : memref<10240x128xf32, #tpu.memory_space<vmem_shared>>) offsets(%arg13 : memref<128xi32, #tpu.memory_space<vmem>>) semaphore(%arg26 : memref<!tpu.dma_semaphore, #tpu.memory_space<semaphore_mem>>) {add = true}
        %add3A_81 = arith.constant 2 : i32
        %add3A_82 = arith.addi %mul3A_52, %add3A_81 : i32
        %lt3A_83 = arith.constant 78 : i32
        %lt3A_84 = arith.cmpi slt, %add3A_82, %lt3A_83 : i32
        %convert_element_type3A_85 = arith.extui %lt3A_84 : i1 to i32
        %cond3A_86 = arith.constant 0 : i32
        %cond3A_87 = arith.cmpi ne, %convert_element_type3A_85, %cond3A_86 : i32
        scf.if %cond3A_87 {
          %dma_wait3A_98 = tpu.memref_slice %arg6[%add3A] : memref<320000xi32, #tpu.memory_space<hbm>> -> memref<128xi32, #tpu.memory_space<hbm>>
          %dma_wait3A_99 = tpu.memref_slice %arg6[%add3A] : memref<320000xi32, #tpu.memory_space<hbm>> -> memref<128xi32, #tpu.memory_space<hbm>>
          tpu.wait_dma2 semaphore(%arg19 : memref<!tpu.dma_semaphore, #tpu.memory_space<semaphore_mem>>) src(%dma_wait3A_99 : memref<128xi32, #tpu.memory_space<hbm>>) dst(%arg10 : memref<128xi32, #tpu.memory_space<vmem>>)
          %dma_wait3A_100 = tpu.memref_slice %arg6[%add3A] : memref<320000xi32, #tpu.memory_space<hbm>> -> memref<128xi32, #tpu.memory_space<hbm>>
          %dma_wait3A_101 = tpu.memref_slice %arg6[%add3A] : memref<320000xi32, #tpu.memory_space<hbm>> -> memref<128xi32, #tpu.memory_space<hbm>>
          tpu.wait_dma2 semaphore(%arg20 : memref<!tpu.dma_semaphore, #tpu.memory_space<semaphore_mem>>) src(%dma_wait3A_101 : memref<128xi32, #tpu.memory_space<hbm>>) dst(%arg12 : memref<128xi32, #tpu.memory_space<vmem>>)
          %dma_start3A_102 = arith.constant 0 : i32
          %dma_start3A_103 = arith.constant 0 : i32
          %dma_start3A_104 = tpu.memref_slice %arg2[%dma_start3A_102, %dma_start3A_103] : memref<10240x128xf32, #tpu.memory_space<hbm>> -> memref<10240x128xf32, #tpu.memory_space<hbm>>
          tpu.enqueue_indirect_dma source(%dma_start3A_104 : memref<10240x128xf32, #tpu.memory_space<hbm>>) target(%arg16 : memref<128x128xf32, #tpu.memory_space<vmem>>) offsets(%arg10 : memref<128xi32, #tpu.memory_space<vmem>>) semaphore(%arg21 : memref<!tpu.dma_semaphore, #tpu.memory_space<semaphore_mem>>)
        } else {
        }
        %dma_wait3A_88 = arith.constant 0 : i32
        %dma_wait3A_89 = arith.constant 0 : i32
        %dma_wait3A_90 = tpu.memref_slice %arg9[%dma_wait3A_88, %dma_wait3A_89] : memref<10240x128xf32, #tpu.memory_space<vmem_shared>> -> memref<10240x128xf32, #tpu.memory_space<vmem_shared>>
        tpu.wait_indirect_dma semaphore(%arg26 : memref<!tpu.dma_semaphore, #tpu.memory_space<semaphore_mem>>) src(%arg17 : memref<128x128xf32, #tpu.memory_space<vmem>>) dst(%dma_wait3A_90 : memref<10240x128xf32, #tpu.memory_space<vmem_shared>>)
        %add3A_91 = arith.constant 3 : i32
        %add3A_92 = arith.addi %mul3A_52, %add3A_91 : i32
        %lt3A_93 = arith.constant 78 : i32
        %lt3A_94 = arith.cmpi slt, %add3A_92, %lt3A_93 : i32
        %convert_element_type3A_95 = arith.extui %lt3A_94 : i1 to i32
        %cond3A_96 = arith.constant 0 : i32
        %cond3A_97 = arith.cmpi ne, %convert_element_type3A_95, %cond3A_96 : i32
        scf.if %cond3A_97 {
          %add3A_98 = arith.constant 3 : i32
          %add3A_99 = arith.addi %mul3A_52, %add3A_98 : i32
          %mul3A_100 = arith.constant 128 : i32
          %mul3A_101 = arith.muli %add3A_99, %mul3A_100 : i32
          %add3A_102 = arith.addi %add3A, %mul3A_101 : i32
          %dma_start3A_103 = tpu.memref_slice %arg6[%add3A_102] : memref<320000xi32, #tpu.memory_space<hbm>> -> memref<128xi32, #tpu.memory_space<hbm>>
          %dma_start3A_104 = tpu.memref_slice %arg6[%add3A_102] : memref<320000xi32, #tpu.memory_space<hbm>> -> memref<128xi32, #tpu.memory_space<hbm>>
          tpu.enqueue_dma source(%dma_start3A_104 : memref<128xi32, #tpu.memory_space<hbm>>) target(%arg11 : memref<128xi32, #tpu.memory_space<vmem>>) target_semaphore(%arg23 : memref<!tpu.dma_semaphore, #tpu.memory_space<semaphore_mem>>)
          %add3A_105 = arith.constant 160000 : i32
          %add3A_106 = arith.addi %add3A_105, %add3A_102 : i32
          %dma_start3A_107 = tpu.memref_slice %arg6[%add3A_106] : memref<320000xi32, #tpu.memory_space<hbm>> -> memref<128xi32, #tpu.memory_space<hbm>>
          %dma_start3A_108 = tpu.memref_slice %arg6[%add3A_106] : memref<320000xi32, #tpu.memory_space<hbm>> -> memref<128xi32, #tpu.memory_space<hbm>>
          tpu.enqueue_dma source(%dma_start3A_108 : memref<128xi32, #tpu.memory_space<hbm>>) target(%arg13 : memref<128xi32, #tpu.memory_space<vmem>>) target_semaphore(%arg24 : memref<!tpu.dma_semaphore, #tpu.memory_space<semaphore_mem>>)
        } else {
        }
      }
      %scan3A_37 = arith.constant 39 : i32
      %add3A_38 = arith.constant 10000 : i32
      %add3A_39 = arith.addi %add3A, %add3A_38 : i32
      %sub3A = arith.constant 16 : i32
      %sub3A_40 = arith.subi %add3A_39, %sub3A : i32
      "tpu.region"() ({
        %run_scoped3A = tpu.sem_alloc : memref<!tpu.dma_semaphore, #tpu.memory_space<semaphore_mem>>
        %dma_start3A_50 = tpu.memref_slice %arg6[%sub3A_40] : memref<320000xi32, #tpu.memory_space<hbm>> -> memref<16xi32, #tpu.memory_space<hbm>>
        %dma_start3A_51 = tpu.memref_slice %arg6[%sub3A_40] : memref<320000xi32, #tpu.memory_space<hbm>> -> memref<16xi32, #tpu.memory_space<hbm>>
        tpu.enqueue_dma source(%dma_start3A_51 : memref<16xi32, #tpu.memory_space<hbm>>) target(%arg14 : memref<16xi32, #tpu.memory_space<vmem>>) target_semaphore(%run_scoped3A : memref<!tpu.dma_semaphore, #tpu.memory_space<semaphore_mem>>)
        %dma_wait3A_52 = tpu.memref_slice %arg6[%sub3A_40] : memref<320000xi32, #tpu.memory_space<hbm>> -> memref<16xi32, #tpu.memory_space<hbm>>
        %dma_wait3A_53 = tpu.memref_slice %arg6[%sub3A_40] : memref<320000xi32, #tpu.memory_space<hbm>> -> memref<16xi32, #tpu.memory_space<hbm>>
        tpu.wait_dma2 semaphore(%run_scoped3A : memref<!tpu.dma_semaphore, #tpu.memory_space<semaphore_mem>>) src(%dma_wait3A_53 : memref<16xi32, #tpu.memory_space<hbm>>) dst(%arg14 : memref<16xi32, #tpu.memory_space<vmem>>)
        tpu.yield
      }) : () -> ()
      %add3A_41 = arith.constant 160000 : i32
      %add3A_42 = arith.addi %add3A_41, %sub3A_40 : i32
      "tpu.region"() ({
        %run_scoped3A = tpu.sem_alloc : memref<!tpu.dma_semaphore, #tpu.memory_space<semaphore_mem>>
        %dma_start3A_50 = tpu.memref_slice %arg6[%add3A_42] : memref<320000xi32, #tpu.memory_space<hbm>> -> memref<16xi32, #tpu.memory_space<hbm>>
        %dma_start3A_51 = tpu.memref_slice %arg6[%add3A_42] : memref<320000xi32, #tpu.memory_space<hbm>> -> memref<16xi32, #tpu.memory_space<hbm>>
        tpu.enqueue_dma source(%dma_start3A_51 : memref<16xi32, #tpu.memory_space<hbm>>) target(%arg15 : memref<16xi32, #tpu.memory_space<vmem>>) target_semaphore(%run_scoped3A : memref<!tpu.dma_semaphore, #tpu.memory_space<semaphore_mem>>)
        %dma_wait3A_52 = tpu.memref_slice %arg6[%add3A_42] : memref<320000xi32, #tpu.memory_space<hbm>> -> memref<16xi32, #tpu.memory_space<hbm>>
        %dma_wait3A_53 = tpu.memref_slice %arg6[%add3A_42] : memref<320000xi32, #tpu.memory_space<hbm>> -> memref<16xi32, #tpu.memory_space<hbm>>
        tpu.wait_dma2 semaphore(%run_scoped3A : memref<!tpu.dma_semaphore, #tpu.memory_space<semaphore_mem>>) src(%dma_wait3A_53 : memref<16xi32, #tpu.memory_space<hbm>>) dst(%arg15 : memref<16xi32, #tpu.memory_space<vmem>>)
        tpu.yield
      }) : () -> ()
      %dma_start3A_43 = arith.constant 0 : i32
      %dma_start3A_44 = arith.constant 0 : i32
      %dma_start3A_45 = tpu.memref_slice %arg2[%dma_start3A_43, %dma_start3A_44] : memref<10240x128xf32, #tpu.memory_space<hbm>> -> memref<10240x128xf32, #tpu.memory_space<hbm>>
      tpu.enqueue_indirect_dma source(%dma_start3A_45 : memref<10240x128xf32, #tpu.memory_space<hbm>>) target(%arg18 : memref<16x128xf32, #tpu.memory_space<vmem>>) offsets(%arg14 : memref<16xi32, #tpu.memory_space<vmem>>) semaphore(%arg27 : memref<!tpu.dma_semaphore, #tpu.memory_space<semaphore_mem>>)
      %dma_wait3A_46 = arith.constant 0 : i32
      %dma_wait3A_47 = arith.constant 0 : i32
      %dma_wait3A_48 = tpu.memref_slice %arg2[%dma_wait3A_46, %dma_wait3A_47] : memref<10240x128xf32, #tpu.memory_space<hbm>> -> memref<10240x128xf32, #tpu.memory_space<hbm>>
      tpu.wait_indirect_dma semaphore(%arg27 : memref<!tpu.dma_semaphore, #tpu.memory_space<semaphore_mem>>) src(%dma_wait3A_48 : memref<10240x128xf32, #tpu.memory_space<hbm>>) dst(%arg18 : memref<16x128xf32, #tpu.memory_space<vmem>>)
      "tpu.region"() ({
        %run_scoped3A = tpu.sem_alloc : memref<!tpu.dma_semaphore, #tpu.memory_space<semaphore_mem>>
        %dma_start3A_50 = arith.constant 0 : i32
        %dma_start3A_51 = arith.constant 0 : i32
        %dma_start3A_52 = tpu.memref_slice %arg9[%dma_start3A_50, %dma_start3A_51] : memref<10240x128xf32, #tpu.memory_space<vmem_shared>> -> memref<10240x128xf32, #tpu.memory_space<vmem_shared>>
        tpu.enqueue_indirect_dma source(%arg18 : memref<16x128xf32, #tpu.memory_space<vmem>>) target(%dma_start3A_52 : memref<10240x128xf32, #tpu.memory_space<vmem_shared>>) offsets(%arg15 : memref<16xi32, #tpu.memory_space<vmem>>) semaphore(%run_scoped3A : memref<!tpu.dma_semaphore, #tpu.memory_space<semaphore_mem>>) {add = true}
        %dma_wait3A_53 = arith.constant 0 : i32
        %dma_wait3A_54 = arith.constant 0 : i32
        %dma_wait3A_55 = tpu.memref_slice %arg9[%dma_wait3A_53, %dma_wait3A_54] : memref<10240x128xf32, #tpu.memory_space<vmem_shared>> -> memref<10240x128xf32, #tpu.memory_space<vmem_shared>>
        tpu.wait_indirect_dma semaphore(%run_scoped3A : memref<!tpu.dma_semaphore, #tpu.memory_space<semaphore_mem>>) src(%arg18 : memref<16x128xf32, #tpu.memory_space<vmem>>) dst(%dma_wait3A_55 : memref<10240x128xf32, #tpu.memory_space<vmem_shared>>)
        tpu.yield
      }) : () -> ()
      %barrier3A_49 = arith.constant 0 : index
      tpu.barrier barrier_id(%barrier3A_49)
      "tpu.region"() ({
        %run_scoped3A = tpu.sem_alloc : memref<!tpu.dma_semaphore, #tpu.memory_space<semaphore_mem>>
        %dma_start3A_50 = arith.constant 0 : i32
        %dma_start3A_51 = tpu.memref_slice %arg7[%mul3A_0, %dma_start3A_50] : memref<10240x128xf32, #tpu.memory_space<hbm>> -> memref<640x128xf32, #tpu.memory_space<hbm>>
        %dma_start3A_52 = arith.constant 0 : i32
        %dma_start3A_53 = tpu.memref_slice %arg9[%mul3A_0, %dma_start3A_52] : memref<10240x128xf32, #tpu.memory_space<vmem_shared>> -> memref<640x128xf32, #tpu.memory_space<vmem_shared>>
        tpu.enqueue_dma source(%dma_start3A_53 : memref<640x128xf32, #tpu.memory_space<vmem_shared>>) target(%dma_start3A_51 : memref<640x128xf32, #tpu.memory_space<hbm>>) target_semaphore(%run_scoped3A : memref<!tpu.dma_semaphore, #tpu.memory_space<semaphore_mem>>)
        %dma_wait3A_54 = arith.constant 0 : i32
        %dma_wait3A_55 = tpu.memref_slice %arg7[%mul3A_0, %dma_wait3A_54] : memref<10240x128xf32, #tpu.memory_space<hbm>> -> memref<640x128xf32, #tpu.memory_space<hbm>>
        %dma_wait3A_56 = arith.constant 0 : i32
        %dma_wait3A_57 = tpu.memref_slice %arg9[%mul3A_0, %dma_wait3A_56] : memref<10240x128xf32, #tpu.memory_space<vmem_shared>> -> memref<640x128xf32, #tpu.memory_space<vmem_shared>>
        tpu.wait_dma2 semaphore(%run_scoped3A : memref<!tpu.dma_semaphore, #tpu.memory_space<semaphore_mem>>) src(%dma_wait3A_57 : memref<640x128xf32, #tpu.memory_space<vmem_shared>>) dst(%dma_wait3A_55 : memref<640x128xf32, #tpu.memory_space<hbm>>)
        tpu.yield
      }) : () -> ()
    } else {
    }
    %eq3A_3 = arith.constant 1 : i32
    %eq3A_4 = arith.cmpi eq, %arg0, %eq3A_3 : i32
    %convert_element_type3A_5 = arith.extui %eq3A_4 : i1 to i32
    %cond3A_6 = arith.constant 0 : i32
    %cond3A_7 = arith.cmpi ne, %convert_element_type3A_5, %cond3A_6 : i32
    scf.if %cond3A_7 {
      %mul3A_8 = arith.constant 0 : i32
      %mul3A_9 = arith.muli %arg0, %mul3A_8 : i32
      %mul3A_10 = arith.constant 10000 : i32
      %mul3A_11 = arith.muli %arg1, %mul3A_10 : i32
      %add3A = arith.addi %mul3A_9, %mul3A_11 : i32
      %add3A_12 = arith.constant 0 : i32
      %add3A_13 = arith.addi %add3A, %add3A_12 : i32
      %dma_start3A = tpu.memref_slice %arg6[%add3A_13] : memref<320000xi32, #tpu.memory_space<hbm>> -> memref<128xi32, #tpu.memory_space<hbm>>
      %dma_start3A_14 = tpu.memref_slice %arg6[%add3A_13] : memref<320000xi32, #tpu.memory_space<hbm>> -> memref<128xi32, #tpu.memory_space<hbm>>
      tpu.enqueue_dma source(%dma_start3A_14 : memref<128xi32, #tpu.memory_space<hbm>>) target(%arg10 : memref<128xi32, #tpu.memory_space<vmem>>) target_semaphore(%arg19 : memref<!tpu.dma_semaphore, #tpu.memory_space<semaphore_mem>>)
      %add3A_15 = arith.constant 160000 : i32
      %add3A_16 = arith.addi %add3A_15, %add3A_13 : i32
      %dma_start3A_17 = tpu.memref_slice %arg6[%add3A_16] : memref<320000xi32, #tpu.memory_space<hbm>> -> memref<128xi32, #tpu.memory_space<hbm>>
      %dma_start3A_18 = tpu.memref_slice %arg6[%add3A_16] : memref<320000xi32, #tpu.memory_space<hbm>> -> memref<128xi32, #tpu.memory_space<hbm>>
      tpu.enqueue_dma source(%dma_start3A_18 : memref<128xi32, #tpu.memory_space<hbm>>) target(%arg12 : memref<128xi32, #tpu.memory_space<vmem>>) target_semaphore(%arg20 : memref<!tpu.dma_semaphore, #tpu.memory_space<semaphore_mem>>)
      %add3A_19 = arith.constant 128 : i32
      %add3A_20 = arith.addi %add3A, %add3A_19 : i32
      %dma_start3A_21 = tpu.memref_slice %arg6[%add3A_20] : memref<320000xi32, #tpu.memory_space<hbm>> -> memref<128xi32, #tpu.memory_space<hbm>>
      %dma_start3A_22 = tpu.memref_slice %arg6[%add3A_20] : memref<320000xi32, #tpu.memory_space<hbm>> -> memref<128xi32, #tpu.memory_space<hbm>>
      tpu.enqueue_dma source(%dma_start3A_22 : memref<128xi32, #tpu.memory_space<hbm>>) target(%arg11 : memref<128xi32, #tpu.memory_space<vmem>>) target_semaphore(%arg23 : memref<!tpu.dma_semaphore, #tpu.memory_space<semaphore_mem>>)
      %add3A_23 = arith.constant 160000 : i32
      %add3A_24 = arith.addi %add3A_23, %add3A_20 : i32
      %dma_start3A_25 = tpu.memref_slice %arg6[%add3A_24] : memref<320000xi32, #tpu.memory_space<hbm>> -> memref<128xi32, #tpu.memory_space<hbm>>
      %dma_start3A_26 = tpu.memref_slice %arg6[%add3A_24] : memref<320000xi32, #tpu.memory_space<hbm>> -> memref<128xi32, #tpu.memory_space<hbm>>
      tpu.enqueue_dma source(%dma_start3A_26 : memref<128xi32, #tpu.memory_space<hbm>>) target(%arg13 : memref<128xi32, #tpu.memory_space<vmem>>) target_semaphore(%arg24 : memref<!tpu.dma_semaphore, #tpu.memory_space<semaphore_mem>>)
      "tpu.region"() ({
        %run_scoped3A = tpu.sem_alloc : memref<!tpu.dma_semaphore, #tpu.memory_space<semaphore_mem>>
        %dma_start3A_50 = arith.constant 0 : i32
        %dma_start3A_51 = tpu.memref_slice %arg9[%mul3A_0, %dma_start3A_50] : memref<10240x128xf32, #tpu.memory_space<vmem_shared>> -> memref<640x128xf32, #tpu.memory_space<vmem_shared>>
        %dma_start3A_52 = arith.constant 0 : i32
        %dma_start3A_53 = tpu.memref_slice %arg5[%mul3A_0, %dma_start3A_52] : memref<10240x128xf32, #tpu.memory_space<hbm>> -> memref<640x128xf32, #tpu.memory_space<hbm>>
        tpu.enqueue_dma source(%dma_start3A_53 : memref<640x128xf32, #tpu.memory_space<hbm>>) target(%dma_start3A_51 : memref<640x128xf32, #tpu.memory_space<vmem_shared>>) target_semaphore(%run_scoped3A : memref<!tpu.dma_semaphore, #tpu.memory_space<semaphore_mem>>)
        %dma_wait3A_54 = arith.constant 0 : i32
        %dma_wait3A_55 = tpu.memref_slice %arg9[%mul3A_0, %dma_wait3A_54] : memref<10240x128xf32, #tpu.memory_space<vmem_shared>> -> memref<640x128xf32, #tpu.memory_space<vmem_shared>>
        %dma_wait3A_56 = arith.constant 0 : i32
        %dma_wait3A_57 = tpu.memref_slice %arg5[%mul3A_0, %dma_wait3A_56] : memref<10240x128xf32, #tpu.memory_space<hbm>> -> memref<640x128xf32, #tpu.memory_space<hbm>>
        tpu.wait_dma2 semaphore(%run_scoped3A : memref<!tpu.dma_semaphore, #tpu.memory_space<semaphore_mem>>) src(%dma_wait3A_57 : memref<640x128xf32, #tpu.memory_space<hbm>>) dst(%dma_wait3A_55 : memref<640x128xf32, #tpu.memory_space<vmem_shared>>)
        tpu.yield
      }) : () -> ()
      %dma_wait3A = tpu.memref_slice %arg6[%add3A] : memref<320000xi32, #tpu.memory_space<hbm>> -> memref<128xi32, #tpu.memory_space<hbm>>
      %dma_wait3A_27 = tpu.memref_slice %arg6[%add3A] : memref<320000xi32, #tpu.memory_space<hbm>> -> memref<128xi32, #tpu.memory_space<hbm>>
      tpu.wait_dma2 semaphore(%arg19 : memref<!tpu.dma_semaphore, #tpu.memory_space<semaphore_mem>>) src(%dma_wait3A_27 : memref<128xi32, #tpu.memory_space<hbm>>) dst(%arg10 : memref<128xi32, #tpu.memory_space<vmem>>)
      %dma_wait3A_28 = tpu.memref_slice %arg6[%add3A] : memref<320000xi32, #tpu.memory_space<hbm>> -> memref<128xi32, #tpu.memory_space<hbm>>
      %dma_wait3A_29 = tpu.memref_slice %arg6[%add3A] : memref<320000xi32, #tpu.memory_space<hbm>> -> memref<128xi32, #tpu.memory_space<hbm>>
      tpu.wait_dma2 semaphore(%arg20 : memref<!tpu.dma_semaphore, #tpu.memory_space<semaphore_mem>>) src(%dma_wait3A_29 : memref<128xi32, #tpu.memory_space<hbm>>) dst(%arg12 : memref<128xi32, #tpu.memory_space<vmem>>)
      %dma_start3A_30 = arith.constant 0 : i32
      %dma_start3A_31 = arith.constant 0 : i32
      %dma_start3A_32 = tpu.memref_slice %arg3[%dma_start3A_30, %dma_start3A_31] : memref<10240x128xf32, #tpu.memory_space<hbm>> -> memref<10240x128xf32, #tpu.memory_space<hbm>>
      tpu.enqueue_indirect_dma source(%dma_start3A_32 : memref<10240x128xf32, #tpu.memory_space<hbm>>) target(%arg16 : memref<128x128xf32, #tpu.memory_space<vmem>>) offsets(%arg10 : memref<128xi32, #tpu.memory_space<vmem>>) semaphore(%arg21 : memref<!tpu.dma_semaphore, #tpu.memory_space<semaphore_mem>>)
      %barrier3A = arith.constant 0 : index
      tpu.barrier barrier_id(%barrier3A)
      %scan3A = arith.constant 0 : i32
      %scan3A_33 = arith.constant 0 : i32
      %scan3A_34 = arith.constant 39 : i32
      %scan3A_35 = arith.addi %scan3A_33, %scan3A_34 : i32
      %scan3A_36 = arith.constant 1 : i32
      scf.for %scan3A_50 = %scan3A_33 to %scan3A_35 step %scan3A_36  : i32 {
        %mul3A_51 = arith.constant 2 : i32
        %mul3A_52 = arith.muli %mul3A_51, %scan3A_50 : i32
        %dma_wait3A_53 = arith.constant 0 : i32
        %dma_wait3A_54 = arith.constant 0 : i32
        %dma_wait3A_55 = tpu.memref_slice %arg3[%dma_wait3A_53, %dma_wait3A_54] : memref<10240x128xf32, #tpu.memory_space<hbm>> -> memref<10240x128xf32, #tpu.memory_space<hbm>>
        tpu.wait_indirect_dma semaphore(%arg21 : memref<!tpu.dma_semaphore, #tpu.memory_space<semaphore_mem>>) src(%dma_wait3A_55 : memref<10240x128xf32, #tpu.memory_space<hbm>>) dst(%arg16 : memref<128x128xf32, #tpu.memory_space<vmem>>)
        %dma_start3A_56 = arith.constant 0 : i32
        %dma_start3A_57 = arith.constant 0 : i32
        %dma_start3A_58 = tpu.memref_slice %arg9[%dma_start3A_56, %dma_start3A_57] : memref<10240x128xf32, #tpu.memory_space<vmem_shared>> -> memref<10240x128xf32, #tpu.memory_space<vmem_shared>>
        tpu.enqueue_indirect_dma source(%arg16 : memref<128x128xf32, #tpu.memory_space<vmem>>) target(%dma_start3A_58 : memref<10240x128xf32, #tpu.memory_space<vmem_shared>>) offsets(%arg12 : memref<128xi32, #tpu.memory_space<vmem>>) semaphore(%arg22 : memref<!tpu.dma_semaphore, #tpu.memory_space<semaphore_mem>>) {add = true}
        %dma_wait3A_59 = tpu.memref_slice %arg6[%add3A] : memref<320000xi32, #tpu.memory_space<hbm>> -> memref<128xi32, #tpu.memory_space<hbm>>
        %dma_wait3A_60 = tpu.memref_slice %arg6[%add3A] : memref<320000xi32, #tpu.memory_space<hbm>> -> memref<128xi32, #tpu.memory_space<hbm>>
        tpu.wait_dma2 semaphore(%arg23 : memref<!tpu.dma_semaphore, #tpu.memory_space<semaphore_mem>>) src(%dma_wait3A_60 : memref<128xi32, #tpu.memory_space<hbm>>) dst(%arg11 : memref<128xi32, #tpu.memory_space<vmem>>)
        %dma_wait3A_61 = tpu.memref_slice %arg6[%add3A] : memref<320000xi32, #tpu.memory_space<hbm>> -> memref<128xi32, #tpu.memory_space<hbm>>
        %dma_wait3A_62 = tpu.memref_slice %arg6[%add3A] : memref<320000xi32, #tpu.memory_space<hbm>> -> memref<128xi32, #tpu.memory_space<hbm>>
        tpu.wait_dma2 semaphore(%arg24 : memref<!tpu.dma_semaphore, #tpu.memory_space<semaphore_mem>>) src(%dma_wait3A_62 : memref<128xi32, #tpu.memory_space<hbm>>) dst(%arg13 : memref<128xi32, #tpu.memory_space<vmem>>)
        %dma_start3A_63 = arith.constant 0 : i32
        %dma_start3A_64 = arith.constant 0 : i32
        %dma_start3A_65 = tpu.memref_slice %arg3[%dma_start3A_63, %dma_start3A_64] : memref<10240x128xf32, #tpu.memory_space<hbm>> -> memref<10240x128xf32, #tpu.memory_space<hbm>>
        tpu.enqueue_indirect_dma source(%dma_start3A_65 : memref<10240x128xf32, #tpu.memory_space<hbm>>) target(%arg17 : memref<128x128xf32, #tpu.memory_space<vmem>>) offsets(%arg11 : memref<128xi32, #tpu.memory_space<vmem>>) semaphore(%arg25 : memref<!tpu.dma_semaphore, #tpu.memory_space<semaphore_mem>>)
        %dma_wait3A_66 = arith.constant 0 : i32
        %dma_wait3A_67 = arith.constant 0 : i32
        %dma_wait3A_68 = tpu.memref_slice %arg9[%dma_wait3A_66, %dma_wait3A_67] : memref<10240x128xf32, #tpu.memory_space<vmem_shared>> -> memref<10240x128xf32, #tpu.memory_space<vmem_shared>>
        tpu.wait_indirect_dma semaphore(%arg22 : memref<!tpu.dma_semaphore, #tpu.memory_space<semaphore_mem>>) src(%arg16 : memref<128x128xf32, #tpu.memory_space<vmem>>) dst(%dma_wait3A_68 : memref<10240x128xf32, #tpu.memory_space<vmem_shared>>)
        %add3A_69 = arith.constant 2 : i32
        %add3A_70 = arith.addi %mul3A_52, %add3A_69 : i32
        %lt3A = arith.constant 78 : i32
        %lt3A_71 = arith.cmpi slt, %add3A_70, %lt3A : i32
        %convert_element_type3A_72 = arith.extui %lt3A_71 : i1 to i32
        %cond3A_73 = arith.constant 0 : i32
        %cond3A_74 = arith.cmpi ne, %convert_element_type3A_72, %cond3A_73 : i32
        scf.if %cond3A_74 {
          %add3A_98 = arith.constant 2 : i32
          %add3A_99 = arith.addi %mul3A_52, %add3A_98 : i32
          %mul3A_100 = arith.constant 128 : i32
          %mul3A_101 = arith.muli %add3A_99, %mul3A_100 : i32
          %add3A_102 = arith.addi %add3A, %mul3A_101 : i32
          %dma_start3A_103 = tpu.memref_slice %arg6[%add3A_102] : memref<320000xi32, #tpu.memory_space<hbm>> -> memref<128xi32, #tpu.memory_space<hbm>>
          %dma_start3A_104 = tpu.memref_slice %arg6[%add3A_102] : memref<320000xi32, #tpu.memory_space<hbm>> -> memref<128xi32, #tpu.memory_space<hbm>>
          tpu.enqueue_dma source(%dma_start3A_104 : memref<128xi32, #tpu.memory_space<hbm>>) target(%arg10 : memref<128xi32, #tpu.memory_space<vmem>>) target_semaphore(%arg19 : memref<!tpu.dma_semaphore, #tpu.memory_space<semaphore_mem>>)
          %add3A_105 = arith.constant 160000 : i32
          %add3A_106 = arith.addi %add3A_105, %add3A_102 : i32
          %dma_start3A_107 = tpu.memref_slice %arg6[%add3A_106] : memref<320000xi32, #tpu.memory_space<hbm>> -> memref<128xi32, #tpu.memory_space<hbm>>
          %dma_start3A_108 = tpu.memref_slice %arg6[%add3A_106] : memref<320000xi32, #tpu.memory_space<hbm>> -> memref<128xi32, #tpu.memory_space<hbm>>
          tpu.enqueue_dma source(%dma_start3A_108 : memref<128xi32, #tpu.memory_space<hbm>>) target(%arg12 : memref<128xi32, #tpu.memory_space<vmem>>) target_semaphore(%arg20 : memref<!tpu.dma_semaphore, #tpu.memory_space<semaphore_mem>>)
        } else {
        }
        %dma_wait3A_75 = arith.constant 0 : i32
        %dma_wait3A_76 = arith.constant 0 : i32
        %dma_wait3A_77 = tpu.memref_slice %arg3[%dma_wait3A_75, %dma_wait3A_76] : memref<10240x128xf32, #tpu.memory_space<hbm>> -> memref<10240x128xf32, #tpu.memory_space<hbm>>
        tpu.wait_indirect_dma semaphore(%arg25 : memref<!tpu.dma_semaphore, #tpu.memory_space<semaphore_mem>>) src(%dma_wait3A_77 : memref<10240x128xf32, #tpu.memory_space<hbm>>) dst(%arg17 : memref<128x128xf32, #tpu.memory_space<vmem>>)
        %dma_start3A_78 = arith.constant 0 : i32
        %dma_start3A_79 = arith.constant 0 : i32
        %dma_start3A_80 = tpu.memref_slice %arg9[%dma_start3A_78, %dma_start3A_79] : memref<10240x128xf32, #tpu.memory_space<vmem_shared>> -> memref<10240x128xf32, #tpu.memory_space<vmem_shared>>
        tpu.enqueue_indirect_dma source(%arg17 : memref<128x128xf32, #tpu.memory_space<vmem>>) target(%dma_start3A_80 : memref<10240x128xf32, #tpu.memory_space<vmem_shared>>) offsets(%arg13 : memref<128xi32, #tpu.memory_space<vmem>>) semaphore(%arg26 : memref<!tpu.dma_semaphore, #tpu.memory_space<semaphore_mem>>) {add = true}
        %add3A_81 = arith.constant 2 : i32
        %add3A_82 = arith.addi %mul3A_52, %add3A_81 : i32
        %lt3A_83 = arith.constant 78 : i32
        %lt3A_84 = arith.cmpi slt, %add3A_82, %lt3A_83 : i32
        %convert_element_type3A_85 = arith.extui %lt3A_84 : i1 to i32
        %cond3A_86 = arith.constant 0 : i32
        %cond3A_87 = arith.cmpi ne, %convert_element_type3A_85, %cond3A_86 : i32
        scf.if %cond3A_87 {
          %dma_wait3A_98 = tpu.memref_slice %arg6[%add3A] : memref<320000xi32, #tpu.memory_space<hbm>> -> memref<128xi32, #tpu.memory_space<hbm>>
          %dma_wait3A_99 = tpu.memref_slice %arg6[%add3A] : memref<320000xi32, #tpu.memory_space<hbm>> -> memref<128xi32, #tpu.memory_space<hbm>>
          tpu.wait_dma2 semaphore(%arg19 : memref<!tpu.dma_semaphore, #tpu.memory_space<semaphore_mem>>) src(%dma_wait3A_99 : memref<128xi32, #tpu.memory_space<hbm>>) dst(%arg10 : memref<128xi32, #tpu.memory_space<vmem>>)
          %dma_wait3A_100 = tpu.memref_slice %arg6[%add3A] : memref<320000xi32, #tpu.memory_space<hbm>> -> memref<128xi32, #tpu.memory_space<hbm>>
          %dma_wait3A_101 = tpu.memref_slice %arg6[%add3A] : memref<320000xi32, #tpu.memory_space<hbm>> -> memref<128xi32, #tpu.memory_space<hbm>>
          tpu.wait_dma2 semaphore(%arg20 : memref<!tpu.dma_semaphore, #tpu.memory_space<semaphore_mem>>) src(%dma_wait3A_101 : memref<128xi32, #tpu.memory_space<hbm>>) dst(%arg12 : memref<128xi32, #tpu.memory_space<vmem>>)
          %dma_start3A_102 = arith.constant 0 : i32
          %dma_start3A_103 = arith.constant 0 : i32
          %dma_start3A_104 = tpu.memref_slice %arg3[%dma_start3A_102, %dma_start3A_103] : memref<10240x128xf32, #tpu.memory_space<hbm>> -> memref<10240x128xf32, #tpu.memory_space<hbm>>
          tpu.enqueue_indirect_dma source(%dma_start3A_104 : memref<10240x128xf32, #tpu.memory_space<hbm>>) target(%arg16 : memref<128x128xf32, #tpu.memory_space<vmem>>) offsets(%arg10 : memref<128xi32, #tpu.memory_space<vmem>>) semaphore(%arg21 : memref<!tpu.dma_semaphore, #tpu.memory_space<semaphore_mem>>)
        } else {
        }
        %dma_wait3A_88 = arith.constant 0 : i32
        %dma_wait3A_89 = arith.constant 0 : i32
        %dma_wait3A_90 = tpu.memref_slice %arg9[%dma_wait3A_88, %dma_wait3A_89] : memref<10240x128xf32, #tpu.memory_space<vmem_shared>> -> memref<10240x128xf32, #tpu.memory_space<vmem_shared>>
        tpu.wait_indirect_dma semaphore(%arg26 : memref<!tpu.dma_semaphore, #tpu.memory_space<semaphore_mem>>) src(%arg17 : memref<128x128xf32, #tpu.memory_space<vmem>>) dst(%dma_wait3A_90 : memref<10240x128xf32, #tpu.memory_space<vmem_shared>>)
        %add3A_91 = arith.constant 3 : i32
        %add3A_92 = arith.addi %mul3A_52, %add3A_91 : i32
        %lt3A_93 = arith.constant 78 : i32
        %lt3A_94 = arith.cmpi slt, %add3A_92, %lt3A_93 : i32
        %convert_element_type3A_95 = arith.extui %lt3A_94 : i1 to i32
        %cond3A_96 = arith.constant 0 : i32
        %cond3A_97 = arith.cmpi ne, %convert_element_type3A_95, %cond3A_96 : i32
        scf.if %cond3A_97 {
          %add3A_98 = arith.constant 3 : i32
          %add3A_99 = arith.addi %mul3A_52, %add3A_98 : i32
          %mul3A_100 = arith.constant 128 : i32
          %mul3A_101 = arith.muli %add3A_99, %mul3A_100 : i32
          %add3A_102 = arith.addi %add3A, %mul3A_101 : i32
          %dma_start3A_103 = tpu.memref_slice %arg6[%add3A_102] : memref<320000xi32, #tpu.memory_space<hbm>> -> memref<128xi32, #tpu.memory_space<hbm>>
          %dma_start3A_104 = tpu.memref_slice %arg6[%add3A_102] : memref<320000xi32, #tpu.memory_space<hbm>> -> memref<128xi32, #tpu.memory_space<hbm>>
          tpu.enqueue_dma source(%dma_start3A_104 : memref<128xi32, #tpu.memory_space<hbm>>) target(%arg11 : memref<128xi32, #tpu.memory_space<vmem>>) target_semaphore(%arg23 : memref<!tpu.dma_semaphore, #tpu.memory_space<semaphore_mem>>)
          %add3A_105 = arith.constant 160000 : i32
          %add3A_106 = arith.addi %add3A_105, %add3A_102 : i32
          %dma_start3A_107 = tpu.memref_slice %arg6[%add3A_106] : memref<320000xi32, #tpu.memory_space<hbm>> -> memref<128xi32, #tpu.memory_space<hbm>>
          %dma_start3A_108 = tpu.memref_slice %arg6[%add3A_106] : memref<320000xi32, #tpu.memory_space<hbm>> -> memref<128xi32, #tpu.memory_space<hbm>>
          tpu.enqueue_dma source(%dma_start3A_108 : memref<128xi32, #tpu.memory_space<hbm>>) target(%arg13 : memref<128xi32, #tpu.memory_space<vmem>>) target_semaphore(%arg24 : memref<!tpu.dma_semaphore, #tpu.memory_space<semaphore_mem>>)
        } else {
        }
      }
      %scan3A_37 = arith.constant 39 : i32
      %add3A_38 = arith.constant 10000 : i32
      %add3A_39 = arith.addi %add3A, %add3A_38 : i32
      %sub3A = arith.constant 16 : i32
      %sub3A_40 = arith.subi %add3A_39, %sub3A : i32
      "tpu.region"() ({
        %run_scoped3A = tpu.sem_alloc : memref<!tpu.dma_semaphore, #tpu.memory_space<semaphore_mem>>
        %dma_start3A_50 = tpu.memref_slice %arg6[%sub3A_40] : memref<320000xi32, #tpu.memory_space<hbm>> -> memref<16xi32, #tpu.memory_space<hbm>>
        %dma_start3A_51 = tpu.memref_slice %arg6[%sub3A_40] : memref<320000xi32, #tpu.memory_space<hbm>> -> memref<16xi32, #tpu.memory_space<hbm>>
        tpu.enqueue_dma source(%dma_start3A_51 : memref<16xi32, #tpu.memory_space<hbm>>) target(%arg14 : memref<16xi32, #tpu.memory_space<vmem>>) target_semaphore(%run_scoped3A : memref<!tpu.dma_semaphore, #tpu.memory_space<semaphore_mem>>)
        %dma_wait3A_52 = tpu.memref_slice %arg6[%sub3A_40] : memref<320000xi32, #tpu.memory_space<hbm>> -> memref<16xi32, #tpu.memory_space<hbm>>
        %dma_wait3A_53 = tpu.memref_slice %arg6[%sub3A_40] : memref<320000xi32, #tpu.memory_space<hbm>> -> memref<16xi32, #tpu.memory_space<hbm>>
        tpu.wait_dma2 semaphore(%run_scoped3A : memref<!tpu.dma_semaphore, #tpu.memory_space<semaphore_mem>>) src(%dma_wait3A_53 : memref<16xi32, #tpu.memory_space<hbm>>) dst(%arg14 : memref<16xi32, #tpu.memory_space<vmem>>)
        tpu.yield
      }) : () -> ()
      %add3A_41 = arith.constant 160000 : i32
      %add3A_42 = arith.addi %add3A_41, %sub3A_40 : i32
      "tpu.region"() ({
        %run_scoped3A = tpu.sem_alloc : memref<!tpu.dma_semaphore, #tpu.memory_space<semaphore_mem>>
        %dma_start3A_50 = tpu.memref_slice %arg6[%add3A_42] : memref<320000xi32, #tpu.memory_space<hbm>> -> memref<16xi32, #tpu.memory_space<hbm>>
        %dma_start3A_51 = tpu.memref_slice %arg6[%add3A_42] : memref<320000xi32, #tpu.memory_space<hbm>> -> memref<16xi32, #tpu.memory_space<hbm>>
        tpu.enqueue_dma source(%dma_start3A_51 : memref<16xi32, #tpu.memory_space<hbm>>) target(%arg15 : memref<16xi32, #tpu.memory_space<vmem>>) target_semaphore(%run_scoped3A : memref<!tpu.dma_semaphore, #tpu.memory_space<semaphore_mem>>)
        %dma_wait3A_52 = tpu.memref_slice %arg6[%add3A_42] : memref<320000xi32, #tpu.memory_space<hbm>> -> memref<16xi32, #tpu.memory_space<hbm>>
        %dma_wait3A_53 = tpu.memref_slice %arg6[%add3A_42] : memref<320000xi32, #tpu.memory_space<hbm>> -> memref<16xi32, #tpu.memory_space<hbm>>
        tpu.wait_dma2 semaphore(%run_scoped3A : memref<!tpu.dma_semaphore, #tpu.memory_space<semaphore_mem>>) src(%dma_wait3A_53 : memref<16xi32, #tpu.memory_space<hbm>>) dst(%arg15 : memref<16xi32, #tpu.memory_space<vmem>>)
        tpu.yield
      }) : () -> ()
      %dma_start3A_43 = arith.constant 0 : i32
      %dma_start3A_44 = arith.constant 0 : i32
      %dma_start3A_45 = tpu.memref_slice %arg3[%dma_start3A_43, %dma_start3A_44] : memref<10240x128xf32, #tpu.memory_space<hbm>> -> memref<10240x128xf32, #tpu.memory_space<hbm>>
      tpu.enqueue_indirect_dma source(%dma_start3A_45 : memref<10240x128xf32, #tpu.memory_space<hbm>>) target(%arg18 : memref<16x128xf32, #tpu.memory_space<vmem>>) offsets(%arg14 : memref<16xi32, #tpu.memory_space<vmem>>) semaphore(%arg27 : memref<!tpu.dma_semaphore, #tpu.memory_space<semaphore_mem>>)
      %dma_wait3A_46 = arith.constant 0 : i32
      %dma_wait3A_47 = arith.constant 0 : i32
      %dma_wait3A_48 = tpu.memref_slice %arg3[%dma_wait3A_46, %dma_wait3A_47] : memref<10240x128xf32, #tpu.memory_space<hbm>> -> memref<10240x128xf32, #tpu.memory_space<hbm>>
      tpu.wait_indirect_dma semaphore(%arg27 : memref<!tpu.dma_semaphore, #tpu.memory_space<semaphore_mem>>) src(%dma_wait3A_48 : memref<10240x128xf32, #tpu.memory_space<hbm>>) dst(%arg18 : memref<16x128xf32, #tpu.memory_space<vmem>>)
      "tpu.region"() ({
        %run_scoped3A = tpu.sem_alloc : memref<!tpu.dma_semaphore, #tpu.memory_space<semaphore_mem>>
        %dma_start3A_50 = arith.constant 0 : i32
        %dma_start3A_51 = arith.constant 0 : i32
        %dma_start3A_52 = tpu.memref_slice %arg9[%dma_start3A_50, %dma_start3A_51] : memref<10240x128xf32, #tpu.memory_space<vmem_shared>> -> memref<10240x128xf32, #tpu.memory_space<vmem_shared>>
        tpu.enqueue_indirect_dma source(%arg18 : memref<16x128xf32, #tpu.memory_space<vmem>>) target(%dma_start3A_52 : memref<10240x128xf32, #tpu.memory_space<vmem_shared>>) offsets(%arg15 : memref<16xi32, #tpu.memory_space<vmem>>) semaphore(%run_scoped3A : memref<!tpu.dma_semaphore, #tpu.memory_space<semaphore_mem>>) {add = true}
        %dma_wait3A_53 = arith.constant 0 : i32
        %dma_wait3A_54 = arith.constant 0 : i32
        %dma_wait3A_55 = tpu.memref_slice %arg9[%dma_wait3A_53, %dma_wait3A_54] : memref<10240x128xf32, #tpu.memory_space<vmem_shared>> -> memref<10240x128xf32, #tpu.memory_space<vmem_shared>>
        tpu.wait_indirect_dma semaphore(%run_scoped3A : memref<!tpu.dma_semaphore, #tpu.memory_space<semaphore_mem>>) src(%arg18 : memref<16x128xf32, #tpu.memory_space<vmem>>) dst(%dma_wait3A_55 : memref<10240x128xf32, #tpu.memory_space<vmem_shared>>)
        tpu.yield
      }) : () -> ()
      %barrier3A_49 = arith.constant 0 : index
      tpu.barrier barrier_id(%barrier3A_49)
      "tpu.region"() ({
        %run_scoped3A = tpu.sem_alloc : memref<!tpu.dma_semaphore, #tpu.memory_space<semaphore_mem>>
        %dma_start3A_50 = arith.constant 0 : i32
        %dma_start3A_51 = tpu.memref_slice %arg8[%mul3A_0, %dma_start3A_50] : memref<10240x128xf32, #tpu.memory_space<hbm>> -> memref<640x128xf32, #tpu.memory_space<hbm>>
        %dma_start3A_52 = arith.constant 0 : i32
        %dma_start3A_53 = tpu.memref_slice %arg9[%mul3A_0, %dma_start3A_52] : memref<10240x128xf32, #tpu.memory_space<vmem_shared>> -> memref<640x128xf32, #tpu.memory_space<vmem_shared>>
        tpu.enqueue_dma source(%dma_start3A_53 : memref<640x128xf32, #tpu.memory_space<vmem_shared>>) target(%dma_start3A_51 : memref<640x128xf32, #tpu.memory_space<hbm>>) target_semaphore(%run_scoped3A : memref<!tpu.dma_semaphore, #tpu.memory_space<semaphore_mem>>)
        %dma_wait3A_54 = arith.constant 0 : i32
        %dma_wait3A_55 = tpu.memref_slice %arg8[%mul3A_0, %dma_wait3A_54] : memref<10240x128xf32, #tpu.memory_space<hbm>> -> memref<640x128xf32, #tpu.memory_space<hbm>>
        %dma_wait3A_56 = arith.constant 0 : i32
        %dma_wait3A_57 = tpu.memref_slice %arg9[%mul3A_0, %dma_wait3A_56] : memref<10240x128xf32, #tpu.memory_space<vmem_shared>> -> memref<640x128xf32, #tpu.memory_space<vmem_shared>>
        tpu.wait_dma2 semaphore(%run_scoped3A : memref<!tpu.dma_semaphore, #tpu.memory_space<semaphore_mem>>) src(%dma_wait3A_57 : memref<640x128xf32, #tpu.memory_space<vmem_shared>>) dst(%dma_wait3A_55 : memref<640x128xf32, #tpu.memory_space<hbm>>)
        tpu.yield
      }) : () -> ()
    } else {
    }
    return
  }
}

module attributes {stable_mosaic.version = 14 : i64} {
  func.func @body(%arg0: i32, %arg1: memref<2000x256xf32, #tpu.memory_space<vmem>>, %arg2: memref<256x128xf32, #tpu.memory_space<vmem>>, %arg3: memref<2000x128xf32, #tpu.memory_space<vmem>>) attributes {dimension_semantics = [#tpu.dimension_semantics<arbitrary>], iteration_bounds = array<i64: 5>, scalar_prefetch = 0 : i64, scratch_operands = 0 : i64, tpu.core_type = #tpu.core_type<tc>, window_params = [{transform_indices = @transform_0, window_bounds = array<i64: 2000, 256>}, {pipeline_mode = #tpu.pipeline_mode<synchronous>, transform_indices = @transform_1, window_bounds = array<i64: 256, 128>}, {transform_indices = @transform_2, window_bounds = array<i64: 2000, 128>}]} {
    %get3A = arith.constant 0 : index
    %get3A_0 = arith.constant 0 : index
    %get3A_1 = vector.load %arg1[%get3A, %get3A_0] : memref<2000x256xf32, #tpu.memory_space<vmem>>, vector<2000x256xf32>
    %get3A_2 = arith.constant 0 : index
    %get3A_3 = arith.constant 0 : index
    %get3A_4 = vector.load %arg2[%get3A_2, %get3A_3] : memref<256x128xf32, #tpu.memory_space<vmem>>, vector<256x128xf32>
    %dot_general3A = arith.constant dense<0.000000e+00> : vector<2000x128xf32>
    %dot_general3A_5 = tpu.matmul %get3A_1, %get3A_4, %dot_general3A {dimension_numbers = #tpu.dot_dimension_numbers<[1], [0], [0], [1], [0, 0, 1, 1], [], []>, transpose_lhs_hint = false} : vector<2000x256xf32>, vector<256x128xf32>, vector<2000x128xf32> -> vector<2000x128xf32>
    %swap3A = arith.constant 0 : index
    %swap3A_6 = arith.constant 0 : index
    %swap3A_7 = vector.load %arg3[%swap3A, %swap3A_6] : memref<2000x128xf32, #tpu.memory_space<vmem>>, vector<2000x128xf32>
    tpu.vector_store %arg3[%swap3A, %swap3A_6], %dot_general3A_5 {strides = array<i32>} : memref<2000x128xf32, #tpu.memory_space<vmem>>, vector<2000x128xf32>,
    return
  }
  func.func @transform_0(%arg0: i32) -> (i32, i32) {
    %c0_i32 = arith.constant 0 : i32
    %c0_i32_0 = arith.constant 0 : i32
    return %arg0, %c0_i32 : i32, i32
  }
  func.func @transform_1(%arg0: i32) -> (i32, i32) {
    %c0_i32 = arith.constant 0 : i32
    %c0_i32_0 = arith.constant 0 : i32
    %c0_i32_1 = arith.constant 0 : i32
    return %c0_i32, %c0_i32_0 : i32, i32
  }
  func.func @transform_2(%arg0: i32) -> (i32, i32) {
    %c0_i32 = arith.constant 0 : i32
    %c0_i32_0 = arith.constant 0 : i32
    return %arg0, %c0_i32 : i32, i32
  }
}

module attributes {stable_mosaic.version = 14 : i64} {
  func.func @body(%arg0: i32, %arg1: memref<32x2048xf32, #tpu.memory_space<vmem>>, %arg2: memref<2048x128xf32, #tpu.memory_space<vmem>>, %arg3: memref<2048x128xf32, #tpu.memory_space<vmem>>, %arg4: memref<2048x1xf32, #tpu.memory_space<vmem>>) attributes {dimension_semantics = [#tpu.dimension_semantics<arbitrary>], iteration_bounds = array<i64: 5>, scalar_prefetch = 0 : i64, scratch_operands = 0 : i64, tpu.core_type = #tpu.core_type<tc>, window_params = [{transform_indices = @transform_0, window_bounds = array<i64: 32, 2048>}, {transform_indices = @transform_1, window_bounds = array<i64: 2048, 128>}, {transform_indices = @transform_2, window_bounds = array<i64: 2048, 128>}, {transform_indices = @transform_3, window_bounds = array<i64: 2048, 1>}]} {
    %get3A = arith.constant 0 : index
    %get3A_0 = arith.constant 0 : index
    %get3A_1 = vector.load %arg1[%get3A, %get3A_0] : memref<32x2048xf32, #tpu.memory_space<vmem>>, vector<32x2048xf32>
    %reduce_sum3A = arith.constant dense<0.000000e+00> : vector<2048xf32>
    %reduce_sum3A_2 = vector.multi_reduction <add>, %get3A_1, %reduce_sum3A [0] : vector<32x2048xf32> to vector<2048xf32>
    %broadcast_in_dim3A = vector.shape_cast %reduce_sum3A_2 : vector<2048xf32> to vector<1x2048xf32>
    %add3A = arith.constant 1.000000e+00 : f32
    %add3A_3 = vector.broadcast %add3A : f32 to vector<1x2048xf32>
    %add3A_4 = arith.addf %add3A_3, %broadcast_in_dim3A : vector<1x2048xf32>
    %rsqrt3A = math.rsqrt %add3A_4 : vector<1x2048xf32>
    %iota3A = tpu.iota {dimensions = array<i32: 0>} : vector<128x128xi32>
    %iota3A_5 = tpu.iota {dimensions = array<i32: 1>} : vector<128x128xi32>
    %eq3A = arith.cmpi eq, %iota3A, %iota3A_5 : vector<128x128xi32>
    %convert_element_type3A = arith.extui %eq3A : vector<128x128xi1> to vector<128x128xi32>
    %convert_element_type3A_6 = arith.sitofp %convert_element_type3A : vector<128x128xi32> to vector<128x128xf32>
    %slice3A = vector.extract_strided_slice %rsqrt3A {offsets = [0, 0], sizes = [1, 128], strides = [1, 1]} : vector<1x2048xf32> to vector<1x128xf32>
    %dot_general3A = arith.constant dense<0.000000e+00> : vector<128x1xf32>
    %dot_general3A_7 = tpu.matmul %convert_element_type3A_6, %slice3A, %dot_general3A {dimension_numbers = #tpu.dot_dimension_numbers<[1], [1], [0], [0], [0, 0, 1, 0], [], []>, transpose_lhs_hint = false} : vector<128x128xf32>, vector<1x128xf32>, vector<128x1xf32> -> vector<128x1xf32>
    %swap3A = arith.constant 0 : index
    %swap3A_8 = arith.constant 0 : index
    %swap3A_9 = vector.load %arg4[%swap3A, %swap3A_8] : memref<2048x1xf32, #tpu.memory_space<vmem>>, vector<128x1xf32>
    tpu.vector_store %arg4[%swap3A, %swap3A_8], %dot_general3A_7 {strides = array<i32>} : memref<2048x1xf32, #tpu.memory_space<vmem>>, vector<128x1xf32>,
    %slice3A_10 = vector.extract_strided_slice %rsqrt3A {offsets = [0, 128], sizes = [1, 128], strides = [1, 1]} : vector<1x2048xf32> to vector<1x128xf32>
    %dot_general3A_11 = arith.constant dense<0.000000e+00> : vector<128x1xf32>
    %dot_general3A_12 = tpu.matmul %convert_element_type3A_6, %slice3A_10, %dot_general3A_11 {dimension_numbers = #tpu.dot_dimension_numbers<[1], [1], [0], [0], [0, 0, 1, 0], [], []>, transpose_lhs_hint = false} : vector<128x128xf32>, vector<1x128xf32>, vector<128x1xf32> -> vector<128x1xf32>
    %swap3A_13 = arith.constant 128 : index
    %swap3A_14 = arith.constant 0 : index
    %swap3A_15 = vector.load %arg4[%swap3A_13, %swap3A_14] : memref<2048x1xf32, #tpu.memory_space<vmem>>, vector<128x1xf32>
    tpu.vector_store %arg4[%swap3A_13, %swap3A_14], %dot_general3A_12 {strides = array<i32>} : memref<2048x1xf32, #tpu.memory_space<vmem>>, vector<128x1xf32>,
    %slice3A_16 = vector.extract_strided_slice %rsqrt3A {offsets = [0, 256], sizes = [1, 128], strides = [1, 1]} : vector<1x2048xf32> to vector<1x128xf32>
    %dot_general3A_17 = arith.constant dense<0.000000e+00> : vector<128x1xf32>
    %dot_general3A_18 = tpu.matmul %convert_element_type3A_6, %slice3A_16, %dot_general3A_17 {dimension_numbers = #tpu.dot_dimension_numbers<[1], [1], [0], [0], [0, 0, 1, 0], [], []>, transpose_lhs_hint = false} : vector<128x128xf32>, vector<1x128xf32>, vector<128x1xf32> -> vector<128x1xf32>
    %swap3A_19 = arith.constant 256 : index
    %swap3A_20 = arith.constant 0 : index
    %swap3A_21 = vector.load %arg4[%swap3A_19, %swap3A_20] : memref<2048x1xf32, #tpu.memory_space<vmem>>, vector<128x1xf32>
    tpu.vector_store %arg4[%swap3A_19, %swap3A_20], %dot_general3A_18 {strides = array<i32>} : memref<2048x1xf32, #tpu.memory_space<vmem>>, vector<128x1xf32>,
    %slice3A_22 = vector.extract_strided_slice %rsqrt3A {offsets = [0, 384], sizes = [1, 128], strides = [1, 1]} : vector<1x2048xf32> to vector<1x128xf32>
    %dot_general3A_23 = arith.constant dense<0.000000e+00> : vector<128x1xf32>
    %dot_general3A_24 = tpu.matmul %convert_element_type3A_6, %slice3A_22, %dot_general3A_23 {dimension_numbers = #tpu.dot_dimension_numbers<[1], [1], [0], [0], [0, 0, 1, 0], [], []>, transpose_lhs_hint = false} : vector<128x128xf32>, vector<1x128xf32>, vector<128x1xf32> -> vector<128x1xf32>
    %swap3A_25 = arith.constant 384 : index
    %swap3A_26 = arith.constant 0 : index
    %swap3A_27 = vector.load %arg4[%swap3A_25, %swap3A_26] : memref<2048x1xf32, #tpu.memory_space<vmem>>, vector<128x1xf32>
    tpu.vector_store %arg4[%swap3A_25, %swap3A_26], %dot_general3A_24 {strides = array<i32>} : memref<2048x1xf32, #tpu.memory_space<vmem>>, vector<128x1xf32>,
    %slice3A_28 = vector.extract_strided_slice %rsqrt3A {offsets = [0, 512], sizes = [1, 128], strides = [1, 1]} : vector<1x2048xf32> to vector<1x128xf32>
    %dot_general3A_29 = arith.constant dense<0.000000e+00> : vector<128x1xf32>
    %dot_general3A_30 = tpu.matmul %convert_element_type3A_6, %slice3A_28, %dot_general3A_29 {dimension_numbers = #tpu.dot_dimension_numbers<[1], [1], [0], [0], [0, 0, 1, 0], [], []>, transpose_lhs_hint = false} : vector<128x128xf32>, vector<1x128xf32>, vector<128x1xf32> -> vector<128x1xf32>
    %swap3A_31 = arith.constant 512 : index
    %swap3A_32 = arith.constant 0 : index
    %swap3A_33 = vector.load %arg4[%swap3A_31, %swap3A_32] : memref<2048x1xf32, #tpu.memory_space<vmem>>, vector<128x1xf32>
    tpu.vector_store %arg4[%swap3A_31, %swap3A_32], %dot_general3A_30 {strides = array<i32>} : memref<2048x1xf32, #tpu.memory_space<vmem>>, vector<128x1xf32>,
    %slice3A_34 = vector.extract_strided_slice %rsqrt3A {offsets = [0, 640], sizes = [1, 128], strides = [1, 1]} : vector<1x2048xf32> to vector<1x128xf32>
    %dot_general3A_35 = arith.constant dense<0.000000e+00> : vector<128x1xf32>
    %dot_general3A_36 = tpu.matmul %convert_element_type3A_6, %slice3A_34, %dot_general3A_35 {dimension_numbers = #tpu.dot_dimension_numbers<[1], [1], [0], [0], [0, 0, 1, 0], [], []>, transpose_lhs_hint = false} : vector<128x128xf32>, vector<1x128xf32>, vector<128x1xf32> -> vector<128x1xf32>
    %swap3A_37 = arith.constant 640 : index
    %swap3A_38 = arith.constant 0 : index
    %swap3A_39 = vector.load %arg4[%swap3A_37, %swap3A_38] : memref<2048x1xf32, #tpu.memory_space<vmem>>, vector<128x1xf32>
    tpu.vector_store %arg4[%swap3A_37, %swap3A_38], %dot_general3A_36 {strides = array<i32>} : memref<2048x1xf32, #tpu.memory_space<vmem>>, vector<128x1xf32>,
    %slice3A_40 = vector.extract_strided_slice %rsqrt3A {offsets = [0, 768], sizes = [1, 128], strides = [1, 1]} : vector<1x2048xf32> to vector<1x128xf32>
    %dot_general3A_41 = arith.constant dense<0.000000e+00> : vector<128x1xf32>
    %dot_general3A_42 = tpu.matmul %convert_element_type3A_6, %slice3A_40, %dot_general3A_41 {dimension_numbers = #tpu.dot_dimension_numbers<[1], [1], [0], [0], [0, 0, 1, 0], [], []>, transpose_lhs_hint = false} : vector<128x128xf32>, vector<1x128xf32>, vector<128x1xf32> -> vector<128x1xf32>
    %swap3A_43 = arith.constant 768 : index
    %swap3A_44 = arith.constant 0 : index
    %swap3A_45 = vector.load %arg4[%swap3A_43, %swap3A_44] : memref<2048x1xf32, #tpu.memory_space<vmem>>, vector<128x1xf32>
    tpu.vector_store %arg4[%swap3A_43, %swap3A_44], %dot_general3A_42 {strides = array<i32>} : memref<2048x1xf32, #tpu.memory_space<vmem>>, vector<128x1xf32>,
    %slice3A_46 = vector.extract_strided_slice %rsqrt3A {offsets = [0, 896], sizes = [1, 128], strides = [1, 1]} : vector<1x2048xf32> to vector<1x128xf32>
    %dot_general3A_47 = arith.constant dense<0.000000e+00> : vector<128x1xf32>
    %dot_general3A_48 = tpu.matmul %convert_element_type3A_6, %slice3A_46, %dot_general3A_47 {dimension_numbers = #tpu.dot_dimension_numbers<[1], [1], [0], [0], [0, 0, 1, 0], [], []>, transpose_lhs_hint = false} : vector<128x128xf32>, vector<1x128xf32>, vector<128x1xf32> -> vector<128x1xf32>
    %swap3A_49 = arith.constant 896 : index
    %swap3A_50 = arith.constant 0 : index
    %swap3A_51 = vector.load %arg4[%swap3A_49, %swap3A_50] : memref<2048x1xf32, #tpu.memory_space<vmem>>, vector<128x1xf32>
    tpu.vector_store %arg4[%swap3A_49, %swap3A_50], %dot_general3A_48 {strides = array<i32>} : memref<2048x1xf32, #tpu.memory_space<vmem>>, vector<128x1xf32>,
    %slice3A_52 = vector.extract_strided_slice %rsqrt3A {offsets = [0, 1024], sizes = [1, 128], strides = [1, 1]} : vector<1x2048xf32> to vector<1x128xf32>
    %dot_general3A_53 = arith.constant dense<0.000000e+00> : vector<128x1xf32>
    %dot_general3A_54 = tpu.matmul %convert_element_type3A_6, %slice3A_52, %dot_general3A_53 {dimension_numbers = #tpu.dot_dimension_numbers<[1], [1], [0], [0], [0, 0, 1, 0], [], []>, transpose_lhs_hint = false} : vector<128x128xf32>, vector<1x128xf32>, vector<128x1xf32> -> vector<128x1xf32>
    %swap3A_55 = arith.constant 1024 : index
    %swap3A_56 = arith.constant 0 : index
    %swap3A_57 = vector.load %arg4[%swap3A_55, %swap3A_56] : memref<2048x1xf32, #tpu.memory_space<vmem>>, vector<128x1xf32>
    tpu.vector_store %arg4[%swap3A_55, %swap3A_56], %dot_general3A_54 {strides = array<i32>} : memref<2048x1xf32, #tpu.memory_space<vmem>>, vector<128x1xf32>,
    %slice3A_58 = vector.extract_strided_slice %rsqrt3A {offsets = [0, 1152], sizes = [1, 128], strides = [1, 1]} : vector<1x2048xf32> to vector<1x128xf32>
    %dot_general3A_59 = arith.constant dense<0.000000e+00> : vector<128x1xf32>
    %dot_general3A_60 = tpu.matmul %convert_element_type3A_6, %slice3A_58, %dot_general3A_59 {dimension_numbers = #tpu.dot_dimension_numbers<[1], [1], [0], [0], [0, 0, 1, 0], [], []>, transpose_lhs_hint = false} : vector<128x128xf32>, vector<1x128xf32>, vector<128x1xf32> -> vector<128x1xf32>
    %swap3A_61 = arith.constant 1152 : index
    %swap3A_62 = arith.constant 0 : index
    %swap3A_63 = vector.load %arg4[%swap3A_61, %swap3A_62] : memref<2048x1xf32, #tpu.memory_space<vmem>>, vector<128x1xf32>
    tpu.vector_store %arg4[%swap3A_61, %swap3A_62], %dot_general3A_60 {strides = array<i32>} : memref<2048x1xf32, #tpu.memory_space<vmem>>, vector<128x1xf32>,
    %slice3A_64 = vector.extract_strided_slice %rsqrt3A {offsets = [0, 1280], sizes = [1, 128], strides = [1, 1]} : vector<1x2048xf32> to vector<1x128xf32>
    %dot_general3A_65 = arith.constant dense<0.000000e+00> : vector<128x1xf32>
    %dot_general3A_66 = tpu.matmul %convert_element_type3A_6, %slice3A_64, %dot_general3A_65 {dimension_numbers = #tpu.dot_dimension_numbers<[1], [1], [0], [0], [0, 0, 1, 0], [], []>, transpose_lhs_hint = false} : vector<128x128xf32>, vector<1x128xf32>, vector<128x1xf32> -> vector<128x1xf32>
    %swap3A_67 = arith.constant 1280 : index
    %swap3A_68 = arith.constant 0 : index
    %swap3A_69 = vector.load %arg4[%swap3A_67, %swap3A_68] : memref<2048x1xf32, #tpu.memory_space<vmem>>, vector<128x1xf32>
    tpu.vector_store %arg4[%swap3A_67, %swap3A_68], %dot_general3A_66 {strides = array<i32>} : memref<2048x1xf32, #tpu.memory_space<vmem>>, vector<128x1xf32>,
    %slice3A_70 = vector.extract_strided_slice %rsqrt3A {offsets = [0, 1408], sizes = [1, 128], strides = [1, 1]} : vector<1x2048xf32> to vector<1x128xf32>
    %dot_general3A_71 = arith.constant dense<0.000000e+00> : vector<128x1xf32>
    %dot_general3A_72 = tpu.matmul %convert_element_type3A_6, %slice3A_70, %dot_general3A_71 {dimension_numbers = #tpu.dot_dimension_numbers<[1], [1], [0], [0], [0, 0, 1, 0], [], []>, transpose_lhs_hint = false} : vector<128x128xf32>, vector<1x128xf32>, vector<128x1xf32> -> vector<128x1xf32>
    %swap3A_73 = arith.constant 1408 : index
    %swap3A_74 = arith.constant 0 : index
    %swap3A_75 = vector.load %arg4[%swap3A_73, %swap3A_74] : memref<2048x1xf32, #tpu.memory_space<vmem>>, vector<128x1xf32>
    tpu.vector_store %arg4[%swap3A_73, %swap3A_74], %dot_general3A_72 {strides = array<i32>} : memref<2048x1xf32, #tpu.memory_space<vmem>>, vector<128x1xf32>,
    %slice3A_76 = vector.extract_strided_slice %rsqrt3A {offsets = [0, 1536], sizes = [1, 128], strides = [1, 1]} : vector<1x2048xf32> to vector<1x128xf32>
    %dot_general3A_77 = arith.constant dense<0.000000e+00> : vector<128x1xf32>
    %dot_general3A_78 = tpu.matmul %convert_element_type3A_6, %slice3A_76, %dot_general3A_77 {dimension_numbers = #tpu.dot_dimension_numbers<[1], [1], [0], [0], [0, 0, 1, 0], [], []>, transpose_lhs_hint = false} : vector<128x128xf32>, vector<1x128xf32>, vector<128x1xf32> -> vector<128x1xf32>
    %swap3A_79 = arith.constant 1536 : index
    %swap3A_80 = arith.constant 0 : index
    %swap3A_81 = vector.load %arg4[%swap3A_79, %swap3A_80] : memref<2048x1xf32, #tpu.memory_space<vmem>>, vector<128x1xf32>
    tpu.vector_store %arg4[%swap3A_79, %swap3A_80], %dot_general3A_78 {strides = array<i32>} : memref<2048x1xf32, #tpu.memory_space<vmem>>, vector<128x1xf32>,
    %slice3A_82 = vector.extract_strided_slice %rsqrt3A {offsets = [0, 1664], sizes = [1, 128], strides = [1, 1]} : vector<1x2048xf32> to vector<1x128xf32>
    %dot_general3A_83 = arith.constant dense<0.000000e+00> : vector<128x1xf32>
    %dot_general3A_84 = tpu.matmul %convert_element_type3A_6, %slice3A_82, %dot_general3A_83 {dimension_numbers = #tpu.dot_dimension_numbers<[1], [1], [0], [0], [0, 0, 1, 0], [], []>, transpose_lhs_hint = false} : vector<128x128xf32>, vector<1x128xf32>, vector<128x1xf32> -> vector<128x1xf32>
    %swap3A_85 = arith.constant 1664 : index
    %swap3A_86 = arith.constant 0 : index
    %swap3A_87 = vector.load %arg4[%swap3A_85, %swap3A_86] : memref<2048x1xf32, #tpu.memory_space<vmem>>, vector<128x1xf32>
    tpu.vector_store %arg4[%swap3A_85, %swap3A_86], %dot_general3A_84 {strides = array<i32>} : memref<2048x1xf32, #tpu.memory_space<vmem>>, vector<128x1xf32>,
    %slice3A_88 = vector.extract_strided_slice %rsqrt3A {offsets = [0, 1792], sizes = [1, 128], strides = [1, 1]} : vector<1x2048xf32> to vector<1x128xf32>
    %dot_general3A_89 = arith.constant dense<0.000000e+00> : vector<128x1xf32>
    %dot_general3A_90 = tpu.matmul %convert_element_type3A_6, %slice3A_88, %dot_general3A_89 {dimension_numbers = #tpu.dot_dimension_numbers<[1], [1], [0], [0], [0, 0, 1, 0], [], []>, transpose_lhs_hint = false} : vector<128x128xf32>, vector<1x128xf32>, vector<128x1xf32> -> vector<128x1xf32>
    %swap3A_91 = arith.constant 1792 : index
    %swap3A_92 = arith.constant 0 : index
    %swap3A_93 = vector.load %arg4[%swap3A_91, %swap3A_92] : memref<2048x1xf32, #tpu.memory_space<vmem>>, vector<128x1xf32>
    tpu.vector_store %arg4[%swap3A_91, %swap3A_92], %dot_general3A_90 {strides = array<i32>} : memref<2048x1xf32, #tpu.memory_space<vmem>>, vector<128x1xf32>,
    %slice3A_94 = vector.extract_strided_slice %rsqrt3A {offsets = [0, 1920], sizes = [1, 128], strides = [1, 1]} : vector<1x2048xf32> to vector<1x128xf32>
    %dot_general3A_95 = arith.constant dense<0.000000e+00> : vector<128x1xf32>
    %dot_general3A_96 = tpu.matmul %convert_element_type3A_6, %slice3A_94, %dot_general3A_95 {dimension_numbers = #tpu.dot_dimension_numbers<[1], [1], [0], [0], [0, 0, 1, 0], [], []>, transpose_lhs_hint = false} : vector<128x128xf32>, vector<1x128xf32>, vector<128x1xf32> -> vector<128x1xf32>
    %swap3A_97 = arith.constant 1920 : index
    %swap3A_98 = arith.constant 0 : index
    %swap3A_99 = vector.load %arg4[%swap3A_97, %swap3A_98] : memref<2048x1xf32, #tpu.memory_space<vmem>>, vector<128x1xf32>
    tpu.vector_store %arg4[%swap3A_97, %swap3A_98], %dot_general3A_96 {strides = array<i32>} : memref<2048x1xf32, #tpu.memory_space<vmem>>, vector<128x1xf32>,
    %get3A_100 = arith.constant 0 : index
    %get3A_101 = arith.constant 0 : index
    %get3A_102 = vector.load %arg2[%get3A_100, %get3A_101] : memref<2048x128xf32, #tpu.memory_space<vmem>>, vector<2048x128xf32>
    %get3A_103 = arith.constant 0 : index
    %get3A_104 = arith.constant 0 : index
    %get3A_105 = vector.load %arg4[%get3A_103, %get3A_104] : memref<2048x1xf32, #tpu.memory_space<vmem>>, vector<2048x1xf32>
    %mul3A = vector.broadcast %get3A_105 : vector<2048x1xf32> to vector<2048x128xf32>
    %mul3A_106 = arith.mulf %get3A_102, %mul3A : vector<2048x128xf32>
    %swap3A_107 = arith.constant 0 : index
    %swap3A_108 = arith.constant 0 : index
    %swap3A_109 = vector.load %arg3[%swap3A_107, %swap3A_108] : memref<2048x128xf32, #tpu.memory_space<vmem>>, vector<2048x128xf32>
    tpu.vector_store %arg3[%swap3A_107, %swap3A_108], %mul3A_106 {strides = array<i32>} : memref<2048x128xf32, #tpu.memory_space<vmem>>, vector<2048x128xf32>,
    return
  }
  func.func @transform_0(%arg0: i32) -> (i32, i32) {
    %c0_i32 = arith.constant 0 : i32
    %c0_i32_0 = arith.constant 0 : i32
    return %c0_i32, %arg0 : i32, i32
  }
  func.func @transform_1(%arg0: i32) -> (i32, i32) {
    %c0_i32 = arith.constant 0 : i32
    %c0_i32_0 = arith.constant 0 : i32
    return %arg0, %c0_i32 : i32, i32
  }
  func.func @transform_2(%arg0: i32) -> (i32, i32) {
    %c0_i32 = arith.constant 0 : i32
    %c0_i32_0 = arith.constant 0 : i32
    return %arg0, %c0_i32 : i32, i32
  }
  func.func @transform_3(%arg0: i32) -> (i32, i32) {
    %c0_i32 = arith.constant 0 : i32
    %c0_i32_0 = arith.constant 0 : i32
    return %arg0, %c0_i32 : i32, i32
  }
}

module attributes {stable_mosaic.version = 14 : i64} {
  func.func @body(%arg0: i32, %arg1: memref<2000x128xf32, #tpu.memory_space<vmem>>, %arg2: memref<2000x128xf32, #tpu.memory_space<vmem>>, %arg3: memref<2000x1xf32, #tpu.memory_space<vmem>>, %arg4: memref<1x128xf32, #tpu.memory_space<vmem>>, %arg5: memref<128x256xf32, #tpu.memory_space<vmem>>, %arg6: memref<2000x128xf32, #tpu.memory_space<vmem>>, %arg7: memref<2000x128xf32, #tpu.memory_space<vmem>>) attributes {dimension_semantics = [#tpu.dimension_semantics<arbitrary>], iteration_bounds = array<i64: 5>, scalar_prefetch = 0 : i64, scratch_operands = 0 : i64, tpu.core_type = #tpu.core_type<tc>, window_params = [{transform_indices = @transform_0, window_bounds = array<i64: 2000, 128>}, {transform_indices = @transform_1, window_bounds = array<i64: 2000, 128>}, {transform_indices = @transform_2, window_bounds = array<i64: 2000, 1>}, {pipeline_mode = #tpu.pipeline_mode<synchronous>, transform_indices = @transform_3, window_bounds = array<i64: 1, 128>}, {pipeline_mode = #tpu.pipeline_mode<synchronous>, transform_indices = @transform_4, window_bounds = array<i64: 128, 256>}, {transform_indices = @transform_5, window_bounds = array<i64: 2000, 128>}, {transform_indices = @transform_6, window_bounds = array<i64: 2000, 128>}]} {
    %get3A = arith.constant 0 : index
    %get3A_0 = arith.constant 0 : index
    %get3A_1 = vector.load %arg1[%get3A, %get3A_0] : memref<2000x128xf32, #tpu.memory_space<vmem>>, vector<2000x128xf32>
    %get3A_2 = arith.constant 0 : index
    %get3A_3 = arith.constant 0 : index
    %get3A_4 = vector.load %arg2[%get3A_2, %get3A_3] : memref<2000x128xf32, #tpu.memory_space<vmem>>, vector<2000x128xf32>
    %add3A = arith.addf %get3A_1, %get3A_4 : vector<2000x128xf32>
    %get3A_5 = arith.constant 0 : index
    %get3A_6 = arith.constant 0 : index
    %get3A_7 = vector.load %arg3[%get3A_5, %get3A_6] : memref<2000x1xf32, #tpu.memory_space<vmem>>, vector<2000x1xf32>
    %mul3A = vector.broadcast %get3A_7 : vector<2000x1xf32> to vector<2000x128xf32>
    %mul3A_8 = arith.mulf %add3A, %mul3A : vector<2000x128xf32>
    %get3A_9 = arith.constant 0 : index
    %get3A_10 = arith.constant 0 : index
    %get3A_11 = vector.load %arg4[%get3A_9, %get3A_10] : memref<1x128xf32, #tpu.memory_space<vmem>>, vector<1x128xf32>
    %add3A_12 = vector.broadcast %get3A_11 : vector<1x128xf32> to vector<2000x128xf32>
    %add3A_13 = arith.addf %mul3A_8, %add3A_12 : vector<2000x128xf32>
    %max3A = arith.constant 0.000000e+00 : f32
    %max3A_14 = vector.broadcast %max3A : f32 to vector<2000x128xf32>
    %max3A_15 = arith.maximumf %add3A_13, %max3A_14 : vector<2000x128xf32>
    %get3A_16 = arith.constant 0 : index
    %get3A_17 = arith.constant 0 : index
    %get3A_18 = vector.load %arg5[%get3A_16, %get3A_17] : memref<128x256xf32, #tpu.memory_space<vmem>>, vector<128x256xf32>
    %dot_general3A = arith.constant dense<0.000000e+00> : vector<2000x256xf32>
    %dot_general3A_19 = tpu.matmul %max3A_15, %get3A_18, %dot_general3A {dimension_numbers = #tpu.dot_dimension_numbers<[1], [0], [0], [1], [0, 0, 1, 1], [], []>, transpose_lhs_hint = false} : vector<2000x128xf32>, vector<128x256xf32>, vector<2000x256xf32> -> vector<2000x256xf32>
    %mul3A_20 = vector.broadcast %get3A_7 : vector<2000x1xf32> to vector<2000x256xf32>
    %mul3A_21 = arith.mulf %dot_general3A_19, %mul3A_20 : vector<2000x256xf32>
    %slice3A = vector.extract_strided_slice %mul3A_21 {offsets = [0, 0], sizes = [2000, 128], strides = [1, 1]} : vector<2000x256xf32> to vector<2000x128xf32>
    %swap3A = arith.constant 0 : index
    %swap3A_22 = arith.constant 0 : index
    %swap3A_23 = vector.load %arg6[%swap3A, %swap3A_22] : memref<2000x128xf32, #tpu.memory_space<vmem>>, vector<2000x128xf32>
    tpu.vector_store %arg6[%swap3A, %swap3A_22], %slice3A {strides = array<i32>} : memref<2000x128xf32, #tpu.memory_space<vmem>>, vector<2000x128xf32>,
    %slice3A_24 = vector.extract_strided_slice %mul3A_21 {offsets = [0, 128], sizes = [2000, 128], strides = [1, 1]} : vector<2000x256xf32> to vector<2000x128xf32>
    %swap3A_25 = arith.constant 0 : index
    %swap3A_26 = arith.constant 0 : index
    %swap3A_27 = vector.load %arg7[%swap3A_25, %swap3A_26] : memref<2000x128xf32, #tpu.memory_space<vmem>>, vector<2000x128xf32>
    tpu.vector_store %arg7[%swap3A_25, %swap3A_26], %slice3A_24 {strides = array<i32>} : memref<2000x128xf32, #tpu.memory_space<vmem>>, vector<2000x128xf32>,
    return
  }
  func.func @transform_0(%arg0: i32) -> (i32, i32) {
    %c0_i32 = arith.constant 0 : i32
    %c0_i32_0 = arith.constant 0 : i32
    return %arg0, %c0_i32 : i32, i32
  }
  func.func @transform_1(%arg0: i32) -> (i32, i32) {
    %c0_i32 = arith.constant 0 : i32
    %c0_i32_0 = arith.constant 0 : i32
    return %arg0, %c0_i32 : i32, i32
  }
  func.func @transform_2(%arg0: i32) -> (i32, i32) {
    %c0_i32 = arith.constant 0 : i32
    %c0_i32_0 = arith.constant 0 : i32
    return %arg0, %c0_i32 : i32, i32
  }
  func.func @transform_3(%arg0: i32) -> (i32, i32) {
    %c0_i32 = arith.constant 0 : i32
    %c0_i32_0 = arith.constant 0 : i32
    %c0_i32_1 = arith.constant 0 : i32
    return %c0_i32, %c0_i32_0 : i32, i32
  }
  func.func @transform_4(%arg0: i32) -> (i32, i32) {
    %c0_i32 = arith.constant 0 : i32
    %c0_i32_0 = arith.constant 0 : i32
    %c0_i32_1 = arith.constant 0 : i32
    return %c0_i32, %c0_i32_0 : i32, i32
  }
  func.func @transform_5(%arg0: i32) -> (i32, i32) {
    %c0_i32 = arith.constant 0 : i32
    %c0_i32_0 = arith.constant 0 : i32
    return %arg0, %c0_i32 : i32, i32
  }
  func.func @transform_6(%arg0: i32) -> (i32, i32) {
    %c0_i32 = arith.constant 0 : i32
    %c0_i32_0 = arith.constant 0 : i32
    return %arg0, %c0_i32 : i32, i32
  }
}

module attributes {stable_mosaic.version = 14 : i64} {
  func.func @body(%arg0: i32, %arg1: memref<2000x128xf32, #tpu.memory_space<vmem>>, %arg2: memref<2000x128xf32, #tpu.memory_space<vmem>>, %arg3: memref<2000x1xf32, #tpu.memory_space<vmem>>, %arg4: memref<1x256xf32, #tpu.memory_space<vmem>>, %arg5: memref<2000x256xf32, #tpu.memory_space<vmem>>) attributes {dimension_semantics = [#tpu.dimension_semantics<arbitrary>], iteration_bounds = array<i64: 5>, scalar_prefetch = 0 : i64, scratch_operands = 0 : i64, tpu.core_type = #tpu.core_type<tc>, window_params = [{transform_indices = @transform_0, window_bounds = array<i64: 2000, 128>}, {transform_indices = @transform_1, window_bounds = array<i64: 2000, 128>}, {transform_indices = @transform_2, window_bounds = array<i64: 2000, 1>}, {pipeline_mode = #tpu.pipeline_mode<synchronous>, transform_indices = @transform_3, window_bounds = array<i64: 1, 256>}, {transform_indices = @transform_4, window_bounds = array<i64: 2000, 256>}]} {
    %get3A = arith.constant 0 : index
    %get3A_0 = arith.constant 0 : index
    %get3A_1 = vector.load %arg1[%get3A, %get3A_0] : memref<2000x128xf32, #tpu.memory_space<vmem>>, vector<2000x128xf32>
    %get3A_2 = arith.constant 0 : index
    %get3A_3 = arith.constant 0 : index
    %get3A_4 = vector.load %arg2[%get3A_2, %get3A_3] : memref<2000x128xf32, #tpu.memory_space<vmem>>, vector<2000x128xf32>
    %concatenate3A = tpu.concatenate %get3A_1, %get3A_4 in 1 : vector<2000x128xf32>, vector<2000x128xf32> -> vector<2000x256xf32>
    %get3A_5 = arith.constant 0 : index
    %get3A_6 = arith.constant 0 : index
    %get3A_7 = vector.load %arg3[%get3A_5, %get3A_6] : memref<2000x1xf32, #tpu.memory_space<vmem>>, vector<2000x1xf32>
    %mul3A = vector.broadcast %get3A_7 : vector<2000x1xf32> to vector<2000x256xf32>
    %mul3A_8 = arith.mulf %concatenate3A, %mul3A : vector<2000x256xf32>
    %get3A_9 = arith.constant 0 : index
    %get3A_10 = arith.constant 0 : index
    %get3A_11 = vector.load %arg4[%get3A_9, %get3A_10] : memref<1x256xf32, #tpu.memory_space<vmem>>, vector<1x256xf32>
    %add3A = vector.broadcast %get3A_11 : vector<1x256xf32> to vector<2000x256xf32>
    %add3A_12 = arith.addf %mul3A_8, %add3A : vector<2000x256xf32>
    %swap3A = arith.constant 0 : index
    %swap3A_13 = arith.constant 0 : index
    %swap3A_14 = vector.load %arg5[%swap3A, %swap3A_13] : memref<2000x256xf32, #tpu.memory_space<vmem>>, vector<2000x256xf32>
    tpu.vector_store %arg5[%swap3A, %swap3A_13], %add3A_12 {strides = array<i32>} : memref<2000x256xf32, #tpu.memory_space<vmem>>, vector<2000x256xf32>,
    return
  }
  func.func @transform_0(%arg0: i32) -> (i32, i32) {
    %c0_i32 = arith.constant 0 : i32
    %c0_i32_0 = arith.constant 0 : i32
    return %arg0, %c0_i32 : i32, i32
  }
  func.func @transform_1(%arg0: i32) -> (i32, i32) {
    %c0_i32 = arith.constant 0 : i32
    %c0_i32_0 = arith.constant 0 : i32
    return %arg0, %c0_i32 : i32, i32
  }
  func.func @transform_2(%arg0: i32) -> (i32, i32) {
    %c0_i32 = arith.constant 0 : i32
    %c0_i32_0 = arith.constant 0 : i32
    return %arg0, %c0_i32 : i32, i32
  }
  func.func @transform_3(%arg0: i32) -> (i32, i32) {
    %c0_i32 = arith.constant 0 : i32
    %c0_i32_0 = arith.constant 0 : i32
    %c0_i32_1 = arith.constant 0 : i32
    return %c0_i32, %c0_i32_0 : i32, i32
  }
  func.func @transform_4(%arg0: i32) -> (i32, i32) {
    %c0_i32 = arith.constant 0 : i32
    %c0_i32_0 = arith.constant 0 : i32
    return %arg0, %c0_i32 : i32, i32
  }
}

</mosaic_0001>

<sc_bundles>
// kernel: kernel.12.cloned.1.call-start
scs
__scs_entry_jumppad:
0x0: {  	(pc) =	sbr.rel $0x88, $3  }
0x1: {  	(tag) =	ssettag $0x0;
	lr =	simm.s32 $0x1  }
0x2: {  	[smem:$0x3F9B] =	sst lr;
	_ =	strace $0xD0000000  }
0x3: {  	_ = 	snop  }
0x4: {  	_ = 	snop  }
0x5: {  	_ = 	snop  }
0x6: {  	_ = 	snop  }
0x7: {  	_ = 	snop  }
__scs_overlays_trampoline_lowered:
0x8: {  	[smem:$0x3FAA] =	sst s0  }
0x9: {  	[smem:$0x3FAB] =	sst s1  }
0xa: {  	[smem:$0x3FAC] =	sst s2  }
0xb: {  	[smem:$0x3FAD] =	sst s3  }
0xc: {  	[smem:$0x3FAE] =	sst s4  }
0xd: {  	[smem:$0x3FAF] =	sst s5  }
0xe: {  	[smem:$0x3FB0] =	sst s6  }
0xf: {  	[smem:$0x3FB1] =	sst s7  }
0x10: {  	[smem:$0x3FB2] =	sst s8  }
0x11: {  	[smem:$0x3FB3] =	sst s9;
	s0 =	simm.s32 @!p0 $0x0  }
0x12: {  	s1 =	sld [smem:$0x3F99];
	s0 =	simm.s32 @p0 $0x1  }
0x13: {  	[smem:$0x3FB4] =	sst s0;
	s0 =	simm.s32 @!p1 $0x0  }
0x14: {  	s2 =	sld [smem:$0x3F98];
	s0 =	simm.s32 @p1 $0x1  }
0x15: {  	[smem:$0x3FB5] =	sst s0;
	s0 =	simm.s32 @!p2 $0x0  }
0x16: {  	s3 =	sld [smem:$0x3FDB];
	s0 =	simm.s32 @p2 $0x1  }
0x17: {  	s4 =	simm.s32 $0x1BF5;
	[smem:$0x3FB7] =	sst s0  }
0x18: {  	s0 =	sld [smem:$0x3F9A];
	_ =	swait.ge [sflag:s4], $0x0  }
0x19: {  	s7 =	sld [smem:$0x3F9B]  }
0x1a: {  	s8 =	sadd.s32 $0xFFFFE003, lr  }
0x1b: {  	s9 =	sadd.s32 $0xFFFFFEF7, lr;
	s5 =	simm.s32 $0xFFFFFFFF;
	p2 =	slt.u32 s8, $0xFFFFF086  }
0x1c: {  	p1 =	slt.u32 s9, $0xF7A;
	s5 =	simm.s32 @!p2 $0x0  }
0x1d: {  	s5 =	simm.s32 @p1 $0x1;
	p0 =	seq.s32 s7, s2  }
0x1e: {  	s7 =	smul.u32 @!p0 $0xF7A, s2;
	p2 =	seq.s32 @!p0 s5, $0x0  }
0x1f: {  	s9 =	smul.u32 $0xF7A, s1;
	s8 =	simm.s32 @!p0 $0x1BF5;
	p2 =	por !p2, p0  }
0x20: {  	[sflag:s8] =	ssyncset.s32 @!p0 $0xFFFFF086;
	s6 =	sadd.s32 @!p0 s3, s7;
	s7 =	simm.s32 @!p0 $0x108  }
0x21: {  	s3 =	sadd.s32 s3, s9;
	s6 =	sadd.s32 @!p0 $0x88, s6;
	s7 =	simm.s32 @p2 $0x1082  }
0x22: {  	[simem:s7], [sflag:s8] =	dma.local @!p0 [hbm:s6], $0xF7A  }
0x23: {  	s9 =	sor.u32 $0xD0000000, s2;
	s6 =	simm.s32 $0x108;
	_ =	swait.ge @!p0 [sflag:s8], $0x0  }
0x24: {  	s3 =	sadd.s32 $0x88, s3;
	s6 =	simm.s32 @!p1 $0x1082;
	[sflag:s4] =	ssyncset.s32 $0xFFFFF086  }
0x25: {  	[simem:s6], [sflag:s4] =	dma.local [hbm:s3], $0xF7A  }
0x26: {  	[smem:$0x3F9B] =	sst s1;
	(tag) =	ssettag s2;
	_ =	strace s9  }
0x27: {  	s1 =	sld [smem:$0x3FAB]  }
0x28: {  	s2 =	sld [smem:$0x3FAC]  }
0x29: {  	s4 =	sld [smem:$0x3FAE]  }
0x2a: {  	p0 =	seq.s32 s5, $0x0;
	s5 =	sld [smem:$0x3FAF]  }
0x2b: {  	s6 =	sld [smem:$0x3FB0]  }
0x2c: {  	s7 =	sld [smem:$0x3FB1]  }
0x2d: {  	s3 =	simm.s32 $0x108;
	s8 =	sld [smem:$0x3FB2]  }
0x2e: {  	s3 =	simm.s32 @!p0 $0x1082;
	s9 =	sld [smem:$0x3FB3]  }
0x2f: {  	lr =	sadd.s32 s0, s3;
	s0 =	sld [smem:$0x3FAA]  }
0x30: {  	s3 =	sld [smem:$0x3FAD]  }
0x31: {  	[smem:$0x3FB6] =	sst s10  }
0x32: {  	s10 =	sld [smem:$0x3FB4];
	_ =	sdelay $0x3  }
0x33: {  	p0 =	seq.s32 s10, $0x1;
	s10 =	sld [smem:$0x3FB6];
	_ =	sdelay $0x3  }
0x34: {  	[smem:$0x3FB6] =	sst s10  }
0x35: {  	s10 =	sld [smem:$0x3FB5];
	_ =	sdelay $0x3  }
0x36: {  	p1 =	seq.s32 s10, $0x1;
	s10 =	sld [smem:$0x3FB6];
	_ =	sdelay $0x3  }
0x37: {  	[smem:$0x3FB6] =	sst s10  }
0x38: {  	s10 =	sld [smem:$0x3FB7]  }
0x39: {  	_ = 	snop;
	(pc) =	sbr.ind lr, $3  }
0x3a: {  	_ = 	snop  }
0x3b: {  	_ = 	snop  }
0x3c: {  	p2 =	seq.s32 s10, $0x1;
	s10 =	sld [smem:$0x3FB6]  }
0x3d: {  	_ =	shalt  }
0x3e: {  	_ =	shalt  }
0x3f: {  	_ =	shalt  }
0x40: {  	_ =	shalt  }
0x41: {  	_ =	shalt  }
0x42: {  	_ =	shalt  }
0x43: {  	_ =	shalt  }
0x44: {  	_ =	shalt  }
0x45: {  	_ =	shalt  }
0x46: {  	_ =	shalt  }
0x47: {  	_ =	shalt  }
0x48: {  	_ =	shalt  }
0x49: {  	_ =	shalt  }
0x4a: {  	_ =	shalt  }
0x4b: {  	_ =	shalt  }
0x4c: {  	_ =	shalt  }
0x4d: {  	_ =	shalt  }
0x4e: {  	_ =	shalt  }
0x4f: {  	_ =	shalt  }
0x50: {  	_ =	shalt  }
0x51: {  	_ =	shalt  }
0x52: {  	_ =	shalt  }
0x53: {  	_ =	shalt  }
0x54: {  	_ =	shalt  }
0x55: {  	_ =	shalt  }
0x56: {  	_ =	shalt  }
0x57: {  	_ =	shalt  }
0x58: {  	_ =	shalt  }
0x59: {  	_ =	shalt  }
0x5a: {  	_ =	shalt  }
0x5b: {  	_ =	shalt  }
0x5c: {  	_ =	shalt  }
0x5d: {  	_ =	shalt  }
0x5e: {  	_ =	shalt  }
0x5f: {  	_ =	shalt  }
0x60: {  	_ =	shalt  }
0x61: {  	_ =	shalt  }
0x62: {  	_ =	shalt  }
0x63: {  	_ =	shalt  }
0x64: {  	_ =	shalt  }
0x65: {  	_ =	shalt  }
0x66: {  	_ =	shalt  }
0x67: {  	_ =	shalt  }
0x68: {  	_ =	shalt  }
0x69: {  	_ =	shalt  }
0x6a: {  	_ =	shalt  }
0x6b: {  	_ =	shalt  }
0x6c: {  	_ =	shalt  }
0x6d: {  	_ =	shalt  }
0x6e: {  	_ =	shalt  }
0x6f: {  	_ =	shalt  }
0x70: {  	_ =	shalt  }
0x71: {  	_ =	shalt  }
0x72: {  	_ =	shalt  }
0x73: {  	_ =	shalt  }
0x74: {  	_ =	shalt  }
0x75: {  	_ =	shalt  }
0x76: {  	_ =	shalt  }
0x77: {  	_ =	shalt  }
0x78: {  	_ =	shalt  }
0x79: {  	_ =	shalt  }
0x7a: {  	_ =	shalt  }
0x7b: {  	_ =	shalt  }
0x7c: {  	_ =	shalt  }
0x7d: {  	_ =	shalt  }
0x7e: {  	_ =	shalt  }
0x7f: {  	_ =	shalt  }
0x80: {  	_ =	shalt  }
0x81: {  	_ =	shalt  }
0x82: {  	_ =	shalt  }
0x83: {  	_ =	shalt  }
0x84: {  	_ =	shalt  }
0x85: {  	_ =	shalt  }
0x86: {  	_ =	shalt  }
0x87: {  	_ =	shalt  }
.Lfunc_end0:
.L_simem_size_0:
called_computation.1_lowered:
.L_overlay_start_0:
0x88: {  	s2 =	sld [smem:$0x3FD9]  }
0x89: {  	s3 =	sld [smem:$0x3FFE];
	_ =	sdelay $0x1  }
0x8a: {  	s1 =	srdreg.scid  }
0x8b: {  	s0 =	sand.u32 $0x1, s1  }
0x8c: {  	s17 =	sshll.u32 s0, $0xA;
	s2 =	sadd.s32 s3, s2  }
0x8d: {  	s2 =	sadd.s32 s2, s17  }
0x8e: {  	[smem:$0x3FC2] =	sst s2  }
0x8f: {  	_ = 	snop  }
0x90: {  	s2 =	sld [smem:$0x3FD0];
	(tm) =	ssettm $0x1  }
0x91: {  	s18 =	sld [smem:$0x3FFB];
	_ =	sdelay $0x3  }
0x92: {  	_ =	strace s18  }
0x93: {  	s3 =	sld [smem:$0x3FFC];
	_ =	sdelay $0x3  }
0x94: {  	_ =	strace s3  }
0x95: {  	s3 =	sld [smem:$0x3FFD];
	_ =	sdelay $0x3  }
0x96: {  	_ =	strace s3  }
0x97: {  	_ =	strace $0x8FFFFFFF  }
0x98: {  	s19 =	sld [smem:$0x3FDB];
	_ =	sdelay $0x1  }
0x99: {  	s4 =	simm.s32 $_scs_section_size  }
0x9a: {  	s5 =	simm.s32 $_size__tile_overlayer_lowered;
	s6 =	simm.s32 $_tile_overlayer_lowered  }
0x9b: {  	s22 =	simm.s32 $0x1BFF;
	s21 =	sshll.u32 s6, $0x1;
	s3 =	sadd.s32 s4, s19  }
0x9c: {  	s7 =	simm.s32 $0x0;
	s20 =	sshll.u32 s5, $0x1;
	s5 =	sadd.s32 s21, s3  }
0x9d: {  	[timem:s7], [sflag:s22] =	dma.local [hbm:s5], s20  }
0x9e: {  	_ =	swait.ge [sflag:s22], s20  }
0x9f: {  	s4 =	ssub.s32 $0x0, s20;
	[sflag:s22] =	ssyncset.done $0x0  }
0xa0: {  	[sflag:s22] =	ssyncadd.s32 s4;
	_ =	sdelay $0x1  }
0xa1: {  	s23 =	simm.s32 $0x1B8B  }
0xa2: {  	_ =	swait.ge [sflag:s23], $0x1  }
0xa3: {  	[sflag:s23] =	ssyncset.done $0x0  }
0xa4: {  	s25 =	simm.s32 $0x1B8E;
	s24 =	sld [smem:$0x3FFE];
	[sflag:s23] =	ssyncadd.s32 $0xFFFFFFFF  }
0xa5: {  	s26 =	simm.s32 $execute0_lowered;
	[smem:$0x3FD2] =	sst s25  }
0xa6: {  	s5 =	sshll.u32 s26, $0x1;
	_ =	strace $0x80000049;
	[dreg:$0x1] =	wrdreg $0xFFFFFFFF  }
0xa7: {  	s28 =	simm.s32 $_size_execute0_lowered;
	s3 =	sadd.s32 s3, s5;
	[dreg:$0x0] =	wrdreg $0x0  }
0xa8: {  	s5 =	sshll.u32 s28, $0x1;
	[dreg:$0x2] =	wrdreg s3  }
0xa9: {  	[dreg:$0x3] =	wrdreg s5  }
0xaa: {  	[dreg:$0x4] =	wrdreg $0xC0  }
0xab: {  	_ =	task [dreg:s7], $0x5FFFF  }
0xac: {  	[dreg:$0x1] =	wrdreg $0xFFFFFFFF  }
0xad: {  	[dreg:$0x0] =	wrdreg $0x60  }
0xae: {  	[dreg:$0x2] =	wrdreg s2  }
0xaf: {  	[dreg:$0x3] =	wrdreg s24  }
0xb0: {  	[dreg:$0x4] =	wrdreg $0x0  }
0xb1: {  	[dreg:$0x5] =	wrdreg $0x9  }
0xb2: {  	_ =	task.clear_ibuf [dreg:s7], $0x6FFFF;
	_ =	strace $0x90000049  }
0xb3: {  	s29 =	simm.s32 $0x9;
	_ =	strace $0x8000004B  }
0xb4: {  	_ =	swait.ge [sflag:s29], $0x1  }
0xb5: {  	[sflag:s29] =	ssyncadd.s32 $0xFFFFFFFF  }
0xb6: {  	_ =	strace $0x9000004B  }
0xb7: {  	_ =	sfence  }
0xb8: {  	s30 =	sld [smem:$0x0];
	_ =	sdelay $0x2  }
0xb9: {  	s31 =	sshll.u32 s1, $0xD;
	s1 =	sshrl.u32 s1, $0x2  }
0xba: {  	s3 =	sand.u32 $0x4000, s31;
	s1 =	sadd.s32 s1, s30  }
0xbb: {  	s0 =	sor.u32 s3, s0;
	s1 =	sshll.u32 s1, $0x11  }
0xbc: {  	s0 =	sor.u32 s1, s0  }
0xbd: {  	s0 =	sadd.s32 $0x8F2B, s0  }
0xbe: {  	[sflag:s0] =	ssyncadd.remote.s32 $0x1  }
0xbf: {  	_ =	sfence.sel $0xFFFF  }
0xc0: {  	[dreg:$0x0] =	wrdreg $0xFFFFFFFF;
	(pc) =	sbr.abs _section_cstart, $3  }
0xc1: {  	[dreg:$0x1] =	wrdreg $0xFFFFFFFF  }
0xc2: {  	_ =	task.clear_ibuf [dreg:s7], $0x2FFFF;
	_ =	strace $0x9FFFFFFF  }
0xc3: {  	(tm) =	ssettm $0x7FFFFFFF  }
tec
execute0_lowered:
.L_overlay_start_1:
0x0: {  	(tag) =	ssettag $0x1  }
0x1: {  	s2 =	rddreg [dreg:$0x0]  }
0x2: {  	s0 =	rddreg [dreg:$0x1]  }
0x3: {  	s3 =	rddreg [dreg:$0x2];
	s9 =	stileid.u32  }
0x4: {  	s4 =	simm.s32 $0x0;
	s1 =	srdreg.scid;
	s29 =	simm.s32 $0x14000  }
0x5: {  	s30 =	simm.s32 $0x14100;
	s31 =	simm.s32 $0x14080;
	s10 =	smul.u32 $0x2800, s9  }
0x6: {  	s28 =	simm.s32 $0x0;
	[smem:$0x7FF] =	sst s4;
	s11 =	smul.u32 $0x1388, s9  }
0x7: {  	s1 =	sand.u32 $0x1, s1;
	s6 =	sadd.s32 $0x3C00, s0;
	s25 =	smul.u32 $0x50000, s9  }
0x8: {  	s8 =	sadd.s32 $0x5DA00, s0;
	s13 =	smul.u32 $0x271, s9;
	s9 =	simm.s32 $0x1  }
0x9: {  	_ =	strace $0x8000004A;
	s7 =	ssub.s32 $0x2, s1;
	[dreg:$0x6] =	wrdreg s8  }
0xa: {  	s24 =	smul.u32 $0x13880, s1;
	s5 =	sadd.s32 s10, s0;
	[dreg:$0x5] =	wrdreg s11  }
0xb: {  	s0 =	sadd.s32 $0x85A00, s0;
	s22 =	sshrl.u32 s7, $0x1;
	[dreg:$0x4] =	wrdreg s10  }
0xc: {  	s23 =	sshrl.u32 s11, $0x3;
	s14 =	sadd.s32 s2, s10;
	[dreg:$0x7] =	wrdreg s0  }
0xd: {  	s0 =	ssub.s32 s7, s22;
	s7 =	sadd.s32 s6, s23;
	[dreg:$0xe] =	wrdreg s14  }
0xe: {  	p0 =	seq.s32 s1, $0x1;
	s5 =	sadd.s32 $0x35A00, s5;
	[dreg:$0x8] =	wrdreg s7  }
0xf: {  	s1 =	sshrl.u32 s25, $0x2;
	s8 =	sadd.s32 s11, s24;
	[dreg:$0x11] =	wrdreg s5  }
0x10: {  	s15 =	sadd.s32 s1, s3;
	s22 =	sadd.s32 s13, s6;
	[dreg:$0xb] =	wrdreg s8  }
0x11: {  	s11 =	simm.s32 $0x2;
	s12 =	sadd.s32 $0x4E20, s7;
	[dreg:$0x15] =	wrdreg s15  }
0x12: {  	s14 =	simm.s32 $0x14300;
	s26 =	sadd.s32 $0x10, s7;
	[dreg:$0x9] =	wrdreg s12  }
0x13: {  	s7 =	sadd.s32 $0x4E30, s7;
	s0 =	smax.u32 s0, $0x1;
	[dreg:$0xa] =	wrdreg s26  }
0x14: {  	s18 =	sadd.s32 $0x180, s8;
	s19 =	sadd.s32 $0x27280, s8;
	[dreg:$0xc] =	wrdreg s7  }
0x15: {  	s20 =	sadd.s32 $0x27200, s8;
	s12 =	sshrl.u32 s8, $0x3;
	[dreg:$0x12] =	wrdreg s0  }
0x16: {  	s0 =	sshrl.u32 s18, $0x3;
	s1 =	sshrl.u32 s19, $0x3;
	s5 =	sshrl.u32 s20, $0x3  }
0x17: {  	s26 =	sadd.s32 $0x100, s8;
	s8 =	simm.s32 $0xA;
	s18 =	simm.s32 $0x5  }
0x18: {  	s19 =	simm.s32 $0x6;
	s20 =	simm.s32 $0x18300;
	s7 =	sadd.s32 s6, s12  }
0x19: {  	s23 =	sadd.s32 s0, s6;
	s24 =	sadd.s32 s1, s6;
	s25 =	sadd.s32 s5, s6  }
.Ltmp0:
0x1a: {  	[dreg:$0x14] =	wrdreg s26;
	s0 =	simm.s32 $0x14180;
	(pc) =	sbr.rel .LBB2_1-.Ltmp0, $4  }
0x1b: {  	s12 =	simm.s32 $0x80;
	s16 =	sadd.s32 $0x4E20, s7;
	[dreg:$0xd] =	wrdreg s7  }
0x1c: {  	s1 =	simm.s32 $0x4;
	s17 =	sadd.s32 $0x10, s7;
	[dreg:$0xf] =	wrdreg s16  }
0x1d: {  	v0 =	vlaneseq.u32;
	s26 =	simm.s32 $0x7;
	s21 =	sadd.s32 $0x4E30, s7;
	[dreg:$0x10] =	wrdreg s17  }
0x1e: {  	vm0 =	vmmov $0xff;
	v0 =	vor.u32 $0x2710, v0;
	s7 =	simm.s32 $0x8;
	[dreg:$0x13] =	wrdreg s21;
	s17 =	simm.s32 $0x3  }
.LBB2_7:
0x1f: {  	[tilespmem:s0], [sflag:$0x6] =	stream.linear.gather [hbm4b:s5+s4], $0x80, $0x38;
	[tilespmem:$0x1CB00] =	vst v63  }
0x20: {  	s13 =	rddreg [dreg:$0xb]  }
0x21: {  	s5 =	rddreg [dreg:$0x7]  }
.LBB2_8:
0x22: {  	_ =	swait.ge [sflag:s17], $0x4000  }
0x23: {  	[sflag:s17] =	ssyncset.done $0x0  }
0x24: {  	[sflag:s17] =	ssyncadd.s32 $0xFFFFC000  }
0x25: {  	[spmem:s3] =	stream.indirect.scatter.add.f32 [tilespmem:s14], [sflag:$0x4], $0x80, s30, s12, $0xb8;
	[tilespmem:$0x1CB00] =	vst v63  }
0x26: {  	_ =	swait.ge [sflag:s18], $0x80  }
0x27: {  	[sflag:s18] =	ssyncset.done $0x0  }
0x28: {  	[sflag:s18] =	ssyncadd.s32 $0xFFFFFF80  }
0x29: {  	_ =	swait.ge [sflag:s19], $0x80  }
0x2a: {  	[sflag:s19] =	ssyncset.done $0x0  }
0x2b: {  	[sflag:s19] =	ssyncadd.s32 $0xFFFFFF80  }
0x2c: {  	[tilespmem:s20], [sflag:$0x7] =	stream.indirect.gather [hbm4b:s2+s12], $0x80, s31, s12, $0xb8;
	[tilespmem:$0x1CB00] =	vst v63  }
0x2d: {  	s16 =	sshrl.u32 s13, $0x3;
	_ =	swait.ge [sflag:s1], $0x4000  }
0x2e: {  	s16 =	sadd.s32 s6, s16;
	[sflag:s1] =	ssyncset.done $0x0  }
0x2f: {  	s21 =	sadd.s32 $0x260, s16;
	[sflag:s1] =	ssyncadd.s32 $0xFFFFC000  }
0x30: {  	[tilespmem:s29], [sflag:$0x1] =	stream.linear.gather [hbm4b:s21+s4], $0x80, $0x38;
	[tilespmem:$0x1CB00] =	vst v63  }
0x31: {  	s16 =	sadd.s32 $0x5080, s16  }
0x32: {  	[tilespmem:s30], [sflag:$0x2] =	stream.linear.gather [hbm4b:s16+s4], $0x80, $0x38;
	[tilespmem:$0x1CB00] =	vst v63  }
0x33: {  	_ =	swait.ge [sflag:s26], $0x4000  }
0x34: {  	[sflag:s26] =	ssyncset.done $0x0  }
0x35: {  	[sflag:s26] =	ssyncadd.s32 $0xFFFFC000  }
0x36: {  	[spmem:s3] =	stream.indirect.scatter.add.f32 [tilespmem:s20], [sflag:$0x8], $0x80, s0, s12, $0xb8;
	[tilespmem:$0x1CB00] =	vst v63  }
0x37: {  	_ =	swait.ge [sflag:s9], $0x80  }
0x38: {  	[sflag:s9] =	ssyncset.done $0x0  }
0x39: {  	[sflag:s9] =	ssyncadd.s32 $0xFFFFFF80  }
0x3a: {  	_ =	swait.ge [sflag:s11], $0x80  }
0x3b: {  	[sflag:s11] =	ssyncset.done $0x0  }
0x3c: {  	[sflag:s11] =	ssyncadd.s32 $0xFFFFFF80  }
0x3d: {  	[tilespmem:s14], [sflag:$0x3] =	stream.indirect.gather [hbm4b:s2+s12], $0x80, s29, s12, $0xb8;
	[tilespmem:$0x1CB00] =	vst v63  }
0x3e: {  	_ =	swait.ge [sflag:s7], $0x4000  }
0x3f: {  	[sflag:s7] =	ssyncset.done $0x0  }
0x40: {  	[sflag:s7] =	ssyncadd.s32 $0xFFFFC000  }
0x41: {  	_ =	swait.ge [sflag:s17], $0x4000  }
0x42: {  	[sflag:s17] =	ssyncset.done $0x0  }
0x43: {  	[sflag:s17] =	ssyncadd.s32 $0xFFFFC000  }
0x44: {  	[spmem:s3] =	stream.indirect.scatter.add.f32 [tilespmem:s14], [sflag:$0x4], $0x80, s30, s12, $0xb8;
	[tilespmem:$0x1CB00] =	vst v63  }
0x45: {  	s15 =	sadd.s32 $0x1378, s13;
	_ =	swait.ge [sflag:s1], $0x4000  }
0x46: {  	s16 =	sshrl.u32 s15, $0x3;
	[sflag:s1] =	ssyncset.done $0x0  }
0x47: {  	s21 =	simm.s32 $0x14200;
	s16 =	sadd.s32 s6, s16;
	[sflag:s1] =	ssyncadd.s32 $0xFFFFC000  }
0x48: {  	[tilespmem:s21], [sflag:$0xA] =	stream.linear.gather [hbm4b:s16+s4], $0x10, $0x38;
	[tilespmem:$0x1CB00] =	vst v63  }
0x49: {  	s16 =	sadd.s32 $0x28478, s13;
	_ =	swait.ge [sflag:s8], $0x10  }
0x4a: {  	s13 =	sshrl.u32 s16, $0x3;
	[sflag:s8] =	ssyncset.done $0x0  }
0x4b: {  	s16 =	simm.s32 $0x14280;
	s13 =	sadd.s32 s6, s13;
	[sflag:s8] =	ssyncadd.s32 $0xFFFFFFF0  }
0x4c: {  	[tilespmem:s16], [sflag:$0xA] =	stream.linear.gather [hbm4b:s13+s4], $0x10, $0x38;
	[tilespmem:$0x1CB00] =	vst v63  }
0x4d: {  	_ =	swait.ge [sflag:s8], $0x10  }
0x4e: {  	[sflag:s8] =	ssyncset.done $0x0  }
0x4f: {  	[sflag:s8] =	ssyncadd.s32 $0xFFFFFFF0  }
0x50: {  	v1 =	vld [tilespmem:$0x14280];
	_ =	sdelay $0x4  }
0x51: {  	v1 =	vsel vm0, v0, v1  }
0x52: {  	s15 =	simm.s32 $0x1C300;
	s13 =	simm.s32 $0x10;
	[tilespmem:$0x14280] =	vst v1  }
0x53: {  	[tilespmem:s15], [sflag:$0x9] =	stream.indirect.gather [hbm4b:s2+s13], $0x80, s21, s13, $0xb8;
	[tilespmem:$0x1CB00] =	vst v63  }
0x54: {  	s21 =	simm.s32 $0x9  }
0x55: {  	_ =	swait.ge [sflag:s21], $0x800  }
0x56: {  	[sflag:s21] =	ssyncset.done $0x0  }
0x57: {  	[sflag:s21] =	ssyncadd.s32 $0xFFFFF800  }
0x58: {  	[spmem:s3] =	stream.indirect.scatter.add.f32 [tilespmem:s15], [sflag:$0xA], $0x80, s16, s13, $0xb8;
	[tilespmem:$0x1CB00] =	vst v63  }
0x59: {  	_ =	swait.ge [sflag:s8], $0x800  }
0x5a: {  	[sflag:s8] =	ssyncset.done $0x0  }
0x5b: {  	[sflag:s8] =	ssyncadd.s32 $0xFFFFF800  }
0x5c: {  	s15 =	rddreg [dreg:$0x4];
	[bflag:$0x0] =	sbarrier.arrive $0xFFFF  }
0x5d: {  	s5 =	sadd.s32 s5, s15;
	s15 =	rddreg [dreg:$0x15]  }
0x5e: {  	s16 =	sshrl.u32 s15, $0x3  }
0x5f: {  	[hbm:s5], [sflag:s10] =	dma.local [spmem:s16], $0x2800  }
0x60: {  	_ =	swait.ge [sflag:s8], $0x2800  }
0x61: {  	s28 =	sadd.s32 $0x1, s28;
	s21 =	rddreg [dreg:$0x12]  }
0x62: {  	p1 =	sne.s32 s28, s21  }
.Ltmp1:
0x63: {  	_ = 	snop;
	(pc) =	sbr.rel @!p1 .LBB2_9-.Ltmp1, $3  }
0x64: {  	_ =	sdelay $0x1  }
0x65: {  	[sflag:s8] =	ssyncset.done $0x0  }
0x66: {  	[sflag:s8] =	ssyncadd.s32 $0xFFFFD800  }
.LBB2_1:
.Ltmp2:
0x67: {  	(pc) =	sbr.rel @!p0 .LBB2_2-.Ltmp2, $1  }
0x68: {  	_ =	sdelay $0x3  }
0x69: {  	s5 =	simm.s32 $0x0;
	s10 =	rddreg [dreg:$0xd]  }
0x6a: {  	[tilespmem:s29], [sflag:$0x1] =	stream.linear.gather [hbm4b:s10+s5], $0x80, $0x38;
	[tilespmem:$0x1CB00] =	vst v63  }
0x6b: {  	s16 =	rddreg [dreg:$0xf]  }
0x6c: {  	[tilespmem:s30], [sflag:$0x2] =	stream.linear.gather [hbm4b:s16+s5], $0x80, $0x38;
	[tilespmem:$0x1CB00] =	vst v63  }
0x6d: {  	s21 =	rddreg [dreg:$0x10]  }
0x6e: {  	[tilespmem:s31], [sflag:$0x5] =	stream.linear.gather [hbm4b:s21+s5], $0x80, $0x38;
	[tilespmem:$0x1CB00] =	vst v63  }
0x6f: {  	s13 =	rddreg [dreg:$0x13];
	s16 =	stileid.u32  }
0x70: {  	[tilespmem:s0], [sflag:$0x6] =	stream.linear.gather [hbm4b:s13+s5], $0x80, $0x38;
	[tilespmem:$0x1CB00] =	vst v63  }
0x71: {  	s5 =	sshll.u32 s16, $0x6  }
0x72: {  	s21 =	sshrl.u32 s15, $0x3;
	s13 =	rddreg [dreg:$0x11];
	s10 =	sor.u32 $0x1C0A, s5  }
0x73: {  	[spmem:s21], [sflag:s10] =	dma.local [hbm:s13], $0x2800  }
0x74: {  	_ =	swait.ge [sflag:s8], $0x2800  }
0x75: {  	[sflag:s8] =	ssyncset.done $0x0  }
0x76: {  	[sflag:s8] =	ssyncadd.s32 $0xFFFFD800  }
0x77: {  	_ =	swait.ge [sflag:s9], $0x80  }
0x78: {  	[sflag:s9] =	ssyncset.done $0x0  }
0x79: {  	[sflag:s9] =	ssyncadd.s32 $0xFFFFFF80  }
0x7a: {  	_ =	swait.ge [sflag:s11], $0x80  }
0x7b: {  	[sflag:s11] =	ssyncset.done $0x0  }
0x7c: {  	[sflag:s11] =	ssyncadd.s32 $0xFFFFFF80  }
0x7d: {  	[tilespmem:s14], [sflag:$0x3] =	stream.indirect.gather [hbm4b:s2+s12], $0x80, s29, s12, $0xb8;
	[tilespmem:$0x1CB00] =	vst v63  }
0x7e: {  	[bflag:$0x0] =	sbarrier.arrive $0xFFFF  }
0x7f: {  	_ =	swait.ge [sflag:s17], $0x4000  }
0x80: {  	[sflag:s17] =	ssyncset.done $0x0  }
0x81: {  	[sflag:s17] =	ssyncadd.s32 $0xFFFFC000  }
0x82: {  	[spmem:s3] =	stream.indirect.scatter.add.f32 [tilespmem:s14], [sflag:$0x4], $0x80, s30, s12, $0xb8;
	[tilespmem:$0x1CB00] =	vst v63  }
0x83: {  	_ =	swait.ge [sflag:s18], $0x80  }
0x84: {  	[sflag:s18] =	ssyncset.done $0x0  }
0x85: {  	[sflag:s18] =	ssyncadd.s32 $0xFFFFFF80  }
0x86: {  	_ =	swait.ge [sflag:s19], $0x80  }
0x87: {  	[sflag:s19] =	ssyncset.done $0x0  }
0x88: {  	[sflag:s19] =	ssyncadd.s32 $0xFFFFFF80  }
0x89: {  	[tilespmem:s20], [sflag:$0x7] =	stream.indirect.gather [hbm4b:s2+s12], $0x80, s31, s12, $0xb8;
	[tilespmem:$0x1CB00] =	vst v63  }
0x8a: {  	_ =	swait.ge [sflag:s1], $0x4000  }
0x8b: {  	s13 =	rddreg [dreg:$0x14]  }
0x8c: {  	[sflag:s1] =	ssyncset.done $0x0;
	s15 =	sshrl.u32 s13, $0x3  }
0x8d: {  	[sflag:s1] =	ssyncadd.s32 $0xFFFFC000;
	s5 =	sadd.s32 s6, s15  }
0x8e: {  	[tilespmem:s29], [sflag:$0x1] =	stream.linear.gather [hbm4b:s5+s4], $0x80, $0x38;
	[tilespmem:$0x1CB00] =	vst v63  }
0x8f: {  	s16 =	sadd.s32 $0x0, s25  }
0x90: {  	[tilespmem:s30], [sflag:$0x2] =	stream.linear.gather [hbm4b:s16+s4], $0x80, $0x38;
	[tilespmem:$0x1CB00] =	vst v63  }
0x91: {  	_ =	swait.ge [sflag:s26], $0x4000  }
0x92: {  	[sflag:s26] =	ssyncset.done $0x0  }
0x93: {  	[sflag:s26] =	ssyncadd.s32 $0xFFFFC000  }
0x94: {  	[spmem:s3] =	stream.indirect.scatter.add.f32 [tilespmem:s20], [sflag:$0x8], $0x80, s0, s12, $0xb8;
	[tilespmem:$0x1CB00] =	vst v63  }
0x95: {  	_ =	swait.ge [sflag:s9], $0x80  }
0x96: {  	[sflag:s9] =	ssyncset.done $0x0  }
0x97: {  	[sflag:s9] =	ssyncadd.s32 $0xFFFFFF80  }
0x98: {  	_ =	swait.ge [sflag:s11], $0x80  }
0x99: {  	[sflag:s11] =	ssyncset.done $0x0  }
0x9a: {  	[sflag:s11] =	ssyncadd.s32 $0xFFFFFF80  }
0x9b: {  	[tilespmem:s14], [sflag:$0x3] =	stream.indirect.gather [hbm4b:s2+s12], $0x80, s29, s12, $0xb8;
	[tilespmem:$0x1CB00] =	vst v63  }
0x9c: {  	_ =	swait.ge [sflag:s7], $0x4000  }
0x9d: {  	s21 =	sadd.s32 $0x0, s23;
	s13 =	sadd.s32 $0x100, s13;
	[sflag:s7] =	ssyncset.done $0x0  }
0x9e: {  	s5 =	sadd.s32 $0x0, s24;
	s16 =	simm.s32 $0x20;
	[sflag:s7] =	ssyncadd.s32 $0xFFFFC000  }
0x9f: {  	[tilespmem:s31], [sflag:$0x5] =	stream.linear.gather [hbm4b:s21+s4], $0x80, $0x38;
	[tilespmem:$0x1CB00] =	vst v63  }
.LBB2_6:
0xa0: {  	[tilespmem:s0], [sflag:$0x6] =	stream.linear.gather [hbm4b:s5+s4], $0x80, $0x38;
	[tilespmem:$0x1CB00] =	vst v63  }
0xa1: {  	s5 =	smov.u32 s16  }
0xa2: {  	p1 =	sne.s32 s16, $0x220;
	s16 =	sadd.s32 $0x20, s16;
	_ =	swait.ge [sflag:s17], $0x4000  }
0xa3: {  	[sflag:s17] =	ssyncset.done $0x0  }
0xa4: {  	[sflag:s17] =	ssyncadd.s32 $0xFFFFC000  }
0xa5: {  	[spmem:s3] =	stream.indirect.scatter.add.f32 [tilespmem:s14], [sflag:$0x4], $0x80, s30, s12, $0xb8;
	[tilespmem:$0x1CB00] =	vst v63  }
0xa6: {  	_ =	swait.ge [sflag:s18], $0x80  }
0xa7: {  	[sflag:s18] =	ssyncset.done $0x0  }
0xa8: {  	[sflag:s18] =	ssyncadd.s32 $0xFFFFFF80  }
0xa9: {  	_ =	swait.ge [sflag:s19], $0x80  }
0xaa: {  	[sflag:s19] =	ssyncset.done $0x0  }
0xab: {  	[sflag:s19] =	ssyncadd.s32 $0xFFFFFF80  }
0xac: {  	[tilespmem:s20], [sflag:$0x7] =	stream.indirect.gather [hbm4b:s2+s12], $0x80, s31, s12, $0xb8;
	[tilespmem:$0x1CB00] =	vst v63  }
0xad: {  	_ =	swait.ge [sflag:s1], $0x4000  }
0xae: {  	s21 =	sshrl.u32 s13, $0x3;
	[sflag:s1] =	ssyncset.done $0x0  }
0xaf: {  	s21 =	sadd.s32 s6, s21;
	[sflag:s1] =	ssyncadd.s32 $0xFFFFC000  }
0xb0: {  	[tilespmem:s29], [sflag:$0x1] =	stream.linear.gather [hbm4b:s21+s4], $0x80, $0x38;
	[tilespmem:$0x1CB00] =	vst v63  }
0xb1: {  	s21 =	sadd.s32 s5, s25  }
0xb2: {  	[tilespmem:s30], [sflag:$0x2] =	stream.linear.gather [hbm4b:s21+s4], $0x80, $0x38;
	[tilespmem:$0x1CB00] =	vst v63  }
0xb3: {  	_ =	swait.ge [sflag:s26], $0x4000  }
0xb4: {  	[sflag:s26] =	ssyncset.done $0x0  }
0xb5: {  	[sflag:s26] =	ssyncadd.s32 $0xFFFFC000  }
0xb6: {  	[spmem:s3] =	stream.indirect.scatter.add.f32 [tilespmem:s20], [sflag:$0x8], $0x80, s0, s12, $0xb8;
	[tilespmem:$0x1CB00] =	vst v63  }
0xb7: {  	_ =	swait.ge [sflag:s9], $0x80  }
0xb8: {  	[sflag:s9] =	ssyncset.done $0x0  }
0xb9: {  	[sflag:s9] =	ssyncadd.s32 $0xFFFFFF80  }
0xba: {  	_ =	swait.ge [sflag:s11], $0x80  }
0xbb: {  	[sflag:s11] =	ssyncset.done $0x0  }
0xbc: {  	[sflag:s11] =	ssyncadd.s32 $0xFFFFFF80  }
0xbd: {  	[tilespmem:s14], [sflag:$0x3] =	stream.indirect.gather [hbm4b:s2+s12], $0x80, s29, s12, $0xb8;
	[tilespmem:$0x1CB00] =	vst v63  }
.Ltmp3:
0xbe: {  	_ =	swait.ge [sflag:s7], $0x4000;
	(pc) =	sbr.rel @p1 .LBB2_6-.Ltmp3, $4  }
0xbf: {  	[sflag:s7] =	ssyncset.done $0x0  }
0xc0: {  	s21 =	sadd.s32 s5, s23;
	[sflag:s7] =	ssyncadd.s32 $0xFFFFC000  }
0xc1: {  	[tilespmem:s31], [sflag:$0x5] =	stream.linear.gather [hbm4b:s21+s4], $0x80, $0x38;
	[tilespmem:$0x1CB00] =	vst v63  }
0xc2: {  	s13 =	sadd.s32 $0x100, s13;
	s5 =	sadd.s32 s5, s24  }
.Ltmp4:
0xc3: {  	_ = 	snop;
	(pc) =	sbr.rel .LBB2_7-.Ltmp4, $1  }
0xc4: {  	_ =	sdelay $0x3  }
.LBB2_2:
0xc5: {  	s5 =	rddreg [dreg:$0x8]  }
0xc6: {  	[tilespmem:s29], [sflag:$0x1] =	stream.linear.gather [hbm4b:s5+s4], $0x80, $0x38;
	[tilespmem:$0x1CB00] =	vst v63  }
0xc7: {  	s21 =	rddreg [dreg:$0x9]  }
0xc8: {  	[tilespmem:s30], [sflag:$0x2] =	stream.linear.gather [hbm4b:s21+s4], $0x80, $0x38;
	[tilespmem:$0x1CB00] =	vst v63  }
0xc9: {  	s10 =	rddreg [dreg:$0xa];
	s16 =	stileid.u32  }
0xca: {  	[tilespmem:s31], [sflag:$0x5] =	stream.linear.gather [hbm4b:s10+s4], $0x80, $0x38;
	[tilespmem:$0x1CB00] =	vst v63  }
0xcb: {  	s13 =	rddreg [dreg:$0xc];
	s5 =	sshll.u32 s16, $0x6  }
0xcc: {  	[tilespmem:s0], [sflag:$0x6] =	stream.linear.gather [hbm4b:s13+s4], $0x80, $0x38;
	[tilespmem:$0x1CB00] =	vst v63  }
0xcd: {  	s21 =	sshrl.u32 s15, $0x3;
	s10 =	sor.u32 $0x1C0A, s5;
	s13 =	rddreg [dreg:$0xe]  }
0xce: {  	[spmem:s21], [sflag:s10] =	dma.local [hbm:s13], $0x2800  }
0xcf: {  	_ =	swait.ge [sflag:s8], $0x2800  }
0xd0: {  	[sflag:s8] =	ssyncset.done $0x0  }
0xd1: {  	[sflag:s8] =	ssyncadd.s32 $0xFFFFD800  }
0xd2: {  	_ =	swait.ge [sflag:s9], $0x80  }
0xd3: {  	[sflag:s9] =	ssyncset.done $0x0  }
0xd4: {  	[sflag:s9] =	ssyncadd.s32 $0xFFFFFF80  }
0xd5: {  	_ =	swait.ge [sflag:s11], $0x80  }
0xd6: {  	[sflag:s11] =	ssyncset.done $0x0  }
0xd7: {  	[sflag:s11] =	ssyncadd.s32 $0xFFFFFF80  }
0xd8: {  	[tilespmem:s14], [sflag:$0x3] =	stream.indirect.gather [hbm4b:s2+s12], $0x80, s29, s12, $0xb8;
	[tilespmem:$0x1CB00] =	vst v63  }
0xd9: {  	[bflag:$0x0] =	sbarrier.arrive $0xFFFF  }
0xda: {  	_ =	swait.ge [sflag:s17], $0x4000  }
0xdb: {  	[sflag:s17] =	ssyncset.done $0x0  }
0xdc: {  	[sflag:s17] =	ssyncadd.s32 $0xFFFFC000  }
0xdd: {  	[spmem:s3] =	stream.indirect.scatter.add.f32 [tilespmem:s14], [sflag:$0x4], $0x80, s30, s12, $0xb8;
	[tilespmem:$0x1CB00] =	vst v63  }
0xde: {  	_ =	swait.ge [sflag:s18], $0x80  }
0xdf: {  	[sflag:s18] =	ssyncset.done $0x0  }
0xe0: {  	[sflag:s18] =	ssyncadd.s32 $0xFFFFFF80  }
0xe1: {  	_ =	swait.ge [sflag:s19], $0x80  }
0xe2: {  	[sflag:s19] =	ssyncset.done $0x0  }
0xe3: {  	[sflag:s19] =	ssyncadd.s32 $0xFFFFFF80  }
0xe4: {  	[tilespmem:s20], [sflag:$0x7] =	stream.indirect.gather [hbm4b:s2+s12], $0x80, s31, s12, $0xb8;
	[tilespmem:$0x1CB00] =	vst v63  }
0xe5: {  	_ =	swait.ge [sflag:s1], $0x4000  }
0xe6: {  	s5 =	sadd.s32 $0xFFFFFDC0, s22;
	[sflag:s1] =	ssyncset.done $0x0  }
0xe7: {  	s15 =	sadd.s32 $0x260, s5;
	[sflag:s1] =	ssyncadd.s32 $0xFFFFC000  }
0xe8: {  	[tilespmem:s29], [sflag:$0x1] =	stream.linear.gather [hbm4b:s15+s4], $0x80, $0x38;
	[tilespmem:$0x1CB00] =	vst v63  }
0xe9: {  	s16 =	sadd.s32 $0x5080, s5  }
0xea: {  	[tilespmem:s30], [sflag:$0x2] =	stream.linear.gather [hbm4b:s16+s4], $0x80, $0x38;
	[tilespmem:$0x1CB00] =	vst v63  }
0xeb: {  	_ =	swait.ge [sflag:s26], $0x4000  }
0xec: {  	[sflag:s26] =	ssyncset.done $0x0  }
0xed: {  	[sflag:s26] =	ssyncadd.s32 $0xFFFFC000  }
0xee: {  	[spmem:s3] =	stream.indirect.scatter.add.f32 [tilespmem:s20], [sflag:$0x8], $0x80, s0, s12, $0xb8;
	[tilespmem:$0x1CB00] =	vst v63  }
0xef: {  	_ =	swait.ge [sflag:s9], $0x80  }
0xf0: {  	[sflag:s9] =	ssyncset.done $0x0  }
0xf1: {  	[sflag:s9] =	ssyncadd.s32 $0xFFFFFF80  }
0xf2: {  	_ =	swait.ge [sflag:s11], $0x80  }
0xf3: {  	[sflag:s11] =	ssyncset.done $0x0  }
0xf4: {  	[sflag:s11] =	ssyncadd.s32 $0xFFFFFF80  }
0xf5: {  	[tilespmem:s14], [sflag:$0x3] =	stream.indirect.gather [hbm4b:s2+s12], $0x80, s29, s12, $0xb8;
	[tilespmem:$0x1CB00] =	vst v63  }
0xf6: {  	_ =	swait.ge [sflag:s7], $0x4000  }
0xf7: {  	s21 =	sadd.s32 $0x270, s5;
	[sflag:s7] =	ssyncset.done $0x0  }
0xf8: {  	s5 =	sadd.s32 $0x5090, s5;
	s16 =	simm.s32 $0xFFFFFDE0;
	[sflag:s7] =	ssyncadd.s32 $0xFFFFC000  }
0xf9: {  	[tilespmem:s31], [sflag:$0x5] =	stream.linear.gather [hbm4b:s21+s4], $0x80, $0x38;
	[tilespmem:$0x1CB00] =	vst v63  }
.LBB2_3:
0xfa: {  	[tilespmem:s0], [sflag:$0x6] =	stream.linear.gather [hbm4b:s5+s4], $0x80, $0x38;
	[tilespmem:$0x1CB00] =	vst v63  }
0xfb: {  	s5 =	smov.u32 s16  }
0xfc: {  	p1 =	seq.s32 s16, $0xFFFFFFE0;
	s16 =	sadd.s32 $0x20, s16;
	_ =	swait.ge [sflag:s17], $0x4000  }
0xfd: {  	[sflag:s17] =	ssyncset.done $0x0  }
0xfe: {  	[sflag:s17] =	ssyncadd.s32 $0xFFFFC000  }
0xff: {  	[spmem:s3] =	stream.indirect.scatter.add.f32 [tilespmem:s14], [sflag:$0x4], $0x80, s30, s12, $0xb8;
	[tilespmem:$0x1CB00] =	vst v63  }
0x100: {  	_ =	swait.ge [sflag:s18], $0x80  }
0x101: {  	[sflag:s18] =	ssyncset.done $0x0  }
0x102: {  	[sflag:s18] =	ssyncadd.s32 $0xFFFFFF80  }
0x103: {  	_ =	swait.ge [sflag:s19], $0x80  }
0x104: {  	[sflag:s19] =	ssyncset.done $0x0  }
0x105: {  	[sflag:s19] =	ssyncadd.s32 $0xFFFFFF80  }
0x106: {  	[tilespmem:s20], [sflag:$0x7] =	stream.indirect.gather [hbm4b:s2+s12], $0x80, s31, s12, $0xb8;
	[tilespmem:$0x1CB00] =	vst v63  }
0x107: {  	_ =	swait.ge [sflag:s1], $0x4000  }
0x108: {  	s5 =	sadd.s32 s5, s22;
	[sflag:s1] =	ssyncset.done $0x0  }
0x109: {  	s13 =	sadd.s32 $0x260, s5;
	[sflag:s1] =	ssyncadd.s32 $0xFFFFC000  }
0x10a: {  	[tilespmem:s29], [sflag:$0x1] =	stream.linear.gather [hbm4b:s13+s4], $0x80, $0x38;
	[tilespmem:$0x1CB00] =	vst v63  }
0x10b: {  	s13 =	sadd.s32 $0x5080, s5  }
0x10c: {  	[tilespmem:s30], [sflag:$0x2] =	stream.linear.gather [hbm4b:s13+s4], $0x80, $0x38;
	[tilespmem:$0x1CB00] =	vst v63  }
0x10d: {  	_ =	swait.ge [sflag:s26], $0x4000  }
0x10e: {  	[sflag:s26] =	ssyncset.done $0x0  }
0x10f: {  	[sflag:s26] =	ssyncadd.s32 $0xFFFFC000  }
0x110: {  	[spmem:s3] =	stream.indirect.scatter.add.f32 [tilespmem:s20], [sflag:$0x8], $0x80, s0, s12, $0xb8;
	[tilespmem:$0x1CB00] =	vst v63  }
0x111: {  	_ =	swait.ge [sflag:s9], $0x80  }
0x112: {  	[sflag:s9] =	ssyncset.done $0x0  }
0x113: {  	[sflag:s9] =	ssyncadd.s32 $0xFFFFFF80  }
0x114: {  	_ =	swait.ge [sflag:s11], $0x80  }
0x115: {  	[sflag:s11] =	ssyncset.done $0x0  }
0x116: {  	[sflag:s11] =	ssyncadd.s32 $0xFFFFFF80  }
0x117: {  	[tilespmem:s14], [sflag:$0x3] =	stream.indirect.gather [hbm4b:s2+s12], $0x80, s29, s12, $0xb8;
	[tilespmem:$0x1CB00] =	vst v63  }
.Ltmp5:
0x118: {  	_ =	swait.ge [sflag:s7], $0x4000;
	(pc) =	sbr.rel @!p1 .LBB2_3-.Ltmp5, $4  }
0x119: {  	[sflag:s7] =	ssyncset.done $0x0  }
0x11a: {  	s13 =	sadd.s32 $0x270, s5;
	[sflag:s7] =	ssyncadd.s32 $0xFFFFC000  }
0x11b: {  	[tilespmem:s31], [sflag:$0x5] =	stream.linear.gather [hbm4b:s13+s4], $0x80, $0x38;
	[tilespmem:$0x1CB00] =	vst v63  }
0x11c: {  	s5 =	sadd.s32 $0x5090, s5  }
.Ltmp6:
0x11d: {  	(pc) =	sbr.rel .LBB2_8-.Ltmp6, $4  }
0x11e: {  	_ = 	snop  }
0x11f: {  	[tilespmem:s0], [sflag:$0x6] =	stream.linear.gather [hbm4b:s5+s4], $0x80, $0x38;
	[tilespmem:$0x1CB00] =	vst v63  }
0x120: {  	s13 =	rddreg [dreg:$0x5]  }
0x121: {  	s5 =	rddreg [dreg:$0x6]  }
.LBB2_9:
0x122: {  	_ =	sfence.sel $0x180000  }
0x123: {  	[bflag:$0x0] =	sbarrier.arrive $0xFFFF  }
0x124: {  	_ =	strace $0x9000004A  }
0x125: {  	s0 =	stileid.u32;
	[bflag:$0x2] =	sbarrier.arrive $0xFFFF  }
0x126: {  	p0 =	sne.s32 s0, $0x0;
	s0 =	rddreg [dreg:$0x3]  }
0x127: {  	s0 =	sadd.s32 @!p0 $0x100000, s0  }
0x128: {  	[sflag:s0] =	ssyncadd.tile.s32 @!p0 $0x1;
	_ =	shalt  }
.Lfunc_end2:
_tile_overlayer_lowered:
.L_overlay_start_2:
0x129: {  	(tag) =	ssettag $0x2  }
0x12a: {  	s0 =	rddreg [dreg:$0x0];
	s2 =	stileid.u32  }
0x12b: {  	s1 =	rddreg [dreg:$0x1];
	p0 =	sne.s32 s2, $0x0  }
0x12c: {  	s3 =	rddreg [dreg:$0x2];
	[bflag:$0x3] =	sbarrier.arrive $0xFFFF;
	s2 =	simm.s32 @!p0 $0x1C0A  }
0x12d: {  	[timem:s3], [sflag:s2] =	dma.local @!p0 [hbm:s0], s1  }
0x12e: {  	s0 =	simm.s32 @!p0 $0xA  }
0x12f: {  	_ =	swait.ge @!p0 [sflag:s0], s1  }
0x130: {  	s1 =	ssub.s32 @!p0 $0x0, s1;
	[sflag:s0] =	ssyncset.done @!p0 $0x0  }
0x131: {  	[sflag:s0] =	ssyncadd.s32 @!p0 s1  }
0x132: {  	[bflag:$0x3] =	sbarrier.arrive $0xFFFF  }
0x133: {  	_ =	shalt  }

// kernel: kernel.15.cloned.1.call-start
scs
__scs_entry_jumppad:
0x0: {  	(pc) =	sbr.rel $0x88, $3  }
0x1: {  	(tag) =	ssettag $0x0;
	lr =	simm.s32 $0x1  }
0x2: {  	[smem:$0x3F9B] =	sst lr;
	_ =	strace $0xD0000000  }
0x3: {  	_ = 	snop  }
0x4: {  	_ = 	snop  }
0x5: {  	_ = 	snop  }
0x6: {  	_ = 	snop  }
0x7: {  	_ = 	snop  }
__scs_overlays_trampoline_lowered:
0x8: {  	[smem:$0x3FAA] =	sst s0  }
0x9: {  	[smem:$0x3FAB] =	sst s1  }
0xa: {  	[smem:$0x3FAC] =	sst s2  }
0xb: {  	[smem:$0x3FAD] =	sst s3  }
0xc: {  	[smem:$0x3FAE] =	sst s4  }
0xd: {  	[smem:$0x3FAF] =	sst s5  }
0xe: {  	[smem:$0x3FB0] =	sst s6  }
0xf: {  	[smem:$0x3FB1] =	sst s7  }
0x10: {  	[smem:$0x3FB2] =	sst s8  }
0x11: {  	[smem:$0x3FB3] =	sst s9;
	s0 =	simm.s32 @!p0 $0x0  }
0x12: {  	s1 =	sld [smem:$0x3F99];
	s0 =	simm.s32 @p0 $0x1  }
0x13: {  	[smem:$0x3FB4] =	sst s0;
	s0 =	simm.s32 @!p1 $0x0  }
0x14: {  	s2 =	sld [smem:$0x3F98];
	s0 =	simm.s32 @p1 $0x1  }
0x15: {  	[smem:$0x3FB5] =	sst s0;
	s0 =	simm.s32 @!p2 $0x0  }
0x16: {  	s3 =	sld [smem:$0x3FDB];
	s0 =	simm.s32 @p2 $0x1  }
0x17: {  	s4 =	simm.s32 $0x1BF5;
	[smem:$0x3FB7] =	sst s0  }
0x18: {  	s0 =	sld [smem:$0x3F9A];
	_ =	swait.ge [sflag:s4], $0x0  }
0x19: {  	s7 =	sld [smem:$0x3F9B]  }
0x1a: {  	s8 =	sadd.s32 $0xFFFFE003, lr  }
0x1b: {  	s9 =	sadd.s32 $0xFFFFFEF7, lr;
	s5 =	simm.s32 $0xFFFFFFFF;
	p2 =	slt.u32 s8, $0xFFFFF086  }
0x1c: {  	p1 =	slt.u32 s9, $0xF7A;
	s5 =	simm.s32 @!p2 $0x0  }
0x1d: {  	s5 =	simm.s32 @p1 $0x1;
	p0 =	seq.s32 s7, s2  }
0x1e: {  	s7 =	smul.u32 @!p0 $0xF7A, s2;
	p2 =	seq.s32 @!p0 s5, $0x0  }
0x1f: {  	s9 =	smul.u32 $0xF7A, s1;
	s8 =	simm.s32 @!p0 $0x1BF5;
	p2 =	por !p2, p0  }
0x20: {  	[sflag:s8] =	ssyncset.s32 @!p0 $0xFFFFF086;
	s6 =	sadd.s32 @!p0 s3, s7;
	s7 =	simm.s32 @!p0 $0x108  }
0x21: {  	s3 =	sadd.s32 s3, s9;
	s6 =	sadd.s32 @!p0 $0x88, s6;
	s7 =	simm.s32 @p2 $0x1082  }
0x22: {  	[simem:s7], [sflag:s8] =	dma.local @!p0 [hbm:s6], $0xF7A  }
0x23: {  	s9 =	sor.u32 $0xD0000000, s2;
	s6 =	simm.s32 $0x108;
	_ =	swait.ge @!p0 [sflag:s8], $0x0  }
0x24: {  	s3 =	sadd.s32 $0x88, s3;
	s6 =	simm.s32 @!p1 $0x1082;
	[sflag:s4] =	ssyncset.s32 $0xFFFFF086  }
0x25: {  	[simem:s6], [sflag:s4] =	dma.local [hbm:s3], $0xF7A  }
0x26: {  	[smem:$0x3F9B] =	sst s1;
	(tag) =	ssettag s2;
	_ =	strace s9  }
0x27: {  	s1 =	sld [smem:$0x3FAB]  }
0x28: {  	s2 =	sld [smem:$0x3FAC]  }
0x29: {  	s4 =	sld [smem:$0x3FAE]  }
0x2a: {  	p0 =	seq.s32 s5, $0x0;
	s5 =	sld [smem:$0x3FAF]  }
0x2b: {  	s6 =	sld [smem:$0x3FB0]  }
0x2c: {  	s7 =	sld [smem:$0x3FB1]  }
0x2d: {  	s3 =	simm.s32 $0x108;
	s8 =	sld [smem:$0x3FB2]  }
0x2e: {  	s3 =	simm.s32 @!p0 $0x1082;
	s9 =	sld [smem:$0x3FB3]  }
0x2f: {  	lr =	sadd.s32 s0, s3;
	s0 =	sld [smem:$0x3FAA]  }
0x30: {  	s3 =	sld [smem:$0x3FAD]  }
0x31: {  	[smem:$0x3FB6] =	sst s10  }
0x32: {  	s10 =	sld [smem:$0x3FB4];
	_ =	sdelay $0x3  }
0x33: {  	p0 =	seq.s32 s10, $0x1;
	s10 =	sld [smem:$0x3FB6];
	_ =	sdelay $0x3  }
0x34: {  	[smem:$0x3FB6] =	sst s10  }
0x35: {  	s10 =	sld [smem:$0x3FB5];
	_ =	sdelay $0x3  }
0x36: {  	p1 =	seq.s32 s10, $0x1;
	s10 =	sld [smem:$0x3FB6];
	_ =	sdelay $0x3  }
0x37: {  	[smem:$0x3FB6] =	sst s10  }
0x38: {  	s10 =	sld [smem:$0x3FB7]  }
0x39: {  	_ = 	snop;
	(pc) =	sbr.ind lr, $3  }
0x3a: {  	_ = 	snop  }
0x3b: {  	_ = 	snop  }
0x3c: {  	p2 =	seq.s32 s10, $0x1;
	s10 =	sld [smem:$0x3FB6]  }
0x3d: {  	_ =	shalt  }
0x3e: {  	_ =	shalt  }
0x3f: {  	_ =	shalt  }
0x40: {  	_ =	shalt  }
0x41: {  	_ =	shalt  }
0x42: {  	_ =	shalt  }
0x43: {  	_ =	shalt  }
0x44: {  	_ =	shalt  }
0x45: {  	_ =	shalt  }
0x46: {  	_ =	shalt  }
0x47: {  	_ =	shalt  }
0x48: {  	_ =	shalt  }
0x49: {  	_ =	shalt  }
0x4a: {  	_ =	shalt  }
0x4b: {  	_ =	shalt  }
0x4c: {  	_ =	shalt  }
0x4d: {  	_ =	shalt  }
0x4e: {  	_ =	shalt  }
0x4f: {  	_ =	shalt  }
0x50: {  	_ =	shalt  }
0x51: {  	_ =	shalt  }
0x52: {  	_ =	shalt  }
0x53: {  	_ =	shalt  }
0x54: {  	_ =	shalt  }
0x55: {  	_ =	shalt  }
0x56: {  	_ =	shalt  }
0x57: {  	_ =	shalt  }
0x58: {  	_ =	shalt  }
0x59: {  	_ =	shalt  }
0x5a: {  	_ =	shalt  }
0x5b: {  	_ =	shalt  }
0x5c: {  	_ =	shalt  }
0x5d: {  	_ =	shalt  }
0x5e: {  	_ =	shalt  }
0x5f: {  	_ =	shalt  }
0x60: {  	_ =	shalt  }
0x61: {  	_ =	shalt  }
0x62: {  	_ =	shalt  }
0x63: {  	_ =	shalt  }
0x64: {  	_ =	shalt  }
0x65: {  	_ =	shalt  }
0x66: {  	_ =	shalt  }
0x67: {  	_ =	shalt  }
0x68: {  	_ =	shalt  }
0x69: {  	_ =	shalt  }
0x6a: {  	_ =	shalt  }
0x6b: {  	_ =	shalt  }
0x6c: {  	_ =	shalt  }
0x6d: {  	_ =	shalt  }
0x6e: {  	_ =	shalt  }
0x6f: {  	_ =	shalt  }
0x70: {  	_ =	shalt  }
0x71: {  	_ =	shalt  }
0x72: {  	_ =	shalt  }
0x73: {  	_ =	shalt  }
0x74: {  	_ =	shalt  }
0x75: {  	_ =	shalt  }
0x76: {  	_ =	shalt  }
0x77: {  	_ =	shalt  }
0x78: {  	_ =	shalt  }
0x79: {  	_ =	shalt  }
0x7a: {  	_ =	shalt  }
0x7b: {  	_ =	shalt  }
0x7c: {  	_ =	shalt  }
0x7d: {  	_ =	shalt  }
0x7e: {  	_ =	shalt  }
0x7f: {  	_ =	shalt  }
0x80: {  	_ =	shalt  }
0x81: {  	_ =	shalt  }
0x82: {  	_ =	shalt  }
0x83: {  	_ =	shalt  }
0x84: {  	_ =	shalt  }
0x85: {  	_ =	shalt  }
0x86: {  	_ =	shalt  }
0x87: {  	_ =	shalt  }
.Lfunc_end0:
.L_simem_size_0:
called_computation.2_lowered:
.L_overlay_start_0:
0x88: {  	s2 =	sld [smem:$0x3FD9]  }
0x89: {  	s3 =	sld [smem:$0x3FFE];
	_ =	sdelay $0x1  }
0x8a: {  	s1 =	srdreg.scid  }
0x8b: {  	s0 =	sand.u32 $0x1, s1  }
0x8c: {  	s17 =	sshll.u32 s0, $0xA;
	s2 =	sadd.s32 s3, s2  }
0x8d: {  	s2 =	sadd.s32 s2, s17  }
0x8e: {  	[smem:$0x3FC2] =	sst s2  }
0x8f: {  	_ = 	snop  }
0x90: {  	s2 =	sld [smem:$0x3FD0];
	(tm) =	ssettm $0x1  }
0x91: {  	s18 =	sld [smem:$0x3FFB];
	_ =	sdelay $0x3  }
0x92: {  	_ =	strace s18  }
0x93: {  	s3 =	sld [smem:$0x3FFC];
	_ =	sdelay $0x3  }
0x94: {  	_ =	strace s3  }
0x95: {  	s3 =	sld [smem:$0x3FFD];
	_ =	sdelay $0x3  }
0x96: {  	_ =	strace s3  }
0x97: {  	_ =	strace $0x8FFFFFFF  }
0x98: {  	s19 =	sld [smem:$0x3FDB];
	_ =	sdelay $0x1  }
0x99: {  	s4 =	simm.s32 $_scs_section_size  }
0x9a: {  	s5 =	simm.s32 $_size__tile_overlayer_lowered;
	s6 =	simm.s32 $_tile_overlayer_lowered  }
0x9b: {  	s22 =	simm.s32 $0x1BFF;
	s21 =	sshll.u32 s6, $0x1;
	s3 =	sadd.s32 s4, s19  }
0x9c: {  	s7 =	simm.s32 $0x0;
	s20 =	sshll.u32 s5, $0x1;
	s5 =	sadd.s32 s21, s3  }
0x9d: {  	[timem:s7], [sflag:s22] =	dma.local [hbm:s5], s20  }
0x9e: {  	_ =	swait.ge [sflag:s22], s20  }
0x9f: {  	s4 =	ssub.s32 $0x0, s20;
	[sflag:s22] =	ssyncset.done $0x0  }
0xa0: {  	[sflag:s22] =	ssyncadd.s32 s4;
	_ =	sdelay $0x1  }
0xa1: {  	s23 =	simm.s32 $0x1B8B  }
0xa2: {  	_ =	swait.ge [sflag:s23], $0x1  }
0xa3: {  	[sflag:s23] =	ssyncset.done $0x0  }
0xa4: {  	s25 =	simm.s32 $0x1B8E;
	s24 =	sld [smem:$0x3FFE];
	[sflag:s23] =	ssyncadd.s32 $0xFFFFFFFF  }
0xa5: {  	s26 =	simm.s32 $execute0_lowered;
	[smem:$0x3FD2] =	sst s25  }
0xa6: {  	s5 =	sshll.u32 s26, $0x1;
	_ =	strace $0x8000004C;
	[dreg:$0x1] =	wrdreg $0xFFFFFFFF  }
0xa7: {  	s28 =	simm.s32 $_size_execute0_lowered;
	s3 =	sadd.s32 s3, s5;
	[dreg:$0x0] =	wrdreg $0x0  }
0xa8: {  	s5 =	sshll.u32 s28, $0x1;
	[dreg:$0x2] =	wrdreg s3  }
0xa9: {  	[dreg:$0x3] =	wrdreg s5  }
0xaa: {  	[dreg:$0x4] =	wrdreg $0xC0  }
0xab: {  	_ =	task [dreg:s7], $0x5FFFF  }
0xac: {  	[dreg:$0x1] =	wrdreg $0xFFFFFFFF  }
0xad: {  	[dreg:$0x0] =	wrdreg $0x60  }
0xae: {  	[dreg:$0x2] =	wrdreg s2  }
0xaf: {  	[dreg:$0x3] =	wrdreg s24  }
0xb0: {  	[dreg:$0x4] =	wrdreg $0x0  }
0xb1: {  	[dreg:$0x5] =	wrdreg $0x9  }
0xb2: {  	_ =	task.clear_ibuf [dreg:s7], $0x6FFFF;
	_ =	strace $0x9000004C  }
0xb3: {  	s29 =	simm.s32 $0x9;
	_ =	strace $0x8000004E  }
0xb4: {  	_ =	swait.ge [sflag:s29], $0x1  }
0xb5: {  	[sflag:s29] =	ssyncadd.s32 $0xFFFFFFFF  }
0xb6: {  	_ =	strace $0x9000004E  }
0xb7: {  	_ =	sfence  }
0xb8: {  	s30 =	sld [smem:$0x0];
	_ =	sdelay $0x2  }
0xb9: {  	s31 =	sshll.u32 s1, $0xD;
	s1 =	sshrl.u32 s1, $0x2  }
0xba: {  	s3 =	sand.u32 $0x4000, s31;
	s1 =	sadd.s32 s1, s30  }
0xbb: {  	s0 =	sor.u32 s3, s0;
	s1 =	sshll.u32 s1, $0x11  }
0xbc: {  	s0 =	sor.u32 s1, s0  }
0xbd: {  	s0 =	sadd.s32 $0x8F2B, s0  }
0xbe: {  	[sflag:s0] =	ssyncadd.remote.s32 $0x1  }
0xbf: {  	_ =	sfence.sel $0xFFFF  }
0xc0: {  	[dreg:$0x0] =	wrdreg $0xFFFFFFFF;
	(pc) =	sbr.abs _section_cstart, $3  }
0xc1: {  	[dreg:$0x1] =	wrdreg $0xFFFFFFFF  }
0xc2: {  	_ =	task.clear_ibuf [dreg:s7], $0x2FFFF;
	_ =	strace $0x9FFFFFFF  }
0xc3: {  	(tm) =	ssettm $0x7FFFFFFF  }
tec
execute0_lowered:
.L_overlay_start_1:
0x0: {  	(tag) =	ssettag $0x1  }
0x1: {  	s1 =	rddreg [dreg:$0x0]  }
0x2: {  	s0 =	rddreg [dreg:$0x1]  }
0x3: {  	s2 =	rddreg [dreg:$0x2]  }
0x4: {  	s4 =	simm.s32 $0x0;
	s3 =	srdreg.scid;
	s9 =	stileid.u32  }
0x5: {  	s28 =	simm.s32 $0x1;
	s29 =	simm.s32 $0x2;
	s30 =	simm.s32 $0x80  }
0x6: {  	s31 =	simm.s32 $0x14300;
	s13 =	simm.s32 $0x4;
	s12 =	simm.s32 $0x14200  }
0x7: {  	s14 =	simm.s32 $0x14280;
	[smem:$0x7FF] =	sst s4;
	s5 =	sadd.s32 $0x35A00, s0  }
0x8: {  	s3 =	sand.u32 $0x1, s3;
	s6 =	smul.u32 $0x2710, s9;
	s7 =	sadd.s32 $0x3C00, s0  }
0x9: {  	s8 =	sadd.s32 $0x5DA00, s0;
	s0 =	sadd.s32 $0x85A00, s0;
	s18 =	smul.u32 $0x50000, s9  }
0xa: {  	s10 =	smul.u32 $0x2800, s9;
	_ =	strace $0x8000004D;
	[dreg:$0x4] =	wrdreg s8  }
0xb: {  	s24 =	smul.u32 $0x4E2, s9;
	s26 =	sshll.u32 s9, $0x6;
	[dreg:$0x5] =	wrdreg s0  }
0xc: {  	s15 =	ssub.s32 $0x2, s3;
	p0 =	seq.s32 s3, $0x1;
	[dreg:$0xf] =	wrdreg s26  }
0xd: {  	s16 =	sshrl.u32 s15, $0x1;
	s6 =	sshrl.u32 s6, $0x3;
	s22 =	sshrl.u32 s18, $0x2  }
0xe: {  	s23 =	sadd.s32 s1, s10;
	[dreg:$0x7] =	wrdreg s10;
	s10 =	sadd.s32 s5, s10  }
0xf: {  	s18 =	sadd.s32 s24, s7;
	s0 =	ssub.s32 s15, s16;
	[dreg:$0xa] =	wrdreg s23  }
0x10: {  	s17 =	sadd.s32 s7, s6;
	s3 =	sadd.s32 s22, s2;
	[dreg:$0xd] =	wrdreg s10  }
0x11: {  	s23 =	simm.s32 $0x14180;
	s19 =	sadd.s32 $0x4E20, s17;
	[dreg:$0x11] =	wrdreg s17  }
0x12: {  	s6 =	simm.s32 $0x6;
	s20 =	sadd.s32 $0x10, s17;
	[dreg:$0x6] =	wrdreg s19  }
0x13: {  	s7 =	simm.s32 $0x18300;
	s21 =	sadd.s32 $0x4E30, s17;
	[dreg:$0x8] =	wrdreg s20  }
0x14: {  	s16 =	simm.s32 $0x7;
	s11 =	sadd.s32 $0x4E0, s17;
	[dreg:$0x9] =	wrdreg s21  }
0x15: {  	s22 =	simm.s32 $0x8;
	s25 =	sadd.s32 $0x5300, s17;
	[dreg:$0xb] =	wrdreg s11  }
.Ltmp0:
0x16: {  	s0 =	smax.u32 s0, $0x1;
	[dreg:$0xc] =	wrdreg s25;
	(pc) =	sbr.rel .LBB2_1-.Ltmp0, $4  }
0x17: {  	s15 =	simm.s32 $0x9;
	s17 =	simm.s32 $0x0;
	[dreg:$0xe] =	wrdreg s0  }
0x18: {  	s19 =	simm.s32 $0x14000;
	s20 =	simm.s32 $0x14100;
	s21 =	simm.s32 $0x14080  }
0x19: {  	s0 =	sor.u32 $0x1C0A, s26;
	s25 =	sshrl.u32 s3, $0x3;
	s26 =	simm.s32 $0xA  }
0x1a: {  	s3 =	simm.s32 $0x5;
	[dreg:$0x10] =	wrdreg s0;
	s0 =	simm.s32 $0x3  }
.LBB2_7:
0x1b: {  	[tilespmem:s23], [sflag:$0x6] =	stream.linear.gather [hbm4b:s9+s4], $0x80, $0x38;
	[tilespmem:$0x1CB00] =	vst v63  }
0x1c: {  	s10 =	rddreg [dreg:$0x5]  }
0x1d: {  	s9 =	smov.u32 s5;
	s24 =	rddreg [dreg:$0x10]  }
.LBB2_8:
0x1e: {  	_ =	swait.ge [sflag:s0], $0x4000  }
0x1f: {  	[sflag:s0] =	ssyncset.done $0x0  }
0x20: {  	[sflag:s0] =	ssyncadd.s32 $0xFFFFC000  }
0x21: {  	[spmem:s2] =	stream.indirect.scatter.add.f32 [tilespmem:s31], [sflag:$0x4], $0x80, s20, s30, $0xb8;
	[tilespmem:$0x1CB00] =	vst v63  }
0x22: {  	_ =	swait.ge [sflag:s3], $0x80  }
0x23: {  	[sflag:s3] =	ssyncset.done $0x0  }
0x24: {  	[sflag:s3] =	ssyncadd.s32 $0xFFFFFF80  }
0x25: {  	_ =	swait.ge [sflag:s6], $0x80  }
0x26: {  	[sflag:s6] =	ssyncset.done $0x0  }
0x27: {  	[sflag:s6] =	ssyncadd.s32 $0xFFFFFF80  }
0x28: {  	[tilespmem:s7], [sflag:$0x7] =	stream.indirect.gather [hbm4b:s9+s30], $0x80, s21, s30, $0xb8;
	[tilespmem:$0x1CB00] =	vst v63  }
0x29: {  	_ =	swait.ge [sflag:s13], $0x4000  }
0x2a: {  	[sflag:s13] =	ssyncset.done $0x0  }
0x2b: {  	[sflag:s13] =	ssyncadd.s32 $0xFFFFC000  }
0x2c: {  	_ =	swait.ge [sflag:s16], $0x4000  }
0x2d: {  	[sflag:s16] =	ssyncset.done $0x0  }
0x2e: {  	[sflag:s16] =	ssyncadd.s32 $0xFFFFC000  }
0x2f: {  	[spmem:s2] =	stream.indirect.scatter.add.f32 [tilespmem:s7], [sflag:$0x8], $0x80, s23, s30, $0xb8;
	[tilespmem:$0x1CB00] =	vst v63  }
0x30: {  	_ =	swait.ge [sflag:s22], $0x4000  }
0x31: {  	[sflag:s22] =	ssyncset.done $0x0  }
0x32: {  	s11 =	rddreg [dreg:$0xb];
	[sflag:s22] =	ssyncadd.s32 $0xFFFFC000  }
0x33: {  	[tilespmem:s12], [sflag:$0xA] =	stream.linear.gather [hbm4b:s11+s4], $0x10, $0x38;
	[tilespmem:$0x1CB00] =	vst v63  }
0x34: {  	_ =	swait.ge [sflag:s26], $0x10  }
0x35: {  	[sflag:s26] =	ssyncset.done $0x0  }
0x36: {  	s8 =	rddreg [dreg:$0xc];
	[sflag:s26] =	ssyncadd.s32 $0xFFFFFFF0  }
0x37: {  	[tilespmem:s14], [sflag:$0xA] =	stream.linear.gather [hbm4b:s8+s4], $0x10, $0x38;
	[tilespmem:$0x1CB00] =	vst v63  }
0x38: {  	_ =	swait.ge [sflag:s26], $0x10  }
0x39: {  	[sflag:s26] =	ssyncset.done $0x0  }
0x3a: {  	s11 =	simm.s32 $0x10;
	s8 =	simm.s32 $0x1C300;
	[sflag:s26] =	ssyncadd.s32 $0xFFFFFFF0  }
0x3b: {  	[tilespmem:s8], [sflag:$0x9] =	stream.indirect.gather [hbm4b:s9+s11], $0x80, s12, s11, $0xb8;
	[tilespmem:$0x1CB00] =	vst v63  }
0x3c: {  	_ =	swait.ge [sflag:s15], $0x800  }
0x3d: {  	[sflag:s15] =	ssyncset.done $0x0  }
0x3e: {  	[sflag:s15] =	ssyncadd.s32 $0xFFFFF800  }
0x3f: {  	[spmem:s2] =	stream.indirect.scatter.add.f32 [tilespmem:s8], [sflag:$0xA], $0x80, s14, s11, $0xb8;
	[tilespmem:$0x1CB00] =	vst v63  }
0x40: {  	_ =	swait.ge [sflag:s26], $0x800  }
0x41: {  	[sflag:s26] =	ssyncset.done $0x0  }
0x42: {  	s11 =	rddreg [dreg:$0x7];
	[sflag:s26] =	ssyncadd.s32 $0xFFFFF800  }
0x43: {  	s9 =	sadd.s32 s10, s11;
	[bflag:$0x0] =	sbarrier.arrive $0xFFFF  }
0x44: {  	[hbm:s9], [sflag:s24] =	dma.local [spmem:s25], $0x2800  }
0x45: {  	_ =	swait.ge [sflag:s26], $0x2800  }
0x46: {  	s17 =	sadd.s32 $0x1, s17;
	s24 =	rddreg [dreg:$0xe]  }
0x47: {  	p1 =	sne.s32 s17, s24  }
.Ltmp1:
0x48: {  	_ = 	snop;
	(pc) =	sbr.rel @!p1 .LBB2_9-.Ltmp1, $3  }
0x49: {  	_ =	sdelay $0x1  }
0x4a: {  	[sflag:s26] =	ssyncset.done $0x0  }
0x4b: {  	[sflag:s26] =	ssyncadd.s32 $0xFFFFD800  }
.LBB2_1:
0x4c: {  	s8 =	rddreg [dreg:$0x11]  }
0x4d: {  	[tilespmem:s19], [sflag:$0x1] =	stream.linear.gather [hbm4b:s8+s4], $0x80, $0x38;
	[tilespmem:$0x1CB00] =	vst v63  }
0x4e: {  	s9 =	rddreg [dreg:$0x6]  }
0x4f: {  	[tilespmem:s20], [sflag:$0x2] =	stream.linear.gather [hbm4b:s9+s4], $0x80, $0x38;
	[tilespmem:$0x1CB00] =	vst v63  }
.Ltmp2:
0x50: {  	_ = 	snop;
	(pc) =	sbr.rel @!p0 .LBB2_2-.Ltmp2, $4  }
0x51: {  	s11 =	rddreg [dreg:$0x8]  }
0x52: {  	[tilespmem:s21], [sflag:$0x5] =	stream.linear.gather [hbm4b:s11+s4], $0x80, $0x38;
	[tilespmem:$0x1CB00] =	vst v63  }
0x53: {  	s24 =	rddreg [dreg:$0x9]  }
0x54: {  	[tilespmem:s23], [sflag:$0x6] =	stream.linear.gather [hbm4b:s24+s4], $0x80, $0x38;
	[tilespmem:$0x1CB00] =	vst v63  }
0x55: {  	s9 =	rddreg [dreg:$0xd]  }
0x56: {  	s10 =	rddreg [dreg:$0x10]  }
0x57: {  	[spmem:s25], [sflag:s10] =	dma.local [hbm:s9], $0x2800  }
0x58: {  	_ =	swait.ge [sflag:s26], $0x2800  }
0x59: {  	[sflag:s26] =	ssyncset.done $0x0  }
0x5a: {  	[sflag:s26] =	ssyncadd.s32 $0xFFFFD800  }
0x5b: {  	_ =	swait.ge [sflag:s28], $0x80  }
0x5c: {  	[sflag:s28] =	ssyncset.done $0x0  }
0x5d: {  	[sflag:s28] =	ssyncadd.s32 $0xFFFFFF80  }
0x5e: {  	_ =	swait.ge [sflag:s29], $0x80  }
0x5f: {  	[sflag:s29] =	ssyncset.done $0x0  }
0x60: {  	[sflag:s29] =	ssyncadd.s32 $0xFFFFFF80  }
0x61: {  	[tilespmem:s31], [sflag:$0x3] =	stream.indirect.gather [hbm4b:s5+s30], $0x80, s19, s30, $0xb8;
	[tilespmem:$0x1CB00] =	vst v63  }
0x62: {  	[bflag:$0x0] =	sbarrier.arrive $0xFFFF  }
0x63: {  	_ =	swait.ge [sflag:s0], $0x4000  }
0x64: {  	[sflag:s0] =	ssyncset.done $0x0  }
0x65: {  	[sflag:s0] =	ssyncadd.s32 $0xFFFFC000  }
0x66: {  	[spmem:s2] =	stream.indirect.scatter.add.f32 [tilespmem:s31], [sflag:$0x4], $0x80, s20, s30, $0xb8;
	[tilespmem:$0x1CB00] =	vst v63  }
0x67: {  	_ =	swait.ge [sflag:s3], $0x80  }
0x68: {  	[sflag:s3] =	ssyncset.done $0x0  }
0x69: {  	[sflag:s3] =	ssyncadd.s32 $0xFFFFFF80  }
0x6a: {  	_ =	swait.ge [sflag:s6], $0x80  }
0x6b: {  	[sflag:s6] =	ssyncset.done $0x0  }
0x6c: {  	[sflag:s6] =	ssyncadd.s32 $0xFFFFFF80  }
0x6d: {  	[tilespmem:s7], [sflag:$0x7] =	stream.indirect.gather [hbm4b:s5+s30], $0x80, s21, s30, $0xb8;
	[tilespmem:$0x1CB00] =	vst v63  }
0x6e: {  	_ =	swait.ge [sflag:s13], $0x4000  }
0x6f: {  	s9 =	sadd.s32 $0xFFFFFB40, s18;
	[sflag:s13] =	ssyncset.done $0x0  }
0x70: {  	s8 =	sadd.s32 $0x4E0, s9;
	[sflag:s13] =	ssyncadd.s32 $0xFFFFC000  }
0x71: {  	[tilespmem:s19], [sflag:$0x1] =	stream.linear.gather [hbm4b:s8+s4], $0x80, $0x38;
	[tilespmem:$0x1CB00] =	vst v63  }
0x72: {  	s11 =	sadd.s32 $0x5300, s9  }
0x73: {  	[tilespmem:s20], [sflag:$0x2] =	stream.linear.gather [hbm4b:s11+s4], $0x80, $0x38;
	[tilespmem:$0x1CB00] =	vst v63  }
0x74: {  	_ =	swait.ge [sflag:s16], $0x4000  }
0x75: {  	[sflag:s16] =	ssyncset.done $0x0  }
0x76: {  	[sflag:s16] =	ssyncadd.s32 $0xFFFFC000  }
0x77: {  	[spmem:s2] =	stream.indirect.scatter.add.f32 [tilespmem:s7], [sflag:$0x8], $0x80, s23, s30, $0xb8;
	[tilespmem:$0x1CB00] =	vst v63  }
0x78: {  	_ =	swait.ge [sflag:s28], $0x80  }
0x79: {  	[sflag:s28] =	ssyncset.done $0x0  }
0x7a: {  	[sflag:s28] =	ssyncadd.s32 $0xFFFFFF80  }
0x7b: {  	_ =	swait.ge [sflag:s29], $0x80  }
0x7c: {  	[sflag:s29] =	ssyncset.done $0x0  }
0x7d: {  	[sflag:s29] =	ssyncadd.s32 $0xFFFFFF80  }
0x7e: {  	[tilespmem:s31], [sflag:$0x3] =	stream.indirect.gather [hbm4b:s5+s30], $0x80, s19, s30, $0xb8;
	[tilespmem:$0x1CB00] =	vst v63  }
0x7f: {  	_ =	swait.ge [sflag:s22], $0x4000  }
0x80: {  	s10 =	simm.s32 $0xFFFFFB60;
	[sflag:s22] =	ssyncset.done $0x0  }
0x81: {  	s24 =	sadd.s32 $0x4F0, s9;
	s9 =	sadd.s32 $0x5310, s9;
	[sflag:s22] =	ssyncadd.s32 $0xFFFFC000  }
0x82: {  	[tilespmem:s21], [sflag:$0x5] =	stream.linear.gather [hbm4b:s24+s4], $0x80, $0x38;
	[tilespmem:$0x1CB00] =	vst v63  }
.LBB2_6:
0x83: {  	[tilespmem:s23], [sflag:$0x6] =	stream.linear.gather [hbm4b:s9+s4], $0x80, $0x38;
	[tilespmem:$0x1CB00] =	vst v63  }
0x84: {  	s9 =	smov.u32 s10  }
0x85: {  	p1 =	sne.s32 s10, $0xFFFFFFE0;
	s10 =	sadd.s32 $0x20, s10;
	_ =	swait.ge [sflag:s0], $0x4000  }
0x86: {  	[sflag:s0] =	ssyncset.done $0x0  }
0x87: {  	[sflag:s0] =	ssyncadd.s32 $0xFFFFC000  }
0x88: {  	[spmem:s2] =	stream.indirect.scatter.add.f32 [tilespmem:s31], [sflag:$0x4], $0x80, s20, s30, $0xb8;
	[tilespmem:$0x1CB00] =	vst v63  }
0x89: {  	_ =	swait.ge [sflag:s3], $0x80  }
0x8a: {  	[sflag:s3] =	ssyncset.done $0x0  }
0x8b: {  	[sflag:s3] =	ssyncadd.s32 $0xFFFFFF80  }
0x8c: {  	_ =	swait.ge [sflag:s6], $0x80  }
0x8d: {  	[sflag:s6] =	ssyncset.done $0x0  }
0x8e: {  	[sflag:s6] =	ssyncadd.s32 $0xFFFFFF80  }
0x8f: {  	[tilespmem:s7], [sflag:$0x7] =	stream.indirect.gather [hbm4b:s5+s30], $0x80, s21, s30, $0xb8;
	[tilespmem:$0x1CB00] =	vst v63  }
0x90: {  	_ =	swait.ge [sflag:s13], $0x4000  }
0x91: {  	s9 =	sadd.s32 s9, s18;
	[sflag:s13] =	ssyncset.done $0x0  }
0x92: {  	s11 =	sadd.s32 $0x4E0, s9;
	[sflag:s13] =	ssyncadd.s32 $0xFFFFC000  }
0x93: {  	[tilespmem:s19], [sflag:$0x1] =	stream.linear.gather [hbm4b:s11+s4], $0x80, $0x38;
	[tilespmem:$0x1CB00] =	vst v63  }
0x94: {  	s11 =	sadd.s32 $0x5300, s9  }
0x95: {  	[tilespmem:s20], [sflag:$0x2] =	stream.linear.gather [hbm4b:s11+s4], $0x80, $0x38;
	[tilespmem:$0x1CB00] =	vst v63  }
0x96: {  	_ =	swait.ge [sflag:s16], $0x4000  }
0x97: {  	[sflag:s16] =	ssyncset.done $0x0  }
0x98: {  	[sflag:s16] =	ssyncadd.s32 $0xFFFFC000  }
0x99: {  	[spmem:s2] =	stream.indirect.scatter.add.f32 [tilespmem:s7], [sflag:$0x8], $0x80, s23, s30, $0xb8;
	[tilespmem:$0x1CB00] =	vst v63  }
0x9a: {  	_ =	swait.ge [sflag:s28], $0x80  }
0x9b: {  	[sflag:s28] =	ssyncset.done $0x0  }
0x9c: {  	[sflag:s28] =	ssyncadd.s32 $0xFFFFFF80  }
0x9d: {  	_ =	swait.ge [sflag:s29], $0x80  }
0x9e: {  	[sflag:s29] =	ssyncset.done $0x0  }
0x9f: {  	[sflag:s29] =	ssyncadd.s32 $0xFFFFFF80  }
0xa0: {  	[tilespmem:s31], [sflag:$0x3] =	stream.indirect.gather [hbm4b:s5+s30], $0x80, s19, s30, $0xb8;
	[tilespmem:$0x1CB00] =	vst v63  }
.Ltmp3:
0xa1: {  	_ =	swait.ge [sflag:s22], $0x4000;
	(pc) =	sbr.rel @p1 .LBB2_6-.Ltmp3, $4  }
0xa2: {  	[sflag:s22] =	ssyncset.done $0x0  }
0xa3: {  	s11 =	sadd.s32 $0x4F0, s9;
	[sflag:s22] =	ssyncadd.s32 $0xFFFFC000  }
0xa4: {  	[tilespmem:s21], [sflag:$0x5] =	stream.linear.gather [hbm4b:s11+s4], $0x80, $0x38;
	[tilespmem:$0x1CB00] =	vst v63  }
0xa5: {  	s9 =	sadd.s32 $0x5310, s9  }
.Ltmp4:
0xa6: {  	_ = 	snop;
	(pc) =	sbr.rel .LBB2_7-.Ltmp4, $1  }
0xa7: {  	_ =	sdelay $0x3  }
.LBB2_2:
0xa8: {  	s9 =	rddreg [dreg:$0xf]  }
0xa9: {  	s11 =	rddreg [dreg:$0xa];
	s24 =	sor.u32 $0x1C0A, s9  }
0xaa: {  	[spmem:s25], [sflag:s24] =	dma.local [hbm:s11], $0x2800  }
0xab: {  	_ =	swait.ge [sflag:s26], $0x2800  }
0xac: {  	[sflag:s26] =	ssyncset.done $0x0  }
0xad: {  	[sflag:s26] =	ssyncadd.s32 $0xFFFFD800  }
0xae: {  	_ =	swait.ge [sflag:s28], $0x80  }
0xaf: {  	[sflag:s28] =	ssyncset.done $0x0  }
0xb0: {  	[sflag:s28] =	ssyncadd.s32 $0xFFFFFF80  }
0xb1: {  	_ =	swait.ge [sflag:s29], $0x80  }
0xb2: {  	[sflag:s29] =	ssyncset.done $0x0  }
0xb3: {  	[sflag:s29] =	ssyncadd.s32 $0xFFFFFF80  }
0xb4: {  	[tilespmem:s31], [sflag:$0x3] =	stream.indirect.gather [hbm4b:s1+s30], $0x80, s19, s30, $0xb8;
	[tilespmem:$0x1CB00] =	vst v63  }
0xb5: {  	[bflag:$0x0] =	sbarrier.arrive $0xFFFF  }
0xb6: {  	_ =	swait.ge [sflag:s0], $0x4000  }
0xb7: {  	[sflag:s0] =	ssyncset.done $0x0  }
0xb8: {  	[sflag:s0] =	ssyncadd.s32 $0xFFFFC000  }
0xb9: {  	[spmem:s2] =	stream.indirect.scatter.add.f32 [tilespmem:s31], [sflag:$0x4], $0x80, s20, s30, $0xb8;
	[tilespmem:$0x1CB00] =	vst v63  }
0xba: {  	_ =	swait.ge [sflag:s3], $0x80  }
0xbb: {  	[sflag:s3] =	ssyncset.done $0x0  }
0xbc: {  	[sflag:s3] =	ssyncadd.s32 $0xFFFFFF80  }
0xbd: {  	_ =	swait.ge [sflag:s6], $0x80  }
0xbe: {  	[sflag:s6] =	ssyncset.done $0x0  }
0xbf: {  	[sflag:s6] =	ssyncadd.s32 $0xFFFFFF80  }
0xc0: {  	[tilespmem:s7], [sflag:$0x7] =	stream.indirect.gather [hbm4b:s1+s30], $0x80, s21, s30, $0xb8;
	[tilespmem:$0x1CB00] =	vst v63  }
0xc1: {  	_ =	swait.ge [sflag:s13], $0x4000  }
0xc2: {  	s9 =	sadd.s32 $0xFFFFFB40, s18;
	[sflag:s13] =	ssyncset.done $0x0  }
0xc3: {  	s10 =	sadd.s32 $0x4E0, s9;
	[sflag:s13] =	ssyncadd.s32 $0xFFFFC000  }
0xc4: {  	[tilespmem:s19], [sflag:$0x1] =	stream.linear.gather [hbm4b:s10+s4], $0x80, $0x38;
	[tilespmem:$0x1CB00] =	vst v63  }
0xc5: {  	s8 =	sadd.s32 $0x5300, s9  }
0xc6: {  	[tilespmem:s20], [sflag:$0x2] =	stream.linear.gather [hbm4b:s8+s4], $0x80, $0x38;
	[tilespmem:$0x1CB00] =	vst v63  }
0xc7: {  	_ =	swait.ge [sflag:s16], $0x4000  }
0xc8: {  	[sflag:s16] =	ssyncset.done $0x0  }
0xc9: {  	[sflag:s16] =	ssyncadd.s32 $0xFFFFC000  }
0xca: {  	[spmem:s2] =	stream.indirect.scatter.add.f32 [tilespmem:s7], [sflag:$0x8], $0x80, s23, s30, $0xb8;
	[tilespmem:$0x1CB00] =	vst v63  }
0xcb: {  	_ =	swait.ge [sflag:s28], $0x80  }
0xcc: {  	[sflag:s28] =	ssyncset.done $0x0  }
0xcd: {  	[sflag:s28] =	ssyncadd.s32 $0xFFFFFF80  }
0xce: {  	_ =	swait.ge [sflag:s29], $0x80  }
0xcf: {  	[sflag:s29] =	ssyncset.done $0x0  }
0xd0: {  	[sflag:s29] =	ssyncadd.s32 $0xFFFFFF80  }
0xd1: {  	[tilespmem:s31], [sflag:$0x3] =	stream.indirect.gather [hbm4b:s1+s30], $0x80, s19, s30, $0xb8;
	[tilespmem:$0x1CB00] =	vst v63  }
0xd2: {  	_ =	swait.ge [sflag:s22], $0x4000  }
0xd3: {  	s11 =	sadd.s32 $0x4F0, s9;
	[sflag:s22] =	ssyncset.done $0x0  }
0xd4: {  	s9 =	sadd.s32 $0x5310, s9;
	s10 =	simm.s32 $0xFFFFFB60;
	[sflag:s22] =	ssyncadd.s32 $0xFFFFC000  }
0xd5: {  	[tilespmem:s21], [sflag:$0x5] =	stream.linear.gather [hbm4b:s11+s4], $0x80, $0x38;
	[tilespmem:$0x1CB00] =	vst v63  }
.LBB2_3:
0xd6: {  	[tilespmem:s23], [sflag:$0x6] =	stream.linear.gather [hbm4b:s9+s4], $0x80, $0x38;
	[tilespmem:$0x1CB00] =	vst v63  }
0xd7: {  	s9 =	smov.u32 s10  }
0xd8: {  	p1 =	seq.s32 s10, $0xFFFFFFE0;
	s10 =	sadd.s32 $0x20, s10;
	_ =	swait.ge [sflag:s0], $0x4000  }
0xd9: {  	[sflag:s0] =	ssyncset.done $0x0  }
0xda: {  	[sflag:s0] =	ssyncadd.s32 $0xFFFFC000  }
0xdb: {  	[spmem:s2] =	stream.indirect.scatter.add.f32 [tilespmem:s31], [sflag:$0x4], $0x80, s20, s30, $0xb8;
	[tilespmem:$0x1CB00] =	vst v63  }
0xdc: {  	_ =	swait.ge [sflag:s3], $0x80  }
0xdd: {  	[sflag:s3] =	ssyncset.done $0x0  }
0xde: {  	[sflag:s3] =	ssyncadd.s32 $0xFFFFFF80  }
0xdf: {  	_ =	swait.ge [sflag:s6], $0x80  }
0xe0: {  	[sflag:s6] =	ssyncset.done $0x0  }
0xe1: {  	[sflag:s6] =	ssyncadd.s32 $0xFFFFFF80  }
0xe2: {  	[tilespmem:s7], [sflag:$0x7] =	stream.indirect.gather [hbm4b:s1+s30], $0x80, s21, s30, $0xb8;
	[tilespmem:$0x1CB00] =	vst v63  }
0xe3: {  	_ =	swait.ge [sflag:s13], $0x4000  }
0xe4: {  	s9 =	sadd.s32 s9, s18;
	[sflag:s13] =	ssyncset.done $0x0  }
0xe5: {  	s11 =	sadd.s32 $0x4E0, s9;
	[sflag:s13] =	ssyncadd.s32 $0xFFFFC000  }
0xe6: {  	[tilespmem:s19], [sflag:$0x1] =	stream.linear.gather [hbm4b:s11+s4], $0x80, $0x38;
	[tilespmem:$0x1CB00] =	vst v63  }
0xe7: {  	s11 =	sadd.s32 $0x5300, s9  }
0xe8: {  	[tilespmem:s20], [sflag:$0x2] =	stream.linear.gather [hbm4b:s11+s4], $0x80, $0x38;
	[tilespmem:$0x1CB00] =	vst v63  }
0xe9: {  	_ =	swait.ge [sflag:s16], $0x4000  }
0xea: {  	[sflag:s16] =	ssyncset.done $0x0  }
0xeb: {  	[sflag:s16] =	ssyncadd.s32 $0xFFFFC000  }
0xec: {  	[spmem:s2] =	stream.indirect.scatter.add.f32 [tilespmem:s7], [sflag:$0x8], $0x80, s23, s30, $0xb8;
	[tilespmem:$0x1CB00] =	vst v63  }
0xed: {  	_ =	swait.ge [sflag:s28], $0x80  }
0xee: {  	[sflag:s28] =	ssyncset.done $0x0  }
0xef: {  	[sflag:s28] =	ssyncadd.s32 $0xFFFFFF80  }
0xf0: {  	_ =	swait.ge [sflag:s29], $0x80  }
0xf1: {  	[sflag:s29] =	ssyncset.done $0x0  }
0xf2: {  	[sflag:s29] =	ssyncadd.s32 $0xFFFFFF80  }
0xf3: {  	[tilespmem:s31], [sflag:$0x3] =	stream.indirect.gather [hbm4b:s1+s30], $0x80, s19, s30, $0xb8;
	[tilespmem:$0x1CB00] =	vst v63  }
.Ltmp5:
0xf4: {  	_ =	swait.ge [sflag:s22], $0x4000;
	(pc) =	sbr.rel @!p1 .LBB2_3-.Ltmp5, $4  }
0xf5: {  	[sflag:s22] =	ssyncset.done $0x0  }
0xf6: {  	s11 =	sadd.s32 $0x4F0, s9;
	[sflag:s22] =	ssyncadd.s32 $0xFFFFC000  }
0xf7: {  	[tilespmem:s21], [sflag:$0x5] =	stream.linear.gather [hbm4b:s11+s4], $0x80, $0x38;
	[tilespmem:$0x1CB00] =	vst v63  }
0xf8: {  	s9 =	sadd.s32 $0x5310, s9  }
.Ltmp6:
0xf9: {  	(pc) =	sbr.rel .LBB2_8-.Ltmp6, $3  }
0xfa: {  	_ =	sdelay $0x1  }
0xfb: {  	[tilespmem:s23], [sflag:$0x6] =	stream.linear.gather [hbm4b:s9+s4], $0x80, $0x38;
	[tilespmem:$0x1CB00] =	vst v63  }
0xfc: {  	s9 =	smov.u32 s1;
	s10 =	rddreg [dreg:$0x4]  }
.LBB2_9:
0xfd: {  	_ =	sfence.sel $0x180000  }
0xfe: {  	[bflag:$0x0] =	sbarrier.arrive $0xFFFF  }
0xff: {  	_ =	strace $0x9000004D  }
0x100: {  	s0 =	stileid.u32;
	[bflag:$0x2] =	sbarrier.arrive $0xFFFF  }
0x101: {  	p0 =	sne.s32 s0, $0x0;
	s0 =	rddreg [dreg:$0x3]  }
0x102: {  	s0 =	sadd.s32 @!p0 $0x100000, s0  }
0x103: {  	[sflag:s0] =	ssyncadd.tile.s32 @!p0 $0x1;
	_ =	shalt  }
.Lfunc_end2:
_tile_overlayer_lowered:
.L_overlay_start_2:
0x104: {  	(tag) =	ssettag $0x2  }
0x105: {  	s0 =	rddreg [dreg:$0x0];
	s2 =	stileid.u32  }
0x106: {  	s1 =	rddreg [dreg:$0x1];
	p0 =	sne.s32 s2, $0x0  }
0x107: {  	s3 =	rddreg [dreg:$0x2];
	[bflag:$0x3] =	sbarrier.arrive $0xFFFF;
	s2 =	simm.s32 @!p0 $0x1C0A  }
0x108: {  	[timem:s3], [sflag:s2] =	dma.local @!p0 [hbm:s0], s1  }
0x109: {  	s0 =	simm.s32 @!p0 $0xA  }
0x10a: {  	_ =	swait.ge @!p0 [sflag:s0], s1  }
0x10b: {  	s1 =	ssub.s32 @!p0 $0x0, s1;
	[sflag:s0] =	ssyncset.done @!p0 $0x0  }
0x10c: {  	[sflag:s0] =	ssyncadd.s32 @!p0 s1  }
0x10d: {  	[bflag:$0x3] =	sbarrier.arrive $0xFFFF  }
0x10e: {  	_ =	shalt  }

// kernel: kernel.9.cloned.1.call-start
scs
__scs_entry_jumppad:
0x0: {  	(pc) =	sbr.rel $0x88, $3  }
0x1: {  	(tag) =	ssettag $0x0;
	lr =	simm.s32 $0x1  }
0x2: {  	[smem:$0x3F9B] =	sst lr;
	_ =	strace $0xD0000000  }
0x3: {  	_ = 	snop  }
0x4: {  	_ = 	snop  }
0x5: {  	_ = 	snop  }
0x6: {  	_ = 	snop  }
0x7: {  	_ = 	snop  }
__scs_overlays_trampoline_lowered:
0x8: {  	[smem:$0x3FAA] =	sst s0  }
0x9: {  	[smem:$0x3FAB] =	sst s1  }
0xa: {  	[smem:$0x3FAC] =	sst s2  }
0xb: {  	[smem:$0x3FAD] =	sst s3  }
0xc: {  	[smem:$0x3FAE] =	sst s4  }
0xd: {  	[smem:$0x3FAF] =	sst s5  }
0xe: {  	[smem:$0x3FB0] =	sst s6  }
0xf: {  	[smem:$0x3FB1] =	sst s7  }
0x10: {  	[smem:$0x3FB2] =	sst s8  }
0x11: {  	[smem:$0x3FB3] =	sst s9;
	s0 =	simm.s32 @!p0 $0x0  }
0x12: {  	s1 =	sld [smem:$0x3F99];
	s0 =	simm.s32 @p0 $0x1  }
0x13: {  	[smem:$0x3FB4] =	sst s0;
	s0 =	simm.s32 @!p1 $0x0  }
0x14: {  	s2 =	sld [smem:$0x3F98];
	s0 =	simm.s32 @p1 $0x1  }
0x15: {  	[smem:$0x3FB5] =	sst s0;
	s0 =	simm.s32 @!p2 $0x0  }
0x16: {  	s3 =	sld [smem:$0x3FDB];
	s0 =	simm.s32 @p2 $0x1  }
0x17: {  	s4 =	simm.s32 $0x1BF5;
	[smem:$0x3FB7] =	sst s0  }
0x18: {  	s0 =	sld [smem:$0x3F9A];
	_ =	swait.ge [sflag:s4], $0x0  }
0x19: {  	s7 =	sld [smem:$0x3F9B]  }
0x1a: {  	s8 =	sadd.s32 $0xFFFFE003, lr  }
0x1b: {  	s9 =	sadd.s32 $0xFFFFFEF7, lr;
	s5 =	simm.s32 $0xFFFFFFFF;
	p2 =	slt.u32 s8, $0xFFFFF086  }
0x1c: {  	p1 =	slt.u32 s9, $0xF7A;
	s5 =	simm.s32 @!p2 $0x0  }
0x1d: {  	s5 =	simm.s32 @p1 $0x1;
	p0 =	seq.s32 s7, s2  }
0x1e: {  	s7 =	smul.u32 @!p0 $0xF7A, s2;
	p2 =	seq.s32 @!p0 s5, $0x0  }
0x1f: {  	s9 =	smul.u32 $0xF7A, s1;
	s8 =	simm.s32 @!p0 $0x1BF5;
	p2 =	por !p2, p0  }
0x20: {  	[sflag:s8] =	ssyncset.s32 @!p0 $0xFFFFF086;
	s6 =	sadd.s32 @!p0 s3, s7;
	s7 =	simm.s32 @!p0 $0x108  }
0x21: {  	s3 =	sadd.s32 s3, s9;
	s6 =	sadd.s32 @!p0 $0x88, s6;
	s7 =	simm.s32 @p2 $0x1082  }
0x22: {  	[simem:s7], [sflag:s8] =	dma.local @!p0 [hbm:s6], $0xF7A  }
0x23: {  	s9 =	sor.u32 $0xD0000000, s2;
	s6 =	simm.s32 $0x108;
	_ =	swait.ge @!p0 [sflag:s8], $0x0  }
0x24: {  	s3 =	sadd.s32 $0x88, s3;
	s6 =	simm.s32 @!p1 $0x1082;
	[sflag:s4] =	ssyncset.s32 $0xFFFFF086  }
0x25: {  	[simem:s6], [sflag:s4] =	dma.local [hbm:s3], $0xF7A  }
0x26: {  	[smem:$0x3F9B] =	sst s1;
	(tag) =	ssettag s2;
	_ =	strace s9  }
0x27: {  	s1 =	sld [smem:$0x3FAB]  }
0x28: {  	s2 =	sld [smem:$0x3FAC]  }
0x29: {  	s4 =	sld [smem:$0x3FAE]  }
0x2a: {  	p0 =	seq.s32 s5, $0x0;
	s5 =	sld [smem:$0x3FAF]  }
0x2b: {  	s6 =	sld [smem:$0x3FB0]  }
0x2c: {  	s7 =	sld [smem:$0x3FB1]  }
0x2d: {  	s3 =	simm.s32 $0x108;
	s8 =	sld [smem:$0x3FB2]  }
0x2e: {  	s3 =	simm.s32 @!p0 $0x1082;
	s9 =	sld [smem:$0x3FB3]  }
0x2f: {  	lr =	sadd.s32 s0, s3;
	s0 =	sld [smem:$0x3FAA]  }
0x30: {  	s3 =	sld [smem:$0x3FAD]  }
0x31: {  	[smem:$0x3FB6] =	sst s10  }
0x32: {  	s10 =	sld [smem:$0x3FB4];
	_ =	sdelay $0x3  }
0x33: {  	p0 =	seq.s32 s10, $0x1;
	s10 =	sld [smem:$0x3FB6];
	_ =	sdelay $0x3  }
0x34: {  	[smem:$0x3FB6] =	sst s10  }
0x35: {  	s10 =	sld [smem:$0x3FB5];
	_ =	sdelay $0x3  }
0x36: {  	p1 =	seq.s32 s10, $0x1;
	s10 =	sld [smem:$0x3FB6];
	_ =	sdelay $0x3  }
0x37: {  	[smem:$0x3FB6] =	sst s10  }
0x38: {  	s10 =	sld [smem:$0x3FB7]  }
0x39: {  	_ = 	snop;
	(pc) =	sbr.ind lr, $3  }
0x3a: {  	_ = 	snop  }
0x3b: {  	_ = 	snop  }
0x3c: {  	p2 =	seq.s32 s10, $0x1;
	s10 =	sld [smem:$0x3FB6]  }
0x3d: {  	_ =	shalt  }
0x3e: {  	_ =	shalt  }
0x3f: {  	_ =	shalt  }
0x40: {  	_ =	shalt  }
0x41: {  	_ =	shalt  }
0x42: {  	_ =	shalt  }
0x43: {  	_ =	shalt  }
0x44: {  	_ =	shalt  }
0x45: {  	_ =	shalt  }
0x46: {  	_ =	shalt  }
0x47: {  	_ =	shalt  }
0x48: {  	_ =	shalt  }
0x49: {  	_ =	shalt  }
0x4a: {  	_ =	shalt  }
0x4b: {  	_ =	shalt  }
0x4c: {  	_ =	shalt  }
0x4d: {  	_ =	shalt  }
0x4e: {  	_ =	shalt  }
0x4f: {  	_ =	shalt  }
0x50: {  	_ =	shalt  }
0x51: {  	_ =	shalt  }
0x52: {  	_ =	shalt  }
0x53: {  	_ =	shalt  }
0x54: {  	_ =	shalt  }
0x55: {  	_ =	shalt  }
0x56: {  	_ =	shalt  }
0x57: {  	_ =	shalt  }
0x58: {  	_ =	shalt  }
0x59: {  	_ =	shalt  }
0x5a: {  	_ =	shalt  }
0x5b: {  	_ =	shalt  }
0x5c: {  	_ =	shalt  }
0x5d: {  	_ =	shalt  }
0x5e: {  	_ =	shalt  }
0x5f: {  	_ =	shalt  }
0x60: {  	_ =	shalt  }
0x61: {  	_ =	shalt  }
0x62: {  	_ =	shalt  }
0x63: {  	_ =	shalt  }
0x64: {  	_ =	shalt  }
0x65: {  	_ =	shalt  }
0x66: {  	_ =	shalt  }
0x67: {  	_ =	shalt  }
0x68: {  	_ =	shalt  }
0x69: {  	_ =	shalt  }
0x6a: {  	_ =	shalt  }
0x6b: {  	_ =	shalt  }
0x6c: {  	_ =	shalt  }
0x6d: {  	_ =	shalt  }
0x6e: {  	_ =	shalt  }
0x6f: {  	_ =	shalt  }
0x70: {  	_ =	shalt  }
0x71: {  	_ =	shalt  }
0x72: {  	_ =	shalt  }
0x73: {  	_ =	shalt  }
0x74: {  	_ =	shalt  }
0x75: {  	_ =	shalt  }
0x76: {  	_ =	shalt  }
0x77: {  	_ =	shalt  }
0x78: {  	_ =	shalt  }
0x79: {  	_ =	shalt  }
0x7a: {  	_ =	shalt  }
0x7b: {  	_ =	shalt  }
0x7c: {  	_ =	shalt  }
0x7d: {  	_ =	shalt  }
0x7e: {  	_ =	shalt  }
0x7f: {  	_ =	shalt  }
0x80: {  	_ =	shalt  }
0x81: {  	_ =	shalt  }
0x82: {  	_ =	shalt  }
0x83: {  	_ =	shalt  }
0x84: {  	_ =	shalt  }
0x85: {  	_ =	shalt  }
0x86: {  	_ =	shalt  }
0x87: {  	_ =	shalt  }
.Lfunc_end0:
.L_simem_size_0:
called_computation_lowered:
.L_overlay_start_0:
0x88: {  	s2 =	sld [smem:$0x3FD9]  }
0x89: {  	s3 =	sld [smem:$0x3FFE];
	_ =	sdelay $0x1  }
0x8a: {  	s1 =	srdreg.scid  }
0x8b: {  	s0 =	sand.u32 $0x1, s1  }
0x8c: {  	s17 =	sshll.u32 s0, $0xA;
	s2 =	sadd.s32 s3, s2  }
0x8d: {  	s2 =	sadd.s32 s2, s17  }
0x8e: {  	[smem:$0x3FC2] =	sst s2  }
0x8f: {  	_ = 	snop  }
0x90: {  	s2 =	sld [smem:$0x3FD0];
	(tm) =	ssettm $0x1  }
0x91: {  	s18 =	sld [smem:$0x3FFB];
	_ =	sdelay $0x3  }
0x92: {  	_ =	strace s18  }
0x93: {  	s3 =	sld [smem:$0x3FFC];
	_ =	sdelay $0x3  }
0x94: {  	_ =	strace s3  }
0x95: {  	s3 =	sld [smem:$0x3FFD];
	_ =	sdelay $0x3  }
0x96: {  	_ =	strace s3  }
0x97: {  	_ =	strace $0x8FFFFFFF  }
0x98: {  	s19 =	sld [smem:$0x3FDB];
	_ =	sdelay $0x1  }
0x99: {  	s4 =	simm.s32 $_scs_section_size  }
0x9a: {  	s5 =	simm.s32 $_size__tile_overlayer_lowered;
	s6 =	simm.s32 $_tile_overlayer_lowered  }
0x9b: {  	s22 =	simm.s32 $0x1BFF;
	s21 =	sshll.u32 s6, $0x1;
	s3 =	sadd.s32 s4, s19  }
0x9c: {  	s7 =	simm.s32 $0x0;
	s20 =	sshll.u32 s5, $0x1;
	s5 =	sadd.s32 s21, s3  }
0x9d: {  	[timem:s7], [sflag:s22] =	dma.local [hbm:s5], s20  }
0x9e: {  	_ =	swait.ge [sflag:s22], s20  }
0x9f: {  	s4 =	ssub.s32 $0x0, s20;
	[sflag:s22] =	ssyncset.done $0x0  }
0xa0: {  	[sflag:s22] =	ssyncadd.s32 s4;
	_ =	sdelay $0x1  }
0xa1: {  	s23 =	simm.s32 $0x1B8B  }
0xa2: {  	_ =	swait.ge [sflag:s23], $0x1  }
0xa3: {  	[sflag:s23] =	ssyncset.done $0x0  }
0xa4: {  	s25 =	simm.s32 $0x1B8E;
	s24 =	sld [smem:$0x3FFE];
	[sflag:s23] =	ssyncadd.s32 $0xFFFFFFFF  }
0xa5: {  	s26 =	simm.s32 $execute0_lowered;
	[smem:$0x3FD2] =	sst s25  }
0xa6: {  	s5 =	sshll.u32 s26, $0x1;
	_ =	strace $0x80000046;
	[dreg:$0x1] =	wrdreg $0xFFFFFFFF  }
0xa7: {  	s28 =	simm.s32 $_size_execute0_lowered;
	s3 =	sadd.s32 s3, s5;
	[dreg:$0x0] =	wrdreg $0x0  }
0xa8: {  	s5 =	sshll.u32 s28, $0x1;
	[dreg:$0x2] =	wrdreg s3  }
0xa9: {  	[dreg:$0x3] =	wrdreg s5  }
0xaa: {  	[dreg:$0x4] =	wrdreg $0xC0  }
0xab: {  	_ =	task [dreg:s7], $0x5FFFF  }
0xac: {  	[dreg:$0x1] =	wrdreg $0xFFFFFFFF  }
0xad: {  	[dreg:$0x0] =	wrdreg $0x60  }
0xae: {  	[dreg:$0x2] =	wrdreg s24  }
0xaf: {  	[dreg:$0x3] =	wrdreg s2  }
0xb0: {  	[dreg:$0x4] =	wrdreg $0x9  }
0xb1: {  	_ =	task.clear_ibuf [dreg:s7], $0x5FFFF;
	_ =	strace $0x90000046  }
0xb2: {  	s29 =	simm.s32 $0x9;
	_ =	strace $0x80000048  }
0xb3: {  	_ =	swait.ge [sflag:s29], $0x1  }
0xb4: {  	[sflag:s29] =	ssyncadd.s32 $0xFFFFFFFF  }
0xb5: {  	_ =	strace $0x90000048  }
0xb6: {  	_ =	sfence  }
0xb7: {  	s30 =	sld [smem:$0x0];
	_ =	sdelay $0x2  }
0xb8: {  	s31 =	sshll.u32 s1, $0xD;
	s1 =	sshrl.u32 s1, $0x2  }
0xb9: {  	s3 =	sand.u32 $0x4000, s31;
	s1 =	sadd.s32 s1, s30  }
0xba: {  	s0 =	sor.u32 s3, s0;
	s1 =	sshll.u32 s1, $0x11  }
0xbb: {  	s0 =	sor.u32 s1, s0  }
0xbc: {  	s0 =	sadd.s32 $0x8F2B, s0  }
0xbd: {  	[sflag:s0] =	ssyncadd.remote.s32 $0x1  }
0xbe: {  	_ =	sfence.sel $0xFFFF  }
0xbf: {  	[dreg:$0x0] =	wrdreg $0xFFFFFFFF;
	(pc) =	sbr.abs _section_cstart, $3  }
0xc0: {  	[dreg:$0x1] =	wrdreg $0xFFFFFFFF  }
0xc1: {  	_ =	task.clear_ibuf [dreg:s7], $0x2FFFF;
	_ =	strace $0x9FFFFFFF  }
0xc2: {  	(tm) =	ssettm $0x7FFFFFFF  }
0xc3: {  	_ =	shalt  }
tec
execute0_lowered:
.L_overlay_start_1:
0x0: {  	(tag) =	ssettag $0x1  }
0x1: {  	s3 =	rddreg [dreg:$0x0]  }
0x2: {  	s6 =	rddreg [dreg:$0x1]  }
0x3: {  	s0 =	rddreg [dreg:$0x2];
	s4 =	srdreg.scid  }
0x4: {  	s1 =	stileid.u32;
	s2 =	simm.s32 $0x0;
	s14 =	simm.s32 $0x2  }
0x5: {  	s15 =	simm.s32 $0x3;
	s16 =	simm.s32 $0x80;
	s17 =	simm.s32 $0x400  }
0x6: {  	s18 =	simm.s32 $0x0;
	s4 =	sand.u32 $0x1, s4;
	s5 =	sshll.u32 s1, $0x1  }
0x7: {  	[smem:$0x7FF] =	sst s2;
	s9 =	sshrl.u32 s1, $0x2;
	s12 =	smul.u32 $0x2710, s1  }
0x8: {  	s10 =	sadd.s32 $0x3C00, s3;
	s5 =	sor.u32 s4, s5;
	s9 =	smul.u32 $0x14000, s9  }
0x9: {  	_ =	strace $0x80000047;
	s7 =	ssub.s32 $0x2, s4;
	s13 =	smul.u32 $0x1388, s4  }
0xa: {  	s8 =	smul.u32 $0x1388, s5;
	s26 =	sshrl.u32 s7, $0x1;
	s5 =	sshll.u32 s5, $0x7  }
0xb: {  	s7 =	ssub.s32 s7, s26;
	s5 =	sand.u32 $0x380, s5;
	s12 =	sadd.s32 s13, s12  }
0xc: {  	s13 =	simm.s32 $0x1;
	s28 =	sshrl.u32 s8, $0x3;
	s8 =	sadd.s32 $0x28478, s8  }
0xd: {  	s5 =	sor.u32 s9, s5;
	s29 =	sadd.s32 $0x27280, s12;
	s7 =	smax.u32 s7, $0x1  }
0xe: {  	s12 =	sadd.s32 $0x27200, s12;
	s11 =	sadd.s32 s10, s28;
	s8 =	sshrl.u32 s8, $0x3  }
0xf: {  	s9 =	sshrl.u32 s5, $0x3;
	s30 =	sshrl.u32 s29, $0x3;
	s31 =	sshrl.u32 s12, $0x3  }
0x10: {  	s12 =	simm.s32 $0x2880;
	s3 =	sadd.s32 $0x4E20, s11;
	s4 =	sadd.s32 $0x4E30, s11  }
0x11: {  	s5 =	sadd.s32 s10, s8;
	s6 =	sadd.s32 s6, s9;
	s8 =	sadd.s32 $0x5080, s11  }
0x12: {  	v0 =	vimm.f32 $0.0e+00;
	v1 =	vimm.f32 $1.000000000e+00;
	vm0 =	vcmask $0x3F20;
	s9 =	sadd.s32 s30, s10;
	s10 =	sadd.s32 s31, s10;
	s11 =	simm.s32 $0x2800  }
.LBB2_1:
0x13: {  	[tilespmem:s11], [sflag:$0x1] =	stream.linear.gather [hbm4b:s3+s2], $0x80, $0x38;
	[tilespmem:$0x2900] =	vst v63  }
0x14: {  	s19 =	simm.s32 $0x0  }
0x15: {  	[tilespmem:s12], [sflag:$0x2] =	stream.linear.gather [hbm4b:s4+s2], $0x80, $0x38;
	[tilespmem:$0x2900] =	vst v63  }
.LBB2_2:
0x16: {  	p0 =	sne.s32 s19, $0x9FC0  }
.Ltmp0:
0x17: {  	_ = 	snop;
	(pc) =	sbr.rel @p0 .LBB2_2-.Ltmp0, $3  }
0x18: {  	_ =	sdelay $0x1  }
0x19: {  	s20 =	sshra.s32 s19, $0x2  }
0x1a: {  	s19 =	sadd.s32 $0x40, s19;
	[tilespmem:s20+$0x0] =	vst v0  }
0x1b: {  	s19 =	simm.s32 $0x0  }
.LBB2_4:
0x1c: {  	_ =	swait.ge [sflag:s13], $0x80  }
0x1d: {  	[sflag:s13] =	ssyncset.done $0x0  }
0x1e: {  	[sflag:s13] =	ssyncadd.s32 $0xFFFFFF80  }
0x1f: {  	v2 =	vld [tilespmem:$0x2800];
	_ =	sdelay $0x7  }
0x20: {  	[tilespmem:v2+s2+$0x0] =	vst.idx.add.f32.msk $0xffff, v1  }
0x21: {  	v2 =	vld [tilespmem:$0x2810];
	_ =	sdelay $0x7  }
0x22: {  	[tilespmem:v2+s2+$0x0] =	vst.idx.add.f32.msk $0xffff, v1  }
0x23: {  	v2 =	vld [tilespmem:$0x2820];
	_ =	sdelay $0x7  }
0x24: {  	[tilespmem:v2+s2+$0x0] =	vst.idx.add.f32.msk $0xffff, v1  }
0x25: {  	v2 =	vld [tilespmem:$0x2830];
	_ =	sdelay $0x7  }
0x26: {  	[tilespmem:v2+s2+$0x0] =	vst.idx.add.f32.msk $0xffff, v1  }
0x27: {  	v2 =	vld [tilespmem:$0x2840];
	_ =	sdelay $0x7  }
0x28: {  	[tilespmem:v2+s2+$0x0] =	vst.idx.add.f32.msk $0xffff, v1  }
0x29: {  	v2 =	vld [tilespmem:$0x2850];
	_ =	sdelay $0x7  }
0x2a: {  	[tilespmem:v2+s2+$0x0] =	vst.idx.add.f32.msk $0xffff, v1  }
0x2b: {  	v2 =	vld [tilespmem:$0x2860];
	_ =	sdelay $0x7  }
0x2c: {  	[tilespmem:v2+s2+$0x0] =	vst.idx.add.f32.msk $0xffff, v1  }
0x2d: {  	v2 =	vld [tilespmem:$0x2870];
	_ =	sdelay $0x7  }
0x2e: {  	s20 =	sadd.s32 s19, s10;
	[tilespmem:v2+s2+$0x0] =	vst.idx.add.f32.msk $0xffff, v1  }
0x2f: {  	[tilespmem:s11], [sflag:$0x1] =	stream.linear.gather [hbm4b:s20+s2], $0x80, $0x38;
	[tilespmem:$0x2900] =	vst v63  }
0x30: {  	_ =	swait.ge [sflag:s14], $0x80  }
0x31: {  	[sflag:s14] =	ssyncset.done $0x0  }
0x32: {  	[sflag:s14] =	ssyncadd.s32 $0xFFFFFF80  }
0x33: {  	v2 =	vld [tilespmem:$0x2880];
	_ =	sdelay $0x7  }
0x34: {  	[tilespmem:v2+s2+$0x0] =	vst.idx.add.f32.msk $0xffff, v1  }
0x35: {  	v2 =	vld [tilespmem:$0x2890];
	_ =	sdelay $0x7  }
0x36: {  	[tilespmem:v2+s2+$0x0] =	vst.idx.add.f32.msk $0xffff, v1  }
0x37: {  	v2 =	vld [tilespmem:$0x28A0];
	_ =	sdelay $0x7  }
0x38: {  	[tilespmem:v2+s2+$0x0] =	vst.idx.add.f32.msk $0xffff, v1  }
0x39: {  	v2 =	vld [tilespmem:$0x28B0];
	_ =	sdelay $0x7  }
0x3a: {  	[tilespmem:v2+s2+$0x0] =	vst.idx.add.f32.msk $0xffff, v1  }
0x3b: {  	v2 =	vld [tilespmem:$0x28C0];
	_ =	sdelay $0x7  }
0x3c: {  	[tilespmem:v2+s2+$0x0] =	vst.idx.add.f32.msk $0xffff, v1  }
0x3d: {  	v2 =	vld [tilespmem:$0x28D0];
	_ =	sdelay $0x7  }
0x3e: {  	[tilespmem:v2+s2+$0x0] =	vst.idx.add.f32.msk $0xffff, v1  }
0x3f: {  	v2 =	vld [tilespmem:$0x28E0];
	_ =	sdelay $0x7  }
0x40: {  	[tilespmem:v2+s2+$0x0] =	vst.idx.add.f32.msk $0xffff, v1  }
0x41: {  	v2 =	vld [tilespmem:$0x28F0];
	_ =	sdelay $0x3  }
0x42: {  	p0 =	sne.s32 s19, $0x220  }
.Ltmp1:
0x43: {  	_ = 	snop;
	(pc) =	sbr.rel @p0 .LBB2_4-.Ltmp1, $3  }
0x44: {  	_ =	sdelay $0x1  }
0x45: {  	s31 =	sadd.s32 s19, s9;
	s19 =	sadd.s32 $0x20, s19;
	[tilespmem:v2+s2+$0x0] =	vst.idx.add.f32.msk $0xffff, v1  }
0x46: {  	[tilespmem:s12], [sflag:$0x2] =	stream.linear.gather [hbm4b:s31+s2], $0x80, $0x38;
	[tilespmem:$0x2900] =	vst v63  }
0x47: {  	_ =	swait.ge [sflag:s13], $0x80  }
0x48: {  	[sflag:s13] =	ssyncset.done $0x0  }
0x49: {  	[sflag:s13] =	ssyncadd.s32 $0xFFFFFF80  }
0x4a: {  	v2 =	vld [tilespmem:$0x2800];
	_ =	sdelay $0x7  }
0x4b: {  	[tilespmem:v2+s2+$0x0] =	vst.idx.add.f32.msk $0xffff, v1  }
0x4c: {  	v2 =	vld [tilespmem:$0x2810];
	_ =	sdelay $0x7  }
0x4d: {  	[tilespmem:v2+s2+$0x0] =	vst.idx.add.f32.msk $0xffff, v1  }
0x4e: {  	v2 =	vld [tilespmem:$0x2820];
	_ =	sdelay $0x7  }
0x4f: {  	[tilespmem:v2+s2+$0x0] =	vst.idx.add.f32.msk $0xffff, v1  }
0x50: {  	v2 =	vld [tilespmem:$0x2830];
	_ =	sdelay $0x7  }
0x51: {  	[tilespmem:v2+s2+$0x0] =	vst.idx.add.f32.msk $0xffff, v1  }
0x52: {  	v2 =	vld [tilespmem:$0x2840];
	_ =	sdelay $0x7  }
0x53: {  	[tilespmem:v2+s2+$0x0] =	vst.idx.add.f32.msk $0xffff, v1  }
0x54: {  	v2 =	vld [tilespmem:$0x2850];
	_ =	sdelay $0x7  }
0x55: {  	[tilespmem:v2+s2+$0x0] =	vst.idx.add.f32.msk $0xffff, v1  }
0x56: {  	v2 =	vld [tilespmem:$0x2860];
	_ =	sdelay $0x7  }
0x57: {  	[tilespmem:v2+s2+$0x0] =	vst.idx.add.f32.msk $0xffff, v1  }
0x58: {  	v2 =	vld [tilespmem:$0x2870];
	_ =	sdelay $0x7  }
0x59: {  	[tilespmem:v2+s2+$0x0] =	vst.idx.add.f32.msk $0xffff, v1  }
0x5a: {  	[tilespmem:s11], [sflag:$0x1] =	stream.linear.gather [hbm4b:s8+s2], $0x80, $0x38;
	[tilespmem:$0x2900] =	vst v63  }
0x5b: {  	_ =	swait.ge [sflag:s14], $0x80  }
0x5c: {  	[sflag:s14] =	ssyncset.done $0x0  }
0x5d: {  	[sflag:s14] =	ssyncadd.s32 $0xFFFFFF80  }
0x5e: {  	v2 =	vld [tilespmem:$0x2880];
	_ =	sdelay $0x7  }
0x5f: {  	[tilespmem:v2+s2+$0x0] =	vst.idx.add.f32.msk $0xffff, v1  }
0x60: {  	v2 =	vld [tilespmem:$0x2890];
	_ =	sdelay $0x7  }
0x61: {  	[tilespmem:v2+s2+$0x0] =	vst.idx.add.f32.msk $0xffff, v1  }
0x62: {  	v2 =	vld [tilespmem:$0x28A0];
	_ =	sdelay $0x7  }
0x63: {  	[tilespmem:v2+s2+$0x0] =	vst.idx.add.f32.msk $0xffff, v1  }
0x64: {  	v2 =	vld [tilespmem:$0x28B0];
	_ =	sdelay $0x7  }
0x65: {  	[tilespmem:v2+s2+$0x0] =	vst.idx.add.f32.msk $0xffff, v1  }
0x66: {  	v2 =	vld [tilespmem:$0x28C0];
	_ =	sdelay $0x7  }
0x67: {  	[tilespmem:v2+s2+$0x0] =	vst.idx.add.f32.msk $0xffff, v1  }
0x68: {  	v2 =	vld [tilespmem:$0x28D0];
	_ =	sdelay $0x7  }
0x69: {  	[tilespmem:v2+s2+$0x0] =	vst.idx.add.f32.msk $0xffff, v1  }
0x6a: {  	v2 =	vld [tilespmem:$0x28E0];
	_ =	sdelay $0x7  }
0x6b: {  	[tilespmem:v2+s2+$0x0] =	vst.idx.add.f32.msk $0xffff, v1  }
0x6c: {  	v2 =	vld [tilespmem:$0x28F0];
	_ =	sdelay $0x7  }
0x6d: {  	[tilespmem:v2+s2+$0x0] =	vst.idx.add.f32.msk $0xffff, v1  }
0x6e: {  	_ =	swait.ge [sflag:s13], $0x80  }
0x6f: {  	[sflag:s13] =	ssyncset.done $0x0  }
0x70: {  	[sflag:s13] =	ssyncadd.s32 $0xFFFFFF80  }
0x71: {  	v2 =	vld [tilespmem:$0x2800];
	_ =	sdelay $0x7  }
0x72: {  	[tilespmem:v2+s2+$0x0] =	vst.idx.add.f32.msk $0xffff, v1  }
0x73: {  	v2 =	vld [tilespmem:$0x2810];
	_ =	sdelay $0x7  }
0x74: {  	[tilespmem:v2+s2+$0x0] =	vst.idx.add.f32.msk $0xffff, v1  }
0x75: {  	v2 =	vld [tilespmem:$0x2820];
	_ =	sdelay $0x7  }
0x76: {  	[tilespmem:v2+s2+$0x0] =	vst.idx.add.f32.msk $0xffff, v1  }
0x77: {  	v2 =	vld [tilespmem:$0x2830];
	_ =	sdelay $0x7  }
0x78: {  	[tilespmem:v2+s2+$0x0] =	vst.idx.add.f32.msk $0xffff, v1  }
0x79: {  	v2 =	vld [tilespmem:$0x2840];
	_ =	sdelay $0x7  }
0x7a: {  	[tilespmem:v2+s2+$0x0] =	vst.idx.add.f32.msk $0xffff, v1  }
0x7b: {  	v2 =	vld [tilespmem:$0x2850];
	_ =	sdelay $0x7  }
0x7c: {  	[tilespmem:v2+s2+$0x0] =	vst.idx.add.f32.msk $0xffff, v1  }
0x7d: {  	v2 =	vld [tilespmem:$0x2860];
	_ =	sdelay $0x7  }
0x7e: {  	[tilespmem:v2+s2+$0x0] =	vst.idx.add.f32.msk $0xffff, v1  }
0x7f: {  	v2 =	vld [tilespmem:$0x2870];
	_ =	sdelay $0x7  }
0x80: {  	[tilespmem:v2+s2+$0x0] =	vst.idx.add.f32.msk $0xffff, v1  }
0x81: {  	[tilespmem:s12], [sflag:$0x3] =	stream.linear.gather [hbm4b:s5+s2], $0x10, $0x38;
	[tilespmem:$0x2900] =	vst v63  }
0x82: {  	_ =	swait.ge [sflag:s15], $0x10  }
0x83: {  	[sflag:s15] =	ssyncset.done $0x0  }
0x84: {  	[sflag:s15] =	ssyncadd.s32 $0xFFFFFFF0  }
0x85: {  	v2 =	vld [tilespmem:$0x2880];
	_ =	sdelay $0x5  }
0x86: {  	s18 =	sadd.s32 $0x1, s18  }
0x87: {  	p0 =	sne.s32 s18, s7  }
.Ltmp2:
0x88: {  	[tilespmem:v2+s2+$0x0] =	vst.idx.add.f32.msk vm0, v1;
	(pc) =	sbr.rel @p0 .LBB2_1-.Ltmp2, $4  }
0x89: {  	[hbm4b:s6+s16] =	stream.strided.scatter [tilespmem:s2], [sflag:$0x3], $0x2800, s17, s16, $0x38;
	[tilespmem:$0x2900] =	vst v63  }
0x8a: {  	_ =	swait.ge [sflag:s15], $0x2800  }
0x8b: {  	[sflag:s15] =	ssyncset.done $0x0  }
0x8c: {  	[sflag:s15] =	ssyncadd.s32 $0xFFFFD800  }
0x8d: {  	_ =	sfence.sel $0x180000  }
0x8e: {  	[bflag:$0x0] =	sbarrier.arrive $0xFFFF  }
0x8f: {  	p0 =	sne.s32 s1, $0x0;
	_ =	strace $0x90000047  }
0x90: {  	s0 =	sadd.s32 @!p0 $0x100000, s0;
	[bflag:$0x2] =	sbarrier.arrive $0xFFFF  }
0x91: {  	[sflag:s0] =	ssyncadd.tile.s32 @!p0 $0x1;
	_ =	shalt  }
.Lfunc_end2:
_tile_overlayer_lowered:
.L_overlay_start_2:
0x92: {  	(tag) =	ssettag $0x2  }
0x93: {  	s0 =	rddreg [dreg:$0x0];
	s2 =	stileid.u32  }
0x94: {  	s1 =	rddreg [dreg:$0x1];
	p0 =	sne.s32 s2, $0x0  }
0x95: {  	s3 =	rddreg [dreg:$0x2];
	[bflag:$0x3] =	sbarrier.arrive $0xFFFF;
	s2 =	simm.s32 @!p0 $0x1C03  }
0x96: {  	[timem:s3], [sflag:s2] =	dma.local @!p0 [hbm:s0], s1  }
0x97: {  	s0 =	simm.s32 @!p0 $0x3  }
0x98: {  	_ =	swait.ge @!p0 [sflag:s0], s1  }
0x99: {  	s1 =	ssub.s32 @!p0 $0x0, s1;
	[sflag:s0] =	ssyncset.done @!p0 $0x0  }
0x9a: {  	[sflag:s0] =	ssyncadd.s32 @!p0 s1  }
0x9b: {  	[bflag:$0x3] =	sbarrier.arrive $0xFFFF  }
0x9c: {  	_ =	shalt  }

</sc_bundles>
